<compile_context>
chip_gen: v7x
topology: tpu7x:2x2x1
jax: 0.10.2.dev20260603
libtpu: 0.0.44.dev20260713+nightly
codegen_flags: <defaults>
</compile_context>

<pallas_src>
import math

import jax
import jax.numpy as jnp
from jax import lax
from jax.experimental import pallas as pl
from jax.experimental.pallas import tpu as pltpu
from jax.experimental.pallas import tpu_sc as plsc
from jax.experimental import layout as jex_layout

D = 64
NUM_WORKERS = 32
SEQ = 200
BPW = 4096 // NUM_WORKERS
SCALE = math.sqrt(64.0)
LANES = 16
SPLITS = ((0, 128), (128, 72))


def _emb_body(x_hbm, tab_hbm, out_hbm, idx_v, rows_v,
              isem0, isem1, gsem0, gsem1, osem0, osem1):
    c = lax.axis_index("c")
    s = lax.axis_index("s")
    wid = s * 2 + c
    isems = (isem0, isem1)
    gsems = (gsem0, gsem1)
    osems = (osem0, osem1)

    def fire_stage(j, slot):
        pltpu.async_copy(x_hbm.at[wid * BPW + j], idx_v.at[slot],
                         isems[slot])

    def wait_stage(slot):
        pltpu.make_async_copy(x_hbm.at[wid * BPW], idx_v.at[slot],
                              isems[slot]).wait()

    def fire_gather(slot):
        for off, n in SPLITS:
            pltpu.async_copy(
                tab_hbm.at[idx_v.at[slot].at[pl.ds(off, n)]],
                rows_v.at[slot].at[pl.ds(off, n)],
                gsems[slot],
            )

    def wait_gather(slot):
        for off, n in SPLITS:
            pltpu.make_async_copy(
                tab_hbm.at[idx_v.at[slot].at[pl.ds(off, n)]],
                rows_v.at[slot].at[pl.ds(off, n)],
                gsems[slot],
            ).wait()

    def fire_out(j, slot):
        pltpu.async_copy(
            rows_v.at[slot],
            out_hbm.at[wid * BPW + j].at[:, pl.ds(0, D)],
            osems[slot],
        )

    def wait_out(j, slot):
        pltpu.make_async_copy(
            rows_v.at[slot],
            out_hbm.at[wid * BPW + j].at[:, pl.ds(0, D)],
            osems[slot],
        ).wait()

    def scale(slot):
        def group_body(k, carry):
            for i in range(8):
                r = k * 8 + i
                for cc in range(D // LANES):
                    sl = pl.ds(cc * LANES, LANES)
                    rows_v[slot, r, sl] = rows_v[slot, r, sl] * SCALE
            return carry

        lax.fori_loop(0, SEQ // 8, group_body, 0)

    fire_stage(0, 0)
    wait_stage(0)
    fire_gather(0)
    fire_stage(1, 1)

    def body(j2, carry):
        for b in range(2):
            j = j2 * 2 + b
            other = 1 - b

            @pl.when(j2 * 2 + b < BPW - 1)
            def _():
                wait_stage(other)

                if b == 0:
                    @pl.when(j2 >= 1)
                    def _():
                        wait_out(j - 1, other)
                else:
                    wait_out(j - 1, other)

                fire_gather(other)

                @pl.when(j2 * 2 + b < BPW - 2)
                def _():
                    fire_stage(j + 2, b)

            wait_gather(b)
            scale(b)
            fire_out(j, b)
        return carry

    lax.fori_loop(0, BPW // 2, body, 0)
    wait_out(BPW - 2, 0)
    wait_out(BPW - 1, 1)


@jax.jit
def kernel(x, table):
    rows, cols = x.shape
    table = jex_layout.with_layout_constraint(
        table,
        jex_layout.Layout(major_to_minor=(1, 0), tiling=((8,), (1024,))),
    )
    mesh = plsc.VectorSubcoreMesh(core_axis_name="c", subcore_axis_name="s")
    padded = pl.kernel(
        _emb_body,
        out_type=jax.ShapeDtypeStruct((rows, cols, 2 * D), jnp.float32),
        mesh=mesh,
        compiler_params=pltpu.CompilerParams(use_tc_tiling_on_sc=False),
        scratch_types=[
            pltpu.VMEM((2, SEQ), jnp.int32),
            pltpu.VMEM((2, SEQ, D), jnp.float32),
            pltpu.SemaphoreType.DMA,
            pltpu.SemaphoreType.DMA,
            pltpu.SemaphoreType.DMA,
            pltpu.SemaphoreType.DMA,
            pltpu.SemaphoreType.DMA,
            pltpu.SemaphoreType.DMA,
        ],
    )(x, table)
    return padded[:, :, :D]

# --- scband reference (transcript-rebuilt; emitter-appended) ---
"""Pipeline reference for scband-input-embedding-60859686584350 (READ-ONLY COPY).

The authoritative reference and input builder live on the scoring server;
editing this copy changes nothing except your own understanding.
"""

import jax, jax.numpy as jnp
import numpy as np
import math

D_MODEL = 64
VOCAB_SIZE = 1000000

def setup_inputs(seed: int = 0) -> dict:
    key = jax.random.key(seed)
    k_idx, k_tab = jax.random.split(key)
    x = jax.random.randint(k_idx, (4096, 200), 0, VOCAB_SIZE, dtype=jnp.int64 if jax.config.jax_enable_x64 else jnp.int32)
    table = jax.random.normal(k_tab, (VOCAB_SIZE, D_MODEL), dtype=jnp.float32)
    return {"x": x, "table": table}

def reference(x, table):
    # embedding lookup scaled by sqrt(d_model), as in 'Attention is All You Need'
    emb = jnp.take(table, x, axis=0)
    return emb * math.sqrt(D_MODEL)

if __name__ == "__main__":
    import jax
    _d = setup_inputs()
    print(jax.jit(kernel)(*tuple(_d.values())))

</pallas_src>

<mosaic_0001>
#map = affine_map<(d0, d1) -> (0, 0)>
#map1 = affine_map<(d0, d1) -> (0, 0, 0)>
module attributes {stable_mosaic.version = 14 : i64} {
  func.func @_emb_body(%arg0: i32, %arg1: i32, %arg2: memref<4096x200xi32, #tpu.memory_space<hbm>>, %arg3: memref<1000000x64xf32, #tpu.memory_space<hbm>>, %arg4: memref<4096x200x128xf32, #tpu.memory_space<hbm>>, %arg5: memref<2x200xi32, #tpu.memory_space<vmem>>, %arg6: memref<2x200x64xf32, #tpu.memory_space<vmem>>, %arg7: memref<!tpu.dma_semaphore, #tpu.memory_space<semaphore_mem>>, %arg8: memref<!tpu.dma_semaphore, #tpu.memory_space<semaphore_mem>>, %arg9: memref<!tpu.dma_semaphore, #tpu.memory_space<semaphore_mem>>, %arg10: memref<!tpu.dma_semaphore, #tpu.memory_space<semaphore_mem>>, %arg11: memref<!tpu.dma_semaphore, #tpu.memory_space<semaphore_mem>>, %arg12: memref<!tpu.dma_semaphore, #tpu.memory_space<semaphore_mem>>) attributes {dimension_semantics = [#tpu.dimension_semantics<core_parallel>, #tpu.dimension_semantics<subcore_parallel>], iteration_bounds = array<i64: 2, 16>, scalar_prefetch = 0 : i64, scratch_operands = 8 : i64, tpu.core_type = #tpu.core_type<sc_vector_subcore>, window_params = [{transform_indices = #map}, {transform_indices = #map}, {transform_indices = #map1}]} {
    %mul3A = arith.constant 2 : i32
    %mul3A_0 = arith.muli %arg1, %mul3A : i32
    %add3A = arith.addi %mul3A_0, %arg0 : i32
    %mul3A_1 = arith.constant 128 : i32
    %mul3A_2 = arith.muli %add3A, %mul3A_1 : i32
    %add3A_3 = arith.constant 0 : i32
    %add3A_4 = arith.addi %mul3A_2, %add3A_3 : i32
    %dma_start3A = arith.constant 0 : i32
    %dma_start3A_5 = arith.constant 0 : i32
    %dma_start3A_6 = tpu.memref_slice %arg5[%dma_start3A, %dma_start3A_5] : memref<2x200xi32, #tpu.memory_space<vmem>> -> memref<1x200xi32, #tpu.memory_space<vmem>>
    %dma_start3A_7 = tpu.memref_squeeze %dma_start3A_6 : memref<1x200xi32, #tpu.memory_space<vmem>> -> memref<200xi32, #tpu.memory_space<vmem>>
    %dma_start3A_8 = arith.constant 0 : i32
    %dma_start3A_9 = tpu.memref_slice %arg2[%add3A_4, %dma_start3A_8] : memref<4096x200xi32, #tpu.memory_space<hbm>> -> memref<1x200xi32, #tpu.memory_space<hbm>>
    %dma_start3A_10 = tpu.memref_squeeze %dma_start3A_9 : memref<1x200xi32, #tpu.memory_space<hbm>> -> memref<200xi32, #tpu.memory_space<hbm>>
    %dma_start3A_11 = arith.constant 0 : i32
    %dma_start3A_12 = tpu.memref_slice %arg5[%dma_start3A, %dma_start3A_11] : memref<2x200xi32, #tpu.memory_space<vmem>> -> memref<1x200xi32, #tpu.memory_space<vmem>>
    %dma_start3A_13 = tpu.memref_squeeze %dma_start3A_12 : memref<1x200xi32, #tpu.memory_space<vmem>> -> memref<200xi32, #tpu.memory_space<vmem>>
    %dma_start3A_14 = arith.constant 0 : i32
    %dma_start3A_15 = tpu.memref_slice %arg2[%add3A_4, %dma_start3A_14] : memref<4096x200xi32, #tpu.memory_space<hbm>> -> memref<1x200xi32, #tpu.memory_space<hbm>>
    %dma_start3A_16 = tpu.memref_squeeze %dma_start3A_15 : memref<1x200xi32, #tpu.memory_space<hbm>> -> memref<200xi32, #tpu.memory_space<hbm>>
    tpu.enqueue_dma source(%dma_start3A_16 : memref<200xi32, #tpu.memory_space<hbm>>) target(%dma_start3A_13 : memref<200xi32, #tpu.memory_space<vmem>>) target_semaphore(%arg7 : memref<!tpu.dma_semaphore, #tpu.memory_space<semaphore_mem>>)
    %mul3A_17 = arith.constant 128 : i32
    %mul3A_18 = arith.muli %add3A, %mul3A_17 : i32
    %dma_wait3A = arith.constant 0 : i32
    %dma_wait3A_19 = arith.constant 0 : i32
    %dma_wait3A_20 = tpu.memref_slice %arg5[%dma_wait3A, %dma_wait3A_19] : memref<2x200xi32, #tpu.memory_space<vmem>> -> memref<1x200xi32, #tpu.memory_space<vmem>>
    %dma_wait3A_21 = tpu.memref_squeeze %dma_wait3A_20 : memref<1x200xi32, #tpu.memory_space<vmem>> -> memref<200xi32, #tpu.memory_space<vmem>>
    %dma_wait3A_22 = arith.constant 0 : i32
    %dma_wait3A_23 = tpu.memref_slice %arg2[%mul3A_18, %dma_wait3A_22] : memref<4096x200xi32, #tpu.memory_space<hbm>> -> memref<1x200xi32, #tpu.memory_space<hbm>>
    %dma_wait3A_24 = tpu.memref_squeeze %dma_wait3A_23 : memref<1x200xi32, #tpu.memory_space<hbm>> -> memref<200xi32, #tpu.memory_space<hbm>>
    %dma_wait3A_25 = arith.constant 0 : i32
    %dma_wait3A_26 = tpu.memref_slice %arg5[%dma_wait3A, %dma_wait3A_25] : memref<2x200xi32, #tpu.memory_space<vmem>> -> memref<1x200xi32, #tpu.memory_space<vmem>>
    %dma_wait3A_27 = tpu.memref_squeeze %dma_wait3A_26 : memref<1x200xi32, #tpu.memory_space<vmem>> -> memref<200xi32, #tpu.memory_space<vmem>>
    %dma_wait3A_28 = arith.constant 0 : i32
    %dma_wait3A_29 = tpu.memref_slice %arg2[%mul3A_18, %dma_wait3A_28] : memref<4096x200xi32, #tpu.memory_space<hbm>> -> memref<1x200xi32, #tpu.memory_space<hbm>>
    %dma_wait3A_30 = tpu.memref_squeeze %dma_wait3A_29 : memref<1x200xi32, #tpu.memory_space<hbm>> -> memref<200xi32, #tpu.memory_space<hbm>>
    tpu.wait_dma2 semaphore(%arg7 : memref<!tpu.dma_semaphore, #tpu.memory_space<semaphore_mem>>) src(%dma_wait3A_30 : memref<200xi32, #tpu.memory_space<hbm>>) dst(%dma_wait3A_27 : memref<200xi32, #tpu.memory_space<vmem>>)
    %dma_start3A_31 = arith.constant 0 : i32
    %dma_start3A_32 = arith.constant 0 : i32
    %dma_start3A_33 = arith.constant 0 : i32
    %dma_start3A_34 = arith.constant 0 : i32
    %dma_start3A_35 = tpu.memref_slice %arg6[%dma_start3A_32, %dma_start3A_33, %dma_start3A_34] : memref<2x200x64xf32, #tpu.memory_space<vmem>> -> memref<1x200x64xf32, #tpu.memory_space<vmem>>
    %dma_start3A_36 = tpu.memref_squeeze %dma_start3A_35 : memref<1x200x64xf32, #tpu.memory_space<vmem>> -> memref<200x64xf32, #tpu.memory_space<vmem>>
    %dma_start3A_37 = arith.constant 0 : i32
    %dma_start3A_38 = arith.constant 0 : i32
    %dma_start3A_39 = tpu.memref_slice %dma_start3A_36[%dma_start3A_37, %dma_start3A_38] : memref<200x64xf32, #tpu.memory_space<vmem>> -> memref<128x64xf32, #tpu.memory_space<vmem>>
    %dma_start3A_40 = arith.constant 0 : i32
    %dma_start3A_41 = tpu.memref_slice %arg5[%dma_start3A_31, %dma_start3A_40] : memref<2x200xi32, #tpu.memory_space<vmem>> -> memref<1x200xi32, #tpu.memory_space<vmem>>
    %dma_start3A_42 = tpu.memref_squeeze %dma_start3A_41 : memref<1x200xi32, #tpu.memory_space<vmem>> -> memref<200xi32, #tpu.memory_space<vmem>>
    %dma_start3A_43 = arith.constant 0 : i32
    %dma_start3A_44 = tpu.memref_slice %dma_start3A_42[%dma_start3A_43] : memref<200xi32, #tpu.memory_space<vmem>> -> memref<128xi32, #tpu.memory_space<vmem>>
    %dma_start3A_45 = arith.constant 0 : i32
    %dma_start3A_46 = arith.constant 0 : i32
    %dma_start3A_47 = tpu.memref_slice %arg3[%dma_start3A_45, %dma_start3A_46] : memref<1000000x64xf32, #tpu.memory_space<hbm>> -> memref<1000000x64xf32, #tpu.memory_space<hbm>>
    tpu.enqueue_indirect_dma source(%dma_start3A_47 : memref<1000000x64xf32, #tpu.memory_space<hbm>>) target(%dma_start3A_39 : memref<128x64xf32, #tpu.memory_space<vmem>>) offsets(%dma_start3A_44 : memref<128xi32, #tpu.memory_space<vmem>>) semaphore(%arg9 : memref<!tpu.dma_semaphore, #tpu.memory_space<semaphore_mem>>)
    %dma_start3A_48 = arith.constant 0 : i32
    %dma_start3A_49 = arith.constant 0 : i32
    %dma_start3A_50 = arith.constant 0 : i32
    %dma_start3A_51 = arith.constant 0 : i32
    %dma_start3A_52 = tpu.memref_slice %arg6[%dma_start3A_49, %dma_start3A_50, %dma_start3A_51] : memref<2x200x64xf32, #tpu.memory_space<vmem>> -> memref<1x200x64xf32, #tpu.memory_space<vmem>>
    %dma_start3A_53 = tpu.memref_squeeze %dma_start3A_52 : memref<1x200x64xf32, #tpu.memory_space<vmem>> -> memref<200x64xf32, #tpu.memory_space<vmem>>
    %dma_start3A_54 = arith.constant 128 : i32
    %dma_start3A_55 = arith.constant 0 : i32
    %dma_start3A_56 = tpu.memref_slice %dma_start3A_53[%dma_start3A_54, %dma_start3A_55] : memref<200x64xf32, #tpu.memory_space<vmem>> -> memref<72x64xf32, #tpu.memory_space<vmem>>
    %dma_start3A_57 = arith.constant 0 : i32
    %dma_start3A_58 = tpu.memref_slice %arg5[%dma_start3A_48, %dma_start3A_57] : memref<2x200xi32, #tpu.memory_space<vmem>> -> memref<1x200xi32, #tpu.memory_space<vmem>>
    %dma_start3A_59 = tpu.memref_squeeze %dma_start3A_58 : memref<1x200xi32, #tpu.memory_space<vmem>> -> memref<200xi32, #tpu.memory_space<vmem>>
    %dma_start3A_60 = arith.constant 128 : i32
    %dma_start3A_61 = tpu.memref_slice %dma_start3A_59[%dma_start3A_60] : memref<200xi32, #tpu.memory_space<vmem>> -> memref<72xi32, #tpu.memory_space<vmem>>
    %dma_start3A_62 = arith.constant 0 : i32
    %dma_start3A_63 = arith.constant 0 : i32
    %dma_start3A_64 = tpu.memref_slice %arg3[%dma_start3A_62, %dma_start3A_63] : memref<1000000x64xf32, #tpu.memory_space<hbm>> -> memref<1000000x64xf32, #tpu.memory_space<hbm>>
    tpu.enqueue_indirect_dma source(%dma_start3A_64 : memref<1000000x64xf32, #tpu.memory_space<hbm>>) target(%dma_start3A_56 : memref<72x64xf32, #tpu.memory_space<vmem>>) offsets(%dma_start3A_61 : memref<72xi32, #tpu.memory_space<vmem>>) semaphore(%arg9 : memref<!tpu.dma_semaphore, #tpu.memory_space<semaphore_mem>>)
    %mul3A_65 = arith.constant 128 : i32
    %mul3A_66 = arith.muli %add3A, %mul3A_65 : i32
    %add3A_67 = arith.constant 1 : i32
    %add3A_68 = arith.addi %mul3A_66, %add3A_67 : i32
    %dma_start3A_69 = arith.constant 1 : i32
    %dma_start3A_70 = arith.constant 0 : i32
    %dma_start3A_71 = tpu.memref_slice %arg5[%dma_start3A_69, %dma_start3A_70] : memref<2x200xi32, #tpu.memory_space<vmem>> -> memref<1x200xi32, #tpu.memory_space<vmem>>
    %dma_start3A_72 = tpu.memref_squeeze %dma_start3A_71 : memref<1x200xi32, #tpu.memory_space<vmem>> -> memref<200xi32, #tpu.memory_space<vmem>>
    %dma_start3A_73 = arith.constant 0 : i32
    %dma_start3A_74 = tpu.memref_slice %arg2[%add3A_68, %dma_start3A_73] : memref<4096x200xi32, #tpu.memory_space<hbm>> -> memref<1x200xi32, #tpu.memory_space<hbm>>
    %dma_start3A_75 = tpu.memref_squeeze %dma_start3A_74 : memref<1x200xi32, #tpu.memory_space<hbm>> -> memref<200xi32, #tpu.memory_space<hbm>>
    %dma_start3A_76 = arith.constant 0 : i32
    %dma_start3A_77 = tpu.memref_slice %arg5[%dma_start3A_69, %dma_start3A_76] : memref<2x200xi32, #tpu.memory_space<vmem>> -> memref<1x200xi32, #tpu.memory_space<vmem>>
    %dma_start3A_78 = tpu.memref_squeeze %dma_start3A_77 : memref<1x200xi32, #tpu.memory_space<vmem>> -> memref<200xi32, #tpu.memory_space<vmem>>
    %dma_start3A_79 = arith.constant 0 : i32
    %dma_start3A_80 = tpu.memref_slice %arg2[%add3A_68, %dma_start3A_79] : memref<4096x200xi32, #tpu.memory_space<hbm>> -> memref<1x200xi32, #tpu.memory_space<hbm>>
    %dma_start3A_81 = tpu.memref_squeeze %dma_start3A_80 : memref<1x200xi32, #tpu.memory_space<hbm>> -> memref<200xi32, #tpu.memory_space<hbm>>
    tpu.enqueue_dma source(%dma_start3A_81 : memref<200xi32, #tpu.memory_space<hbm>>) target(%dma_start3A_78 : memref<200xi32, #tpu.memory_space<vmem>>) target_semaphore(%arg8 : memref<!tpu.dma_semaphore, #tpu.memory_space<semaphore_mem>>)
    %scan3A = arith.constant 0 : i32
    %scan3A_82 = arith.constant 0 : i32
    %scan3A_83 = arith.constant 64 : i32
    %scan3A_84 = arith.addi %scan3A_82, %scan3A_83 : i32
    %scan3A_85 = arith.constant 1 : i32
    scf.for %scan3A_141 = %scan3A_82 to %scan3A_84 step %scan3A_85  : i32 {
      %mul3A_142 = arith.constant 2 : i32
      %mul3A_143 = arith.muli %scan3A_141, %mul3A_142 : i32
      %add3A_144 = arith.constant 0 : i32
      %add3A_145 = arith.addi %mul3A_143, %add3A_144 : i32
      %mul3A_146 = arith.constant 2 : i32
      %mul3A_147 = arith.muli %scan3A_141, %mul3A_146 : i32
      %add3A_148 = arith.constant 0 : i32
      %add3A_149 = arith.addi %mul3A_147, %add3A_148 : i32
      %lt3A = arith.constant 127 : i32
      %lt3A_150 = arith.cmpi slt, %add3A_149, %lt3A : i32
      %convert_element_type3A = arith.extui %lt3A_150 : i1 to i32
      %cond3A = arith.constant 0 : i32
      %cond3A_151 = arith.cmpi ne, %convert_element_type3A, %cond3A : i32
      scf.if %cond3A_151 {
        %mul3A_297 = arith.constant 128 : i32
        %mul3A_298 = arith.muli %add3A, %mul3A_297 : i32
        %dma_wait3A_299 = arith.constant 1 : i32
        %dma_wait3A_300 = arith.constant 0 : i32
        %dma_wait3A_301 = tpu.memref_slice %arg5[%dma_wait3A_299, %dma_wait3A_300] : memref<2x200xi32, #tpu.memory_space<vmem>> -> memref<1x200xi32, #tpu.memory_space<vmem>>
        %dma_wait3A_302 = tpu.memref_squeeze %dma_wait3A_301 : memref<1x200xi32, #tpu.memory_space<vmem>> -> memref<200xi32, #tpu.memory_space<vmem>>
        %dma_wait3A_303 = arith.constant 0 : i32
        %dma_wait3A_304 = tpu.memref_slice %arg2[%mul3A_298, %dma_wait3A_303] : memref<4096x200xi32, #tpu.memory_space<hbm>> -> memref<1x200xi32, #tpu.memory_space<hbm>>
        %dma_wait3A_305 = tpu.memref_squeeze %dma_wait3A_304 : memref<1x200xi32, #tpu.memory_space<hbm>> -> memref<200xi32, #tpu.memory_space<hbm>>
        %dma_wait3A_306 = arith.constant 0 : i32
        %dma_wait3A_307 = tpu.memref_slice %arg5[%dma_wait3A_299, %dma_wait3A_306] : memref<2x200xi32, #tpu.memory_space<vmem>> -> memref<1x200xi32, #tpu.memory_space<vmem>>
        %dma_wait3A_308 = tpu.memref_squeeze %dma_wait3A_307 : memref<1x200xi32, #tpu.memory_space<vmem>> -> memref<200xi32, #tpu.memory_space<vmem>>
        %dma_wait3A_309 = arith.constant 0 : i32
        %dma_wait3A_310 = tpu.memref_slice %arg2[%mul3A_298, %dma_wait3A_309] : memref<4096x200xi32, #tpu.memory_space<hbm>> -> memref<1x200xi32, #tpu.memory_space<hbm>>
        %dma_wait3A_311 = tpu.memref_squeeze %dma_wait3A_310 : memref<1x200xi32, #tpu.memory_space<hbm>> -> memref<200xi32, #tpu.memory_space<hbm>>
        tpu.wait_dma2 semaphore(%arg8 : memref<!tpu.dma_semaphore, #tpu.memory_space<semaphore_mem>>) src(%dma_wait3A_311 : memref<200xi32, #tpu.memory_space<hbm>>) dst(%dma_wait3A_308 : memref<200xi32, #tpu.memory_space<vmem>>)
        %ge3A = arith.constant 1 : i32
        %ge3A_312 = arith.cmpi sge, %scan3A_141, %ge3A : i32
        %convert_element_type3A_313 = arith.extui %ge3A_312 : i1 to i32
        %cond3A_314 = arith.constant 0 : i32
        %cond3A_315 = arith.cmpi ne, %convert_element_type3A_313, %cond3A_314 : i32
        scf.if %cond3A_315 {
          %sub3A = arith.constant 1 : i32
          %sub3A_359 = arith.subi %add3A_145, %sub3A : i32
          %mul3A_360 = arith.constant 128 : i32
          %mul3A_361 = arith.muli %add3A, %mul3A_360 : i32
          %add3A_362 = arith.addi %mul3A_361, %sub3A_359 : i32
          %dma_wait3A_363 = arith.constant 1 : i32
          %dma_wait3A_364 = arith.constant 0 : i32
          %dma_wait3A_365 = arith.constant 0 : i32
          %dma_wait3A_366 = tpu.memref_slice %arg6[%dma_wait3A_363, %dma_wait3A_364, %dma_wait3A_365] : memref<2x200x64xf32, #tpu.memory_space<vmem>> -> memref<1x200x64xf32, #tpu.memory_space<vmem>>
          %dma_wait3A_367 = tpu.memref_squeeze %dma_wait3A_366 : memref<1x200x64xf32, #tpu.memory_space<vmem>> -> memref<200x64xf32, #tpu.memory_space<vmem>>
          %dma_wait3A_368 = arith.constant 0 : i32
          %dma_wait3A_369 = arith.constant 0 : i32
          %dma_wait3A_370 = tpu.memref_slice %arg4[%add3A_362, %dma_wait3A_368, %dma_wait3A_369] : memref<4096x200x128xf32, #tpu.memory_space<hbm>> -> memref<1x200x128xf32, #tpu.memory_space<hbm>>
          %dma_wait3A_371 = tpu.memref_squeeze %dma_wait3A_370 : memref<1x200x128xf32, #tpu.memory_space<hbm>> -> memref<200x128xf32, #tpu.memory_space<hbm>>
          %dma_wait3A_372 = arith.constant 0 : i32
          %dma_wait3A_373 = arith.constant 0 : i32
          %dma_wait3A_374 = tpu.memref_slice %dma_wait3A_371[%dma_wait3A_372, %dma_wait3A_373] : memref<200x128xf32, #tpu.memory_space<hbm>> -> memref<200x64xf32, #tpu.memory_space<hbm>>
          %dma_wait3A_375 = arith.constant 0 : i32
          %dma_wait3A_376 = arith.constant 0 : i32
          %dma_wait3A_377 = tpu.memref_slice %arg4[%add3A_362, %dma_wait3A_375, %dma_wait3A_376] : memref<4096x200x128xf32, #tpu.memory_space<hbm>> -> memref<1x200x128xf32, #tpu.memory_space<hbm>>
          %dma_wait3A_378 = tpu.memref_squeeze %dma_wait3A_377 : memref<1x200x128xf32, #tpu.memory_space<hbm>> -> memref<200x128xf32, #tpu.memory_space<hbm>>
          %dma_wait3A_379 = arith.constant 0 : i32
          %dma_wait3A_380 = arith.constant 0 : i32
          %dma_wait3A_381 = tpu.memref_slice %dma_wait3A_378[%dma_wait3A_379, %dma_wait3A_380] : memref<200x128xf32, #tpu.memory_space<hbm>> -> memref<200x64xf32, #tpu.memory_space<hbm>>
          %dma_wait3A_382 = arith.constant 0 : i32
          %dma_wait3A_383 = arith.constant 0 : i32
          %dma_wait3A_384 = tpu.memref_slice %arg6[%dma_wait3A_363, %dma_wait3A_382, %dma_wait3A_383] : memref<2x200x64xf32, #tpu.memory_space<vmem>> -> memref<1x200x64xf32, #tpu.memory_space<vmem>>
          %dma_wait3A_385 = tpu.memref_squeeze %dma_wait3A_384 : memref<1x200x64xf32, #tpu.memory_space<vmem>> -> memref<200x64xf32, #tpu.memory_space<vmem>>
          tpu.wait_dma2 semaphore(%arg12 : memref<!tpu.dma_semaphore, #tpu.memory_space<semaphore_mem>>) src(%dma_wait3A_385 : memref<200x64xf32, #tpu.memory_space<vmem>>) dst(%dma_wait3A_381 : memref<200x64xf32, #tpu.memory_space<hbm>>)
        } else {
        }
        %dma_start3A_316 = arith.constant 1 : i32
        %dma_start3A_317 = arith.constant 1 : i32
        %dma_start3A_318 = arith.constant 0 : i32
        %dma_start3A_319 = arith.constant 0 : i32
        %dma_start3A_320 = tpu.memref_slice %arg6[%dma_start3A_317, %dma_start3A_318, %dma_start3A_319] : memref<2x200x64xf32, #tpu.memory_space<vmem>> -> memref<1x200x64xf32, #tpu.memory_space<vmem>>
        %dma_start3A_321 = tpu.memref_squeeze %dma_start3A_320 : memref<1x200x64xf32, #tpu.memory_space<vmem>> -> memref<200x64xf32, #tpu.memory_space<vmem>>
        %dma_start3A_322 = arith.constant 0 : i32
        %dma_start3A_323 = arith.constant 0 : i32
        %dma_start3A_324 = tpu.memref_slice %dma_start3A_321[%dma_start3A_322, %dma_start3A_323] : memref<200x64xf32, #tpu.memory_space<vmem>> -> memref<128x64xf32, #tpu.memory_space<vmem>>
        %dma_start3A_325 = arith.constant 0 : i32
        %dma_start3A_326 = tpu.memref_slice %arg5[%dma_start3A_316, %dma_start3A_325] : memref<2x200xi32, #tpu.memory_space<vmem>> -> memref<1x200xi32, #tpu.memory_space<vmem>>
        %dma_start3A_327 = tpu.memref_squeeze %dma_start3A_326 : memref<1x200xi32, #tpu.memory_space<vmem>> -> memref<200xi32, #tpu.memory_space<vmem>>
        %dma_start3A_328 = arith.constant 0 : i32
        %dma_start3A_329 = tpu.memref_slice %dma_start3A_327[%dma_start3A_328] : memref<200xi32, #tpu.memory_space<vmem>> -> memref<128xi32, #tpu.memory_space<vmem>>
        %dma_start3A_330 = arith.constant 0 : i32
        %dma_start3A_331 = arith.constant 0 : i32
        %dma_start3A_332 = tpu.memref_slice %arg3[%dma_start3A_330, %dma_start3A_331] : memref<1000000x64xf32, #tpu.memory_space<hbm>> -> memref<1000000x64xf32, #tpu.memory_space<hbm>>
        tpu.enqueue_indirect_dma source(%dma_start3A_332 : memref<1000000x64xf32, #tpu.memory_space<hbm>>) target(%dma_start3A_324 : memref<128x64xf32, #tpu.memory_space<vmem>>) offsets(%dma_start3A_329 : memref<128xi32, #tpu.memory_space<vmem>>) semaphore(%arg10 : memref<!tpu.dma_semaphore, #tpu.memory_space<semaphore_mem>>)
        %dma_start3A_333 = arith.constant 1 : i32
        %dma_start3A_334 = arith.constant 1 : i32
        %dma_start3A_335 = arith.constant 0 : i32
        %dma_start3A_336 = arith.constant 0 : i32
        %dma_start3A_337 = tpu.memref_slice %arg6[%dma_start3A_334, %dma_start3A_335, %dma_start3A_336] : memref<2x200x64xf32, #tpu.memory_space<vmem>> -> memref<1x200x64xf32, #tpu.memory_space<vmem>>
        %dma_start3A_338 = tpu.memref_squeeze %dma_start3A_337 : memref<1x200x64xf32, #tpu.memory_space<vmem>> -> memref<200x64xf32, #tpu.memory_space<vmem>>
        %dma_start3A_339 = arith.constant 128 : i32
        %dma_start3A_340 = arith.constant 0 : i32
        %dma_start3A_341 = tpu.memref_slice %dma_start3A_338[%dma_start3A_339, %dma_start3A_340] : memref<200x64xf32, #tpu.memory_space<vmem>> -> memref<72x64xf32, #tpu.memory_space<vmem>>
        %dma_start3A_342 = arith.constant 0 : i32
        %dma_start3A_343 = tpu.memref_slice %arg5[%dma_start3A_333, %dma_start3A_342] : memref<2x200xi32, #tpu.memory_space<vmem>> -> memref<1x200xi32, #tpu.memory_space<vmem>>
        %dma_start3A_344 = tpu.memref_squeeze %dma_start3A_343 : memref<1x200xi32, #tpu.memory_space<vmem>> -> memref<200xi32, #tpu.memory_space<vmem>>
        %dma_start3A_345 = arith.constant 128 : i32
        %dma_start3A_346 = tpu.memref_slice %dma_start3A_344[%dma_start3A_345] : memref<200xi32, #tpu.memory_space<vmem>> -> memref<72xi32, #tpu.memory_space<vmem>>
        %dma_start3A_347 = arith.constant 0 : i32
        %dma_start3A_348 = arith.constant 0 : i32
        %dma_start3A_349 = tpu.memref_slice %arg3[%dma_start3A_347, %dma_start3A_348] : memref<1000000x64xf32, #tpu.memory_space<hbm>> -> memref<1000000x64xf32, #tpu.memory_space<hbm>>
        tpu.enqueue_indirect_dma source(%dma_start3A_349 : memref<1000000x64xf32, #tpu.memory_space<hbm>>) target(%dma_start3A_341 : memref<72x64xf32, #tpu.memory_space<vmem>>) offsets(%dma_start3A_346 : memref<72xi32, #tpu.memory_space<vmem>>) semaphore(%arg10 : memref<!tpu.dma_semaphore, #tpu.memory_space<semaphore_mem>>)
        %mul3A_350 = arith.constant 2 : i32
        %mul3A_351 = arith.muli %scan3A_141, %mul3A_350 : i32
        %add3A_352 = arith.constant 0 : i32
        %add3A_353 = arith.addi %mul3A_351, %add3A_352 : i32
        %lt3A_354 = arith.constant 126 : i32
        %lt3A_355 = arith.cmpi slt, %add3A_353, %lt3A_354 : i32
        %convert_element_type3A_356 = arith.extui %lt3A_355 : i1 to i32
        %cond3A_357 = arith.constant 0 : i32
        %cond3A_358 = arith.cmpi ne, %convert_element_type3A_356, %cond3A_357 : i32
        scf.if %cond3A_358 {
          %add3A_359 = arith.constant 2 : i32
          %add3A_360 = arith.addi %add3A_145, %add3A_359 : i32
          %mul3A_361 = arith.constant 128 : i32
          %mul3A_362 = arith.muli %add3A, %mul3A_361 : i32
          %add3A_363 = arith.addi %mul3A_362, %add3A_360 : i32
          %dma_start3A_364 = arith.constant 0 : i32
          %dma_start3A_365 = arith.constant 0 : i32
          %dma_start3A_366 = tpu.memref_slice %arg5[%dma_start3A_364, %dma_start3A_365] : memref<2x200xi32, #tpu.memory_space<vmem>> -> memref<1x200xi32, #tpu.memory_space<vmem>>
          %dma_start3A_367 = tpu.memref_squeeze %dma_start3A_366 : memref<1x200xi32, #tpu.memory_space<vmem>> -> memref<200xi32, #tpu.memory_space<vmem>>
          %dma_start3A_368 = arith.constant 0 : i32
          %dma_start3A_369 = tpu.memref_slice %arg2[%add3A_363, %dma_start3A_368] : memref<4096x200xi32, #tpu.memory_space<hbm>> -> memref<1x200xi32, #tpu.memory_space<hbm>>
          %dma_start3A_370 = tpu.memref_squeeze %dma_start3A_369 : memref<1x200xi32, #tpu.memory_space<hbm>> -> memref<200xi32, #tpu.memory_space<hbm>>
          %dma_start3A_371 = arith.constant 0 : i32
          %dma_start3A_372 = tpu.memref_slice %arg5[%dma_start3A_364, %dma_start3A_371] : memref<2x200xi32, #tpu.memory_space<vmem>> -> memref<1x200xi32, #tpu.memory_space<vmem>>
          %dma_start3A_373 = tpu.memref_squeeze %dma_start3A_372 : memref<1x200xi32, #tpu.memory_space<vmem>> -> memref<200xi32, #tpu.memory_space<vmem>>
          %dma_start3A_374 = arith.constant 0 : i32
          %dma_start3A_375 = tpu.memref_slice %arg2[%add3A_363, %dma_start3A_374] : memref<4096x200xi32, #tpu.memory_space<hbm>> -> memref<1x200xi32, #tpu.memory_space<hbm>>
          %dma_start3A_376 = tpu.memref_squeeze %dma_start3A_375 : memref<1x200xi32, #tpu.memory_space<hbm>> -> memref<200xi32, #tpu.memory_space<hbm>>
          tpu.enqueue_dma source(%dma_start3A_376 : memref<200xi32, #tpu.memory_space<hbm>>) target(%dma_start3A_373 : memref<200xi32, #tpu.memory_space<vmem>>) target_semaphore(%arg7 : memref<!tpu.dma_semaphore, #tpu.memory_space<semaphore_mem>>)
        } else {
        }
      } else {
      }
      %dma_wait3A_152 = arith.constant 0 : i32
      %dma_wait3A_153 = arith.constant 0 : i32
      %dma_wait3A_154 = arith.constant 0 : i32
      %dma_wait3A_155 = arith.constant 0 : i32
      %dma_wait3A_156 = tpu.memref_slice %arg6[%dma_wait3A_153, %dma_wait3A_154, %dma_wait3A_155] : memref<2x200x64xf32, #tpu.memory_space<vmem>> -> memref<1x200x64xf32, #tpu.memory_space<vmem>>
      %dma_wait3A_157 = tpu.memref_squeeze %dma_wait3A_156 : memref<1x200x64xf32, #tpu.memory_space<vmem>> -> memref<200x64xf32, #tpu.memory_space<vmem>>
      %dma_wait3A_158 = arith.constant 0 : i32
      %dma_wait3A_159 = arith.constant 0 : i32
      %dma_wait3A_160 = tpu.memref_slice %dma_wait3A_157[%dma_wait3A_158, %dma_wait3A_159] : memref<200x64xf32, #tpu.memory_space<vmem>> -> memref<128x64xf32, #tpu.memory_space<vmem>>
      %dma_wait3A_161 = arith.constant 0 : i32
      %dma_wait3A_162 = tpu.memref_slice %arg5[%dma_wait3A_152, %dma_wait3A_161] : memref<2x200xi32, #tpu.memory_space<vmem>> -> memref<1x200xi32, #tpu.memory_space<vmem>>
      %dma_wait3A_163 = tpu.memref_squeeze %dma_wait3A_162 : memref<1x200xi32, #tpu.memory_space<vmem>> -> memref<200xi32, #tpu.memory_space<vmem>>
      %dma_wait3A_164 = arith.constant 0 : i32
      %dma_wait3A_165 = tpu.memref_slice %dma_wait3A_163[%dma_wait3A_164] : memref<200xi32, #tpu.memory_space<vmem>> -> memref<128xi32, #tpu.memory_space<vmem>>
      %dma_wait3A_166 = arith.constant 0 : i32
      %dma_wait3A_167 = arith.constant 0 : i32
      %dma_wait3A_168 = tpu.memref_slice %arg3[%dma_wait3A_166, %dma_wait3A_167] : memref<1000000x64xf32, #tpu.memory_space<hbm>> -> memref<1000000x64xf32, #tpu.memory_space<hbm>>
      tpu.wait_indirect_dma semaphore(%arg9 : memref<!tpu.dma_semaphore, #tpu.memory_space<semaphore_mem>>) src(%dma_wait3A_168 : memref<1000000x64xf32, #tpu.memory_space<hbm>>) dst(%dma_wait3A_160 : memref<128x64xf32, #tpu.memory_space<vmem>>)
      %dma_wait3A_169 = arith.constant 0 : i32
      %dma_wait3A_170 = arith.constant 0 : i32
      %dma_wait3A_171 = arith.constant 0 : i32
      %dma_wait3A_172 = arith.constant 0 : i32
      %dma_wait3A_173 = tpu.memref_slice %arg6[%dma_wait3A_170, %dma_wait3A_171, %dma_wait3A_172] : memref<2x200x64xf32, #tpu.memory_space<vmem>> -> memref<1x200x64xf32, #tpu.memory_space<vmem>>
      %dma_wait3A_174 = tpu.memref_squeeze %dma_wait3A_173 : memref<1x200x64xf32, #tpu.memory_space<vmem>> -> memref<200x64xf32, #tpu.memory_space<vmem>>
      %dma_wait3A_175 = arith.constant 128 : i32
      %dma_wait3A_176 = arith.constant 0 : i32
      %dma_wait3A_177 = tpu.memref_slice %dma_wait3A_174[%dma_wait3A_175, %dma_wait3A_176] : memref<200x64xf32, #tpu.memory_space<vmem>> -> memref<72x64xf32, #tpu.memory_space<vmem>>
      %dma_wait3A_178 = arith.constant 0 : i32
      %dma_wait3A_179 = tpu.memref_slice %arg5[%dma_wait3A_169, %dma_wait3A_178] : memref<2x200xi32, #tpu.memory_space<vmem>> -> memref<1x200xi32, #tpu.memory_space<vmem>>
      %dma_wait3A_180 = tpu.memref_squeeze %dma_wait3A_179 : memref<1x200xi32, #tpu.memory_space<vmem>> -> memref<200xi32, #tpu.memory_space<vmem>>
      %dma_wait3A_181 = arith.constant 128 : i32
      %dma_wait3A_182 = tpu.memref_slice %dma_wait3A_180[%dma_wait3A_181] : memref<200xi32, #tpu.memory_space<vmem>> -> memref<72xi32, #tpu.memory_space<vmem>>
      %dma_wait3A_183 = arith.constant 0 : i32
      %dma_wait3A_184 = arith.constant 0 : i32
      %dma_wait3A_185 = tpu.memref_slice %arg3[%dma_wait3A_183, %dma_wait3A_184] : memref<1000000x64xf32, #tpu.memory_space<hbm>> -> memref<1000000x64xf32, #tpu.memory_space<hbm>>
      tpu.wait_indirect_dma semaphore(%arg9 : memref<!tpu.dma_semaphore, #tpu.memory_space<semaphore_mem>>) src(%dma_wait3A_185 : memref<1000000x64xf32, #tpu.memory_space<hbm>>) dst(%dma_wait3A_177 : memref<72x64xf32, #tpu.memory_space<vmem>>)
      %scan3A_186 = arith.constant 0 : i32
      %scan3A_187 = arith.constant 0 : i32
      %scan3A_188 = arith.constant 25 : i32
      %scan3A_189 = arith.addi %scan3A_187, %scan3A_188 : i32
      %scan3A_190 = arith.constant 1 : i32
      scf.for %scan3A_297 = %scan3A_187 to %scan3A_189 step %scan3A_190  : i32 {
        %mul3A_298 = arith.constant 8 : i32
        %mul3A_299 = arith.muli %scan3A_297, %mul3A_298 : i32
        %add3A_300 = arith.constant 0 : i32
        %add3A_301 = arith.addi %mul3A_299, %add3A_300 : i32
        %get3A = arith.constant 0 : i32
        %get3A_302 = arith.index_cast %get3A : i32 to index
        %get3A_303 = arith.index_cast %add3A_301 : i32 to index
        %get3A_304 = arith.constant 0 : index
        %get3A_305 = tpu.vector_load %arg6[%get3A_302, %get3A_303, %get3A_304] {strides = array<i32>} : memref<2x200x64xf32, #tpu.memory_space<vmem>>, vector<1x1x16xf32>,
        %get3A_306 = vector.shape_cast %get3A_305 : vector<1x1x16xf32> to vector<16xf32>
        %mul3A_307 = arith.constant 8.000000e+00 : f32
        %mul3A_308 = vector.broadcast %mul3A_307 : f32 to vector<16xf32>
        %mul3A_309 = arith.mulf %get3A_306, %mul3A_308 : vector<16xf32>
        %swap3A = arith.constant 0 : i32
        %swap3A_310 = arith.index_cast %swap3A : i32 to index
        %swap3A_311 = arith.index_cast %add3A_301 : i32 to index
        %swap3A_312 = arith.constant 0 : index
        %swap3A_313 = tpu.vector_load %arg6[%swap3A_310, %swap3A_311, %swap3A_312] {strides = array<i32>} : memref<2x200x64xf32, #tpu.memory_space<vmem>>, vector<1x1x16xf32>,
        %swap3A_314 = vector.shape_cast %swap3A_313 : vector<1x1x16xf32> to vector<16xf32>
        %swap3A_315 = vector.shape_cast %mul3A_309 : vector<16xf32> to vector<1x1x16xf32>
        tpu.vector_store %arg6[%swap3A_310, %swap3A_311, %swap3A_312], %swap3A_315 {strides = array<i32>} : memref<2x200x64xf32, #tpu.memory_space<vmem>>, vector<1x1x16xf32>,
        %get3A_316 = arith.constant 0 : i32
        %get3A_317 = arith.index_cast %get3A_316 : i32 to index
        %get3A_318 = arith.index_cast %add3A_301 : i32 to index
        %get3A_319 = arith.constant 16 : index
        %get3A_320 = tpu.vector_load %arg6[%get3A_317, %get3A_318, %get3A_319] {strides = array<i32>} : memref<2x200x64xf32, #tpu.memory_space<vmem>>, vector<1x1x16xf32>,
        %get3A_321 = vector.shape_cast %get3A_320 : vector<1x1x16xf32> to vector<16xf32>
        %mul3A_322 = arith.constant 8.000000e+00 : f32
        %mul3A_323 = vector.broadcast %mul3A_322 : f32 to vector<16xf32>
        %mul3A_324 = arith.mulf %get3A_321, %mul3A_323 : vector<16xf32>
        %swap3A_325 = arith.constant 0 : i32
        %swap3A_326 = arith.index_cast %swap3A_325 : i32 to index
        %swap3A_327 = arith.index_cast %add3A_301 : i32 to index
        %swap3A_328 = arith.constant 16 : index
        %swap3A_329 = tpu.vector_load %arg6[%swap3A_326, %swap3A_327, %swap3A_328] {strides = array<i32>} : memref<2x200x64xf32, #tpu.memory_space<vmem>>, vector<1x1x16xf32>,
        %swap3A_330 = vector.shape_cast %swap3A_329 : vector<1x1x16xf32> to vector<16xf32>
        %swap3A_331 = vector.shape_cast %mul3A_324 : vector<16xf32> to vector<1x1x16xf32>
        tpu.vector_store %arg6[%swap3A_326, %swap3A_327, %swap3A_328], %swap3A_331 {strides = array<i32>} : memref<2x200x64xf32, #tpu.memory_space<vmem>>, vector<1x1x16xf32>,
        %get3A_332 = arith.constant 0 : i32
        %get3A_333 = arith.index_cast %get3A_332 : i32 to index
        %get3A_334 = arith.index_cast %add3A_301 : i32 to index
        %get3A_335 = arith.constant 32 : index
        %get3A_336 = tpu.vector_load %arg6[%get3A_333, %get3A_334, %get3A_335] {strides = array<i32>} : memref<2x200x64xf32, #tpu.memory_space<vmem>>, vector<1x1x16xf32>,
        %get3A_337 = vector.shape_cast %get3A_336 : vector<1x1x16xf32> to vector<16xf32>
        %mul3A_338 = arith.constant 8.000000e+00 : f32
        %mul3A_339 = vector.broadcast %mul3A_338 : f32 to vector<16xf32>
        %mul3A_340 = arith.mulf %get3A_337, %mul3A_339 : vector<16xf32>
        %swap3A_341 = arith.constant 0 : i32
        %swap3A_342 = arith.index_cast %swap3A_341 : i32 to index
        %swap3A_343 = arith.index_cast %add3A_301 : i32 to index
        %swap3A_344 = arith.constant 32 : index
        %swap3A_345 = tpu.vector_load %arg6[%swap3A_342, %swap3A_343, %swap3A_344] {strides = array<i32>} : memref<2x200x64xf32, #tpu.memory_space<vmem>>, vector<1x1x16xf32>,
        %swap3A_346 = vector.shape_cast %swap3A_345 : vector<1x1x16xf32> to vector<16xf32>
        %swap3A_347 = vector.shape_cast %mul3A_340 : vector<16xf32> to vector<1x1x16xf32>
        tpu.vector_store %arg6[%swap3A_342, %swap3A_343, %swap3A_344], %swap3A_347 {strides = array<i32>} : memref<2x200x64xf32, #tpu.memory_space<vmem>>, vector<1x1x16xf32>,
        %get3A_348 = arith.constant 0 : i32
        %get3A_349 = arith.index_cast %get3A_348 : i32 to index
        %get3A_350 = arith.index_cast %add3A_301 : i32 to index
        %get3A_351 = arith.constant 48 : index
        %get3A_352 = tpu.vector_load %arg6[%get3A_349, %get3A_350, %get3A_351] {strides = array<i32>} : memref<2x200x64xf32, #tpu.memory_space<vmem>>, vector<1x1x16xf32>,
        %get3A_353 = vector.shape_cast %get3A_352 : vector<1x1x16xf32> to vector<16xf32>
        %mul3A_354 = arith.constant 8.000000e+00 : f32
        %mul3A_355 = vector.broadcast %mul3A_354 : f32 to vector<16xf32>
        %mul3A_356 = arith.mulf %get3A_353, %mul3A_355 : vector<16xf32>
        %swap3A_357 = arith.constant 0 : i32
        %swap3A_358 = arith.index_cast %swap3A_357 : i32 to index
        %swap3A_359 = arith.index_cast %add3A_301 : i32 to index
        %swap3A_360 = arith.constant 48 : index
        %swap3A_361 = tpu.vector_load %arg6[%swap3A_358, %swap3A_359, %swap3A_360] {strides = array<i32>} : memref<2x200x64xf32, #tpu.memory_space<vmem>>, vector<1x1x16xf32>,
        %swap3A_362 = vector.shape_cast %swap3A_361 : vector<1x1x16xf32> to vector<16xf32>
        %swap3A_363 = vector.shape_cast %mul3A_356 : vector<16xf32> to vector<1x1x16xf32>
        tpu.vector_store %arg6[%swap3A_358, %swap3A_359, %swap3A_360], %swap3A_363 {strides = array<i32>} : memref<2x200x64xf32, #tpu.memory_space<vmem>>, vector<1x1x16xf32>,
        %mul3A_364 = arith.constant 8 : i32
        %mul3A_365 = arith.muli %scan3A_297, %mul3A_364 : i32
        %add3A_366 = arith.constant 1 : i32
        %add3A_367 = arith.addi %mul3A_365, %add3A_366 : i32
        %get3A_368 = arith.constant 0 : i32
        %get3A_369 = arith.index_cast %get3A_368 : i32 to index
        %get3A_370 = arith.index_cast %add3A_367 : i32 to index
        %get3A_371 = arith.constant 0 : index
        %get3A_372 = tpu.vector_load %arg6[%get3A_369, %get3A_370, %get3A_371] {strides = array<i32>} : memref<2x200x64xf32, #tpu.memory_space<vmem>>, vector<1x1x16xf32>,
        %get3A_373 = vector.shape_cast %get3A_372 : vector<1x1x16xf32> to vector<16xf32>
        %mul3A_374 = arith.constant 8.000000e+00 : f32
        %mul3A_375 = vector.broadcast %mul3A_374 : f32 to vector<16xf32>
        %mul3A_376 = arith.mulf %get3A_373, %mul3A_375 : vector<16xf32>
        %swap3A_377 = arith.constant 0 : i32
        %swap3A_378 = arith.index_cast %swap3A_377 : i32 to index
        %swap3A_379 = arith.index_cast %add3A_367 : i32 to index
        %swap3A_380 = arith.constant 0 : index
        %swap3A_381 = tpu.vector_load %arg6[%swap3A_378, %swap3A_379, %swap3A_380] {strides = array<i32>} : memref<2x200x64xf32, #tpu.memory_space<vmem>>, vector<1x1x16xf32>,
        %swap3A_382 = vector.shape_cast %swap3A_381 : vector<1x1x16xf32> to vector<16xf32>
        %swap3A_383 = vector.shape_cast %mul3A_376 : vector<16xf32> to vector<1x1x16xf32>
        tpu.vector_store %arg6[%swap3A_378, %swap3A_379, %swap3A_380], %swap3A_383 {strides = array<i32>} : memref<2x200x64xf32, #tpu.memory_space<vmem>>, vector<1x1x16xf32>,
        %get3A_384 = arith.constant 0 : i32
        %get3A_385 = arith.index_cast %get3A_384 : i32 to index
        %get3A_386 = arith.index_cast %add3A_367 : i32 to index
        %get3A_387 = arith.constant 16 : index
        %get3A_388 = tpu.vector_load %arg6[%get3A_385, %get3A_386, %get3A_387] {strides = array<i32>} : memref<2x200x64xf32, #tpu.memory_space<vmem>>, vector<1x1x16xf32>,
        %get3A_389 = vector.shape_cast %get3A_388 : vector<1x1x16xf32> to vector<16xf32>
        %mul3A_390 = arith.constant 8.000000e+00 : f32
        %mul3A_391 = vector.broadcast %mul3A_390 : f32 to vector<16xf32>
        %mul3A_392 = arith.mulf %get3A_389, %mul3A_391 : vector<16xf32>
        %swap3A_393 = arith.constant 0 : i32
        %swap3A_394 = arith.index_cast %swap3A_393 : i32 to index
        %swap3A_395 = arith.index_cast %add3A_367 : i32 to index
        %swap3A_396 = arith.constant 16 : index
        %swap3A_397 = tpu.vector_load %arg6[%swap3A_394, %swap3A_395, %swap3A_396] {strides = array<i32>} : memref<2x200x64xf32, #tpu.memory_space<vmem>>, vector<1x1x16xf32>,
        %swap3A_398 = vector.shape_cast %swap3A_397 : vector<1x1x16xf32> to vector<16xf32>
        %swap3A_399 = vector.shape_cast %mul3A_392 : vector<16xf32> to vector<1x1x16xf32>
        tpu.vector_store %arg6[%swap3A_394, %swap3A_395, %swap3A_396], %swap3A_399 {strides = array<i32>} : memref<2x200x64xf32, #tpu.memory_space<vmem>>, vector<1x1x16xf32>,
        %get3A_400 = arith.constant 0 : i32
        %get3A_401 = arith.index_cast %get3A_400 : i32 to index
        %get3A_402 = arith.index_cast %add3A_367 : i32 to index
        %get3A_403 = arith.constant 32 : index
        %get3A_404 = tpu.vector_load %arg6[%get3A_401, %get3A_402, %get3A_403] {strides = array<i32>} : memref<2x200x64xf32, #tpu.memory_space<vmem>>, vector<1x1x16xf32>,
        %get3A_405 = vector.shape_cast %get3A_404 : vector<1x1x16xf32> to vector<16xf32>
        %mul3A_406 = arith.constant 8.000000e+00 : f32
        %mul3A_407 = vector.broadcast %mul3A_406 : f32 to vector<16xf32>
        %mul3A_408 = arith.mulf %get3A_405, %mul3A_407 : vector<16xf32>
        %swap3A_409 = arith.constant 0 : i32
        %swap3A_410 = arith.index_cast %swap3A_409 : i32 to index
        %swap3A_411 = arith.index_cast %add3A_367 : i32 to index
        %swap3A_412 = arith.constant 32 : index
        %swap3A_413 = tpu.vector_load %arg6[%swap3A_410, %swap3A_411, %swap3A_412] {strides = array<i32>} : memref<2x200x64xf32, #tpu.memory_space<vmem>>, vector<1x1x16xf32>,
        %swap3A_414 = vector.shape_cast %swap3A_413 : vector<1x1x16xf32> to vector<16xf32>
        %swap3A_415 = vector.shape_cast %mul3A_408 : vector<16xf32> to vector<1x1x16xf32>
        tpu.vector_store %arg6[%swap3A_410, %swap3A_411, %swap3A_412], %swap3A_415 {strides = array<i32>} : memref<2x200x64xf32, #tpu.memory_space<vmem>>, vector<1x1x16xf32>,
        %get3A_416 = arith.constant 0 : i32
        %get3A_417 = arith.index_cast %get3A_416 : i32 to index
        %get3A_418 = arith.index_cast %add3A_367 : i32 to index
        %get3A_419 = arith.constant 48 : index
        %get3A_420 = tpu.vector_load %arg6[%get3A_417, %get3A_418, %get3A_419] {strides = array<i32>} : memref<2x200x64xf32, #tpu.memory_space<vmem>>, vector<1x1x16xf32>,
        %get3A_421 = vector.shape_cast %get3A_420 : vector<1x1x16xf32> to vector<16xf32>
        %mul3A_422 = arith.constant 8.000000e+00 : f32
        %mul3A_423 = vector.broadcast %mul3A_422 : f32 to vector<16xf32>
        %mul3A_424 = arith.mulf %get3A_421, %mul3A_423 : vector<16xf32>
        %swap3A_425 = arith.constant 0 : i32
        %swap3A_426 = arith.index_cast %swap3A_425 : i32 to index
        %swap3A_427 = arith.index_cast %add3A_367 : i32 to index
        %swap3A_428 = arith.constant 48 : index
        %swap3A_429 = tpu.vector_load %arg6[%swap3A_426, %swap3A_427, %swap3A_428] {strides = array<i32>} : memref<2x200x64xf32, #tpu.memory_space<vmem>>, vector<1x1x16xf32>,
        %swap3A_430 = vector.shape_cast %swap3A_429 : vector<1x1x16xf32> to vector<16xf32>
        %swap3A_431 = vector.shape_cast %mul3A_424 : vector<16xf32> to vector<1x1x16xf32>
        tpu.vector_store %arg6[%swap3A_426, %swap3A_427, %swap3A_428], %swap3A_431 {strides = array<i32>} : memref<2x200x64xf32, #tpu.memory_space<vmem>>, vector<1x1x16xf32>,
        %mul3A_432 = arith.constant 8 : i32
        %mul3A_433 = arith.muli %scan3A_297, %mul3A_432 : i32
        %add3A_434 = arith.constant 2 : i32
        %add3A_435 = arith.addi %mul3A_433, %add3A_434 : i32
        %get3A_436 = arith.constant 0 : i32
        %get3A_437 = arith.index_cast %get3A_436 : i32 to index
        %get3A_438 = arith.index_cast %add3A_435 : i32 to index
        %get3A_439 = arith.constant 0 : index
        %get3A_440 = tpu.vector_load %arg6[%get3A_437, %get3A_438, %get3A_439] {strides = array<i32>} : memref<2x200x64xf32, #tpu.memory_space<vmem>>, vector<1x1x16xf32>,
        %get3A_441 = vector.shape_cast %get3A_440 : vector<1x1x16xf32> to vector<16xf32>
        %mul3A_442 = arith.constant 8.000000e+00 : f32
        %mul3A_443 = vector.broadcast %mul3A_442 : f32 to vector<16xf32>
        %mul3A_444 = arith.mulf %get3A_441, %mul3A_443 : vector<16xf32>
        %swap3A_445 = arith.constant 0 : i32
        %swap3A_446 = arith.index_cast %swap3A_445 : i32 to index
        %swap3A_447 = arith.index_cast %add3A_435 : i32 to index
        %swap3A_448 = arith.constant 0 : index
        %swap3A_449 = tpu.vector_load %arg6[%swap3A_446, %swap3A_447, %swap3A_448] {strides = array<i32>} : memref<2x200x64xf32, #tpu.memory_space<vmem>>, vector<1x1x16xf32>,
        %swap3A_450 = vector.shape_cast %swap3A_449 : vector<1x1x16xf32> to vector<16xf32>
        %swap3A_451 = vector.shape_cast %mul3A_444 : vector<16xf32> to vector<1x1x16xf32>
        tpu.vector_store %arg6[%swap3A_446, %swap3A_447, %swap3A_448], %swap3A_451 {strides = array<i32>} : memref<2x200x64xf32, #tpu.memory_space<vmem>>, vector<1x1x16xf32>,
        %get3A_452 = arith.constant 0 : i32
        %get3A_453 = arith.index_cast %get3A_452 : i32 to index
        %get3A_454 = arith.index_cast %add3A_435 : i32 to index
        %get3A_455 = arith.constant 16 : index
        %get3A_456 = tpu.vector_load %arg6[%get3A_453, %get3A_454, %get3A_455] {strides = array<i32>} : memref<2x200x64xf32, #tpu.memory_space<vmem>>, vector<1x1x16xf32>,
        %get3A_457 = vector.shape_cast %get3A_456 : vector<1x1x16xf32> to vector<16xf32>
        %mul3A_458 = arith.constant 8.000000e+00 : f32
        %mul3A_459 = vector.broadcast %mul3A_458 : f32 to vector<16xf32>
        %mul3A_460 = arith.mulf %get3A_457, %mul3A_459 : vector<16xf32>
        %swap3A_461 = arith.constant 0 : i32
        %swap3A_462 = arith.index_cast %swap3A_461 : i32 to index
        %swap3A_463 = arith.index_cast %add3A_435 : i32 to index
        %swap3A_464 = arith.constant 16 : index
        %swap3A_465 = tpu.vector_load %arg6[%swap3A_462, %swap3A_463, %swap3A_464] {strides = array<i32>} : memref<2x200x64xf32, #tpu.memory_space<vmem>>, vector<1x1x16xf32>,
        %swap3A_466 = vector.shape_cast %swap3A_465 : vector<1x1x16xf32> to vector<16xf32>
        %swap3A_467 = vector.shape_cast %mul3A_460 : vector<16xf32> to vector<1x1x16xf32>
        tpu.vector_store %arg6[%swap3A_462, %swap3A_463, %swap3A_464], %swap3A_467 {strides = array<i32>} : memref<2x200x64xf32, #tpu.memory_space<vmem>>, vector<1x1x16xf32>,
        %get3A_468 = arith.constant 0 : i32
        %get3A_469 = arith.index_cast %get3A_468 : i32 to index
        %get3A_470 = arith.index_cast %add3A_435 : i32 to index
        %get3A_471 = arith.constant 32 : index
        %get3A_472 = tpu.vector_load %arg6[%get3A_469, %get3A_470, %get3A_471] {strides = array<i32>} : memref<2x200x64xf32, #tpu.memory_space<vmem>>, vector<1x1x16xf32>,
        %get3A_473 = vector.shape_cast %get3A_472 : vector<1x1x16xf32> to vector<16xf32>
        %mul3A_474 = arith.constant 8.000000e+00 : f32
        %mul3A_475 = vector.broadcast %mul3A_474 : f32 to vector<16xf32>
        %mul3A_476 = arith.mulf %get3A_473, %mul3A_475 : vector<16xf32>
        %swap3A_477 = arith.constant 0 : i32
        %swap3A_478 = arith.index_cast %swap3A_477 : i32 to index
        %swap3A_479 = arith.index_cast %add3A_435 : i32 to index
        %swap3A_480 = arith.constant 32 : index
        %swap3A_481 = tpu.vector_load %arg6[%swap3A_478, %swap3A_479, %swap3A_480] {strides = array<i32>} : memref<2x200x64xf32, #tpu.memory_space<vmem>>, vector<1x1x16xf32>,
        %swap3A_482 = vector.shape_cast %swap3A_481 : vector<1x1x16xf32> to vector<16xf32>
        %swap3A_483 = vector.shape_cast %mul3A_476 : vector<16xf32> to vector<1x1x16xf32>
        tpu.vector_store %arg6[%swap3A_478, %swap3A_479, %swap3A_480], %swap3A_483 {strides = array<i32>} : memref<2x200x64xf32, #tpu.memory_space<vmem>>, vector<1x1x16xf32>,
        %get3A_484 = arith.constant 0 : i32
        %get3A_485 = arith.index_cast %get3A_484 : i32 to index
        %get3A_486 = arith.index_cast %add3A_435 : i32 to index
        %get3A_487 = arith.constant 48 : index
        %get3A_488 = tpu.vector_load %arg6[%get3A_485, %get3A_486, %get3A_487] {strides = array<i32>} : memref<2x200x64xf32, #tpu.memory_space<vmem>>, vector<1x1x16xf32>,
        %get3A_489 = vector.shape_cast %get3A_488 : vector<1x1x16xf32> to vector<16xf32>
        %mul3A_490 = arith.constant 8.000000e+00 : f32
        %mul3A_491 = vector.broadcast %mul3A_490 : f32 to vector<16xf32>
        %mul3A_492 = arith.mulf %get3A_489, %mul3A_491 : vector<16xf32>
        %swap3A_493 = arith.constant 0 : i32
        %swap3A_494 = arith.index_cast %swap3A_493 : i32 to index
        %swap3A_495 = arith.index_cast %add3A_435 : i32 to index
        %swap3A_496 = arith.constant 48 : index
        %swap3A_497 = tpu.vector_load %arg6[%swap3A_494, %swap3A_495, %swap3A_496] {strides = array<i32>} : memref<2x200x64xf32, #tpu.memory_space<vmem>>, vector<1x1x16xf32>,
        %swap3A_498 = vector.shape_cast %swap3A_497 : vector<1x1x16xf32> to vector<16xf32>
        %swap3A_499 = vector.shape_cast %mul3A_492 : vector<16xf32> to vector<1x1x16xf32>
        tpu.vector_store %arg6[%swap3A_494, %swap3A_495, %swap3A_496], %swap3A_499 {strides = array<i32>} : memref<2x200x64xf32, #tpu.memory_space<vmem>>, vector<1x1x16xf32>,
        %mul3A_500 = arith.constant 8 : i32
        %mul3A_501 = arith.muli %scan3A_297, %mul3A_500 : i32
        %add3A_502 = arith.constant 3 : i32
        %add3A_503 = arith.addi %mul3A_501, %add3A_502 : i32
        %get3A_504 = arith.constant 0 : i32
        %get3A_505 = arith.index_cast %get3A_504 : i32 to index
        %get3A_506 = arith.index_cast %add3A_503 : i32 to index
        %get3A_507 = arith.constant 0 : index
        %get3A_508 = tpu.vector_load %arg6[%get3A_505, %get3A_506, %get3A_507] {strides = array<i32>} : memref<2x200x64xf32, #tpu.memory_space<vmem>>, vector<1x1x16xf32>,
        %get3A_509 = vector.shape_cast %get3A_508 : vector<1x1x16xf32> to vector<16xf32>
        %mul3A_510 = arith.constant 8.000000e+00 : f32
        %mul3A_511 = vector.broadcast %mul3A_510 : f32 to vector<16xf32>
        %mul3A_512 = arith.mulf %get3A_509, %mul3A_511 : vector<16xf32>
        %swap3A_513 = arith.constant 0 : i32
        %swap3A_514 = arith.index_cast %swap3A_513 : i32 to index
        %swap3A_515 = arith.index_cast %add3A_503 : i32 to index
        %swap3A_516 = arith.constant 0 : index
        %swap3A_517 = tpu.vector_load %arg6[%swap3A_514, %swap3A_515, %swap3A_516] {strides = array<i32>} : memref<2x200x64xf32, #tpu.memory_space<vmem>>, vector<1x1x16xf32>,
        %swap3A_518 = vector.shape_cast %swap3A_517 : vector<1x1x16xf32> to vector<16xf32>
        %swap3A_519 = vector.shape_cast %mul3A_512 : vector<16xf32> to vector<1x1x16xf32>
        tpu.vector_store %arg6[%swap3A_514, %swap3A_515, %swap3A_516], %swap3A_519 {strides = array<i32>} : memref<2x200x64xf32, #tpu.memory_space<vmem>>, vector<1x1x16xf32>,
        %get3A_520 = arith.constant 0 : i32
        %get3A_521 = arith.index_cast %get3A_520 : i32 to index
        %get3A_522 = arith.index_cast %add3A_503 : i32 to index
        %get3A_523 = arith.constant 16 : index
        %get3A_524 = tpu.vector_load %arg6[%get3A_521, %get3A_522, %get3A_523] {strides = array<i32>} : memref<2x200x64xf32, #tpu.memory_space<vmem>>, vector<1x1x16xf32>,
        %get3A_525 = vector.shape_cast %get3A_524 : vector<1x1x16xf32> to vector<16xf32>
        %mul3A_526 = arith.constant 8.000000e+00 : f32
        %mul3A_527 = vector.broadcast %mul3A_526 : f32 to vector<16xf32>
        %mul3A_528 = arith.mulf %get3A_525, %mul3A_527 : vector<16xf32>
        %swap3A_529 = arith.constant 0 : i32
        %swap3A_530 = arith.index_cast %swap3A_529 : i32 to index
        %swap3A_531 = arith.index_cast %add3A_503 : i32 to index
        %swap3A_532 = arith.constant 16 : index
        %swap3A_533 = tpu.vector_load %arg6[%swap3A_530, %swap3A_531, %swap3A_532] {strides = array<i32>} : memref<2x200x64xf32, #tpu.memory_space<vmem>>, vector<1x1x16xf32>,
        %swap3A_534 = vector.shape_cast %swap3A_533 : vector<1x1x16xf32> to vector<16xf32>
        %swap3A_535 = vector.shape_cast %mul3A_528 : vector<16xf32> to vector<1x1x16xf32>
        tpu.vector_store %arg6[%swap3A_530, %swap3A_531, %swap3A_532], %swap3A_535 {strides = array<i32>} : memref<2x200x64xf32, #tpu.memory_space<vmem>>, vector<1x1x16xf32>,
        %get3A_536 = arith.constant 0 : i32
        %get3A_537 = arith.index_cast %get3A_536 : i32 to index
        %get3A_538 = arith.index_cast %add3A_503 : i32 to index
        %get3A_539 = arith.constant 32 : index
        %get3A_540 = tpu.vector_load %arg6[%get3A_537, %get3A_538, %get3A_539] {strides = array<i32>} : memref<2x200x64xf32, #tpu.memory_space<vmem>>, vector<1x1x16xf32>,
        %get3A_541 = vector.shape_cast %get3A_540 : vector<1x1x16xf32> to vector<16xf32>
        %mul3A_542 = arith.constant 8.000000e+00 : f32
        %mul3A_543 = vector.broadcast %mul3A_542 : f32 to vector<16xf32>
        %mul3A_544 = arith.mulf %get3A_541, %mul3A_543 : vector<16xf32>
        %swap3A_545 = arith.constant 0 : i32
        %swap3A_546 = arith.index_cast %swap3A_545 : i32 to index
        %swap3A_547 = arith.index_cast %add3A_503 : i32 to index
        %swap3A_548 = arith.constant 32 : index
        %swap3A_549 = tpu.vector_load %arg6[%swap3A_546, %swap3A_547, %swap3A_548] {strides = array<i32>} : memref<2x200x64xf32, #tpu.memory_space<vmem>>, vector<1x1x16xf32>,
        %swap3A_550 = vector.shape_cast %swap3A_549 : vector<1x1x16xf32> to vector<16xf32>
        %swap3A_551 = vector.shape_cast %mul3A_544 : vector<16xf32> to vector<1x1x16xf32>
        tpu.vector_store %arg6[%swap3A_546, %swap3A_547, %swap3A_548], %swap3A_551 {strides = array<i32>} : memref<2x200x64xf32, #tpu.memory_space<vmem>>, vector<1x1x16xf32>,
        %get3A_552 = arith.constant 0 : i32
        %get3A_553 = arith.index_cast %get3A_552 : i32 to index
        %get3A_554 = arith.index_cast %add3A_503 : i32 to index
        %get3A_555 = arith.constant 48 : index
        %get3A_556 = tpu.vector_load %arg6[%get3A_553, %get3A_554, %get3A_555] {strides = array<i32>} : memref<2x200x64xf32, #tpu.memory_space<vmem>>, vector<1x1x16xf32>,
        %get3A_557 = vector.shape_cast %get3A_556 : vector<1x1x16xf32> to vector<16xf32>
        %mul3A_558 = arith.constant 8.000000e+00 : f32
        %mul3A_559 = vector.broadcast %mul3A_558 : f32 to vector<16xf32>
        %mul3A_560 = arith.mulf %get3A_557, %mul3A_559 : vector<16xf32>
        %swap3A_561 = arith.constant 0 : i32
        %swap3A_562 = arith.index_cast %swap3A_561 : i32 to index
        %swap3A_563 = arith.index_cast %add3A_503 : i32 to index
        %swap3A_564 = arith.constant 48 : index
        %swap3A_565 = tpu.vector_load %arg6[%swap3A_562, %swap3A_563, %swap3A_564] {strides = array<i32>} : memref<2x200x64xf32, #tpu.memory_space<vmem>>, vector<1x1x16xf32>,
        %swap3A_566 = vector.shape_cast %swap3A_565 : vector<1x1x16xf32> to vector<16xf32>
        %swap3A_567 = vector.shape_cast %mul3A_560 : vector<16xf32> to vector<1x1x16xf32>
        tpu.vector_store %arg6[%swap3A_562, %swap3A_563, %swap3A_564], %swap3A_567 {strides = array<i32>} : memref<2x200x64xf32, #tpu.memory_space<vmem>>, vector<1x1x16xf32>,
        %mul3A_568 = arith.constant 8 : i32
        %mul3A_569 = arith.muli %scan3A_297, %mul3A_568 : i32
        %add3A_570 = arith.constant 4 : i32
        %add3A_571 = arith.addi %mul3A_569, %add3A_570 : i32
        %get3A_572 = arith.constant 0 : i32
        %get3A_573 = arith.index_cast %get3A_572 : i32 to index
        %get3A_574 = arith.index_cast %add3A_571 : i32 to index
        %get3A_575 = arith.constant 0 : index
        %get3A_576 = tpu.vector_load %arg6[%get3A_573, %get3A_574, %get3A_575] {strides = array<i32>} : memref<2x200x64xf32, #tpu.memory_space<vmem>>, vector<1x1x16xf32>,
        %get3A_577 = vector.shape_cast %get3A_576 : vector<1x1x16xf32> to vector<16xf32>
        %mul3A_578 = arith.constant 8.000000e+00 : f32
        %mul3A_579 = vector.broadcast %mul3A_578 : f32 to vector<16xf32>
        %mul3A_580 = arith.mulf %get3A_577, %mul3A_579 : vector<16xf32>
        %swap3A_581 = arith.constant 0 : i32
        %swap3A_582 = arith.index_cast %swap3A_581 : i32 to index
        %swap3A_583 = arith.index_cast %add3A_571 : i32 to index
        %swap3A_584 = arith.constant 0 : index
        %swap3A_585 = tpu.vector_load %arg6[%swap3A_582, %swap3A_583, %swap3A_584] {strides = array<i32>} : memref<2x200x64xf32, #tpu.memory_space<vmem>>, vector<1x1x16xf32>,
        %swap3A_586 = vector.shape_cast %swap3A_585 : vector<1x1x16xf32> to vector<16xf32>
        %swap3A_587 = vector.shape_cast %mul3A_580 : vector<16xf32> to vector<1x1x16xf32>
        tpu.vector_store %arg6[%swap3A_582, %swap3A_583, %swap3A_584], %swap3A_587 {strides = array<i32>} : memref<2x200x64xf32, #tpu.memory_space<vmem>>, vector<1x1x16xf32>,
        %get3A_588 = arith.constant 0 : i32
        %get3A_589 = arith.index_cast %get3A_588 : i32 to index
        %get3A_590 = arith.index_cast %add3A_571 : i32 to index
        %get3A_591 = arith.constant 16 : index
        %get3A_592 = tpu.vector_load %arg6[%get3A_589, %get3A_590, %get3A_591] {strides = array<i32>} : memref<2x200x64xf32, #tpu.memory_space<vmem>>, vector<1x1x16xf32>,
        %get3A_593 = vector.shape_cast %get3A_592 : vector<1x1x16xf32> to vector<16xf32>
        %mul3A_594 = arith.constant 8.000000e+00 : f32
        %mul3A_595 = vector.broadcast %mul3A_594 : f32 to vector<16xf32>
        %mul3A_596 = arith.mulf %get3A_593, %mul3A_595 : vector<16xf32>
        %swap3A_597 = arith.constant 0 : i32
        %swap3A_598 = arith.index_cast %swap3A_597 : i32 to index
        %swap3A_599 = arith.index_cast %add3A_571 : i32 to index
        %swap3A_600 = arith.constant 16 : index
        %swap3A_601 = tpu.vector_load %arg6[%swap3A_598, %swap3A_599, %swap3A_600] {strides = array<i32>} : memref<2x200x64xf32, #tpu.memory_space<vmem>>, vector<1x1x16xf32>,
        %swap3A_602 = vector.shape_cast %swap3A_601 : vector<1x1x16xf32> to vector<16xf32>
        %swap3A_603 = vector.shape_cast %mul3A_596 : vector<16xf32> to vector<1x1x16xf32>
        tpu.vector_store %arg6[%swap3A_598, %swap3A_599, %swap3A_600], %swap3A_603 {strides = array<i32>} : memref<2x200x64xf32, #tpu.memory_space<vmem>>, vector<1x1x16xf32>,
        %get3A_604 = arith.constant 0 : i32
        %get3A_605 = arith.index_cast %get3A_604 : i32 to index
        %get3A_606 = arith.index_cast %add3A_571 : i32 to index
        %get3A_607 = arith.constant 32 : index
        %get3A_608 = tpu.vector_load %arg6[%get3A_605, %get3A_606, %get3A_607] {strides = array<i32>} : memref<2x200x64xf32, #tpu.memory_space<vmem>>, vector<1x1x16xf32>,
        %get3A_609 = vector.shape_cast %get3A_608 : vector<1x1x16xf32> to vector<16xf32>
        %mul3A_610 = arith.constant 8.000000e+00 : f32
        %mul3A_611 = vector.broadcast %mul3A_610 : f32 to vector<16xf32>
        %mul3A_612 = arith.mulf %get3A_609, %mul3A_611 : vector<16xf32>
        %swap3A_613 = arith.constant 0 : i32
        %swap3A_614 = arith.index_cast %swap3A_613 : i32 to index
        %swap3A_615 = arith.index_cast %add3A_571 : i32 to index
        %swap3A_616 = arith.constant 32 : index
        %swap3A_617 = tpu.vector_load %arg6[%swap3A_614, %swap3A_615, %swap3A_616] {strides = array<i32>} : memref<2x200x64xf32, #tpu.memory_space<vmem>>, vector<1x1x16xf32>,
        %swap3A_618 = vector.shape_cast %swap3A_617 : vector<1x1x16xf32> to vector<16xf32>
        %swap3A_619 = vector.shape_cast %mul3A_612 : vector<16xf32> to vector<1x1x16xf32>
        tpu.vector_store %arg6[%swap3A_614, %swap3A_615, %swap3A_616], %swap3A_619 {strides = array<i32>} : memref<2x200x64xf32, #tpu.memory_space<vmem>>, vector<1x1x16xf32>,
        %get3A_620 = arith.constant 0 : i32
        %get3A_621 = arith.index_cast %get3A_620 : i32 to index
        %get3A_622 = arith.index_cast %add3A_571 : i32 to index
        %get3A_623 = arith.constant 48 : index
        %get3A_624 = tpu.vector_load %arg6[%get3A_621, %get3A_622, %get3A_623] {strides = array<i32>} : memref<2x200x64xf32, #tpu.memory_space<vmem>>, vector<1x1x16xf32>,
        %get3A_625 = vector.shape_cast %get3A_624 : vector<1x1x16xf32> to vector<16xf32>
        %mul3A_626 = arith.constant 8.000000e+00 : f32
        %mul3A_627 = vector.broadcast %mul3A_626 : f32 to vector<16xf32>
        %mul3A_628 = arith.mulf %get3A_625, %mul3A_627 : vector<16xf32>
        %swap3A_629 = arith.constant 0 : i32
        %swap3A_630 = arith.index_cast %swap3A_629 : i32 to index
        %swap3A_631 = arith.index_cast %add3A_571 : i32 to index
        %swap3A_632 = arith.constant 48 : index
        %swap3A_633 = tpu.vector_load %arg6[%swap3A_630, %swap3A_631, %swap3A_632] {strides = array<i32>} : memref<2x200x64xf32, #tpu.memory_space<vmem>>, vector<1x1x16xf32>,
        %swap3A_634 = vector.shape_cast %swap3A_633 : vector<1x1x16xf32> to vector<16xf32>
        %swap3A_635 = vector.shape_cast %mul3A_628 : vector<16xf32> to vector<1x1x16xf32>
        tpu.vector_store %arg6[%swap3A_630, %swap3A_631, %swap3A_632], %swap3A_635 {strides = array<i32>} : memref<2x200x64xf32, #tpu.memory_space<vmem>>, vector<1x1x16xf32>,
        %mul3A_636 = arith.constant 8 : i32
        %mul3A_637 = arith.muli %scan3A_297, %mul3A_636 : i32
        %add3A_638 = arith.constant 5 : i32
        %add3A_639 = arith.addi %mul3A_637, %add3A_638 : i32
        %get3A_640 = arith.constant 0 : i32
        %get3A_641 = arith.index_cast %get3A_640 : i32 to index
        %get3A_642 = arith.index_cast %add3A_639 : i32 to index
        %get3A_643 = arith.constant 0 : index
        %get3A_644 = tpu.vector_load %arg6[%get3A_641, %get3A_642, %get3A_643] {strides = array<i32>} : memref<2x200x64xf32, #tpu.memory_space<vmem>>, vector<1x1x16xf32>,
        %get3A_645 = vector.shape_cast %get3A_644 : vector<1x1x16xf32> to vector<16xf32>
        %mul3A_646 = arith.constant 8.000000e+00 : f32
        %mul3A_647 = vector.broadcast %mul3A_646 : f32 to vector<16xf32>
        %mul3A_648 = arith.mulf %get3A_645, %mul3A_647 : vector<16xf32>
        %swap3A_649 = arith.constant 0 : i32
        %swap3A_650 = arith.index_cast %swap3A_649 : i32 to index
        %swap3A_651 = arith.index_cast %add3A_639 : i32 to index
        %swap3A_652 = arith.constant 0 : index
        %swap3A_653 = tpu.vector_load %arg6[%swap3A_650, %swap3A_651, %swap3A_652] {strides = array<i32>} : memref<2x200x64xf32, #tpu.memory_space<vmem>>, vector<1x1x16xf32>,
        %swap3A_654 = vector.shape_cast %swap3A_653 : vector<1x1x16xf32> to vector<16xf32>
        %swap3A_655 = vector.shape_cast %mul3A_648 : vector<16xf32> to vector<1x1x16xf32>
        tpu.vector_store %arg6[%swap3A_650, %swap3A_651, %swap3A_652], %swap3A_655 {strides = array<i32>} : memref<2x200x64xf32, #tpu.memory_space<vmem>>, vector<1x1x16xf32>,
        %get3A_656 = arith.constant 0 : i32
        %get3A_657 = arith.index_cast %get3A_656 : i32 to index
        %get3A_658 = arith.index_cast %add3A_639 : i32 to index
        %get3A_659 = arith.constant 16 : index
        %get3A_660 = tpu.vector_load %arg6[%get3A_657, %get3A_658, %get3A_659] {strides = array<i32>} : memref<2x200x64xf32, #tpu.memory_space<vmem>>, vector<1x1x16xf32>,
        %get3A_661 = vector.shape_cast %get3A_660 : vector<1x1x16xf32> to vector<16xf32>
        %mul3A_662 = arith.constant 8.000000e+00 : f32
        %mul3A_663 = vector.broadcast %mul3A_662 : f32 to vector<16xf32>
        %mul3A_664 = arith.mulf %get3A_661, %mul3A_663 : vector<16xf32>
        %swap3A_665 = arith.constant 0 : i32
        %swap3A_666 = arith.index_cast %swap3A_665 : i32 to index
        %swap3A_667 = arith.index_cast %add3A_639 : i32 to index
        %swap3A_668 = arith.constant 16 : index
        %swap3A_669 = tpu.vector_load %arg6[%swap3A_666, %swap3A_667, %swap3A_668] {strides = array<i32>} : memref<2x200x64xf32, #tpu.memory_space<vmem>>, vector<1x1x16xf32>,
        %swap3A_670 = vector.shape_cast %swap3A_669 : vector<1x1x16xf32> to vector<16xf32>
        %swap3A_671 = vector.shape_cast %mul3A_664 : vector<16xf32> to vector<1x1x16xf32>
        tpu.vector_store %arg6[%swap3A_666, %swap3A_667, %swap3A_668], %swap3A_671 {strides = array<i32>} : memref<2x200x64xf32, #tpu.memory_space<vmem>>, vector<1x1x16xf32>,
        %get3A_672 = arith.constant 0 : i32
        %get3A_673 = arith.index_cast %get3A_672 : i32 to index
        %get3A_674 = arith.index_cast %add3A_639 : i32 to index
        %get3A_675 = arith.constant 32 : index
        %get3A_676 = tpu.vector_load %arg6[%get3A_673, %get3A_674, %get3A_675] {strides = array<i32>} : memref<2x200x64xf32, #tpu.memory_space<vmem>>, vector<1x1x16xf32>,
        %get3A_677 = vector.shape_cast %get3A_676 : vector<1x1x16xf32> to vector<16xf32>
        %mul3A_678 = arith.constant 8.000000e+00 : f32
        %mul3A_679 = vector.broadcast %mul3A_678 : f32 to vector<16xf32>
        %mul3A_680 = arith.mulf %get3A_677, %mul3A_679 : vector<16xf32>
        %swap3A_681 = arith.constant 0 : i32
        %swap3A_682 = arith.index_cast %swap3A_681 : i32 to index
        %swap3A_683 = arith.index_cast %add3A_639 : i32 to index
        %swap3A_684 = arith.constant 32 : index
        %swap3A_685 = tpu.vector_load %arg6[%swap3A_682, %swap3A_683, %swap3A_684] {strides = array<i32>} : memref<2x200x64xf32, #tpu.memory_space<vmem>>, vector<1x1x16xf32>,
        %swap3A_686 = vector.shape_cast %swap3A_685 : vector<1x1x16xf32> to vector<16xf32>
        %swap3A_687 = vector.shape_cast %mul3A_680 : vector<16xf32> to vector<1x1x16xf32>
        tpu.vector_store %arg6[%swap3A_682, %swap3A_683, %swap3A_684], %swap3A_687 {strides = array<i32>} : memref<2x200x64xf32, #tpu.memory_space<vmem>>, vector<1x1x16xf32>,
        %get3A_688 = arith.constant 0 : i32
        %get3A_689 = arith.index_cast %get3A_688 : i32 to index
        %get3A_690 = arith.index_cast %add3A_639 : i32 to index
        %get3A_691 = arith.constant 48 : index
        %get3A_692 = tpu.vector_load %arg6[%get3A_689, %get3A_690, %get3A_691] {strides = array<i32>} : memref<2x200x64xf32, #tpu.memory_space<vmem>>, vector<1x1x16xf32>,
        %get3A_693 = vector.shape_cast %get3A_692 : vector<1x1x16xf32> to vector<16xf32>
        %mul3A_694 = arith.constant 8.000000e+00 : f32
        %mul3A_695 = vector.broadcast %mul3A_694 : f32 to vector<16xf32>
        %mul3A_696 = arith.mulf %get3A_693, %mul3A_695 : vector<16xf32>
        %swap3A_697 = arith.constant 0 : i32
        %swap3A_698 = arith.index_cast %swap3A_697 : i32 to index
        %swap3A_699 = arith.index_cast %add3A_639 : i32 to index
        %swap3A_700 = arith.constant 48 : index
        %swap3A_701 = tpu.vector_load %arg6[%swap3A_698, %swap3A_699, %swap3A_700] {strides = array<i32>} : memref<2x200x64xf32, #tpu.memory_space<vmem>>, vector<1x1x16xf32>,
        %swap3A_702 = vector.shape_cast %swap3A_701 : vector<1x1x16xf32> to vector<16xf32>
        %swap3A_703 = vector.shape_cast %mul3A_696 : vector<16xf32> to vector<1x1x16xf32>
        tpu.vector_store %arg6[%swap3A_698, %swap3A_699, %swap3A_700], %swap3A_703 {strides = array<i32>} : memref<2x200x64xf32, #tpu.memory_space<vmem>>, vector<1x1x16xf32>,
        %mul3A_704 = arith.constant 8 : i32
        %mul3A_705 = arith.muli %scan3A_297, %mul3A_704 : i32
        %add3A_706 = arith.constant 6 : i32
        %add3A_707 = arith.addi %mul3A_705, %add3A_706 : i32
        %get3A_708 = arith.constant 0 : i32
        %get3A_709 = arith.index_cast %get3A_708 : i32 to index
        %get3A_710 = arith.index_cast %add3A_707 : i32 to index
        %get3A_711 = arith.constant 0 : index
        %get3A_712 = tpu.vector_load %arg6[%get3A_709, %get3A_710, %get3A_711] {strides = array<i32>} : memref<2x200x64xf32, #tpu.memory_space<vmem>>, vector<1x1x16xf32>,
        %get3A_713 = vector.shape_cast %get3A_712 : vector<1x1x16xf32> to vector<16xf32>
        %mul3A_714 = arith.constant 8.000000e+00 : f32
        %mul3A_715 = vector.broadcast %mul3A_714 : f32 to vector<16xf32>
        %mul3A_716 = arith.mulf %get3A_713, %mul3A_715 : vector<16xf32>
        %swap3A_717 = arith.constant 0 : i32
        %swap3A_718 = arith.index_cast %swap3A_717 : i32 to index
        %swap3A_719 = arith.index_cast %add3A_707 : i32 to index
        %swap3A_720 = arith.constant 0 : index
        %swap3A_721 = tpu.vector_load %arg6[%swap3A_718, %swap3A_719, %swap3A_720] {strides = array<i32>} : memref<2x200x64xf32, #tpu.memory_space<vmem>>, vector<1x1x16xf32>,
        %swap3A_722 = vector.shape_cast %swap3A_721 : vector<1x1x16xf32> to vector<16xf32>
        %swap3A_723 = vector.shape_cast %mul3A_716 : vector<16xf32> to vector<1x1x16xf32>
        tpu.vector_store %arg6[%swap3A_718, %swap3A_719, %swap3A_720], %swap3A_723 {strides = array<i32>} : memref<2x200x64xf32, #tpu.memory_space<vmem>>, vector<1x1x16xf32>,
        %get3A_724 = arith.constant 0 : i32
        %get3A_725 = arith.index_cast %get3A_724 : i32 to index
        %get3A_726 = arith.index_cast %add3A_707 : i32 to index
        %get3A_727 = arith.constant 16 : index
        %get3A_728 = tpu.vector_load %arg6[%get3A_725, %get3A_726, %get3A_727] {strides = array<i32>} : memref<2x200x64xf32, #tpu.memory_space<vmem>>, vector<1x1x16xf32>,
        %get3A_729 = vector.shape_cast %get3A_728 : vector<1x1x16xf32> to vector<16xf32>
        %mul3A_730 = arith.constant 8.000000e+00 : f32
        %mul3A_731 = vector.broadcast %mul3A_730 : f32 to vector<16xf32>
        %mul3A_732 = arith.mulf %get3A_729, %mul3A_731 : vector<16xf32>
        %swap3A_733 = arith.constant 0 : i32
        %swap3A_734 = arith.index_cast %swap3A_733 : i32 to index
        %swap3A_735 = arith.index_cast %add3A_707 : i32 to index
        %swap3A_736 = arith.constant 16 : index
        %swap3A_737 = tpu.vector_load %arg6[%swap3A_734, %swap3A_735, %swap3A_736] {strides = array<i32>} : memref<2x200x64xf32, #tpu.memory_space<vmem>>, vector<1x1x16xf32>,
        %swap3A_738 = vector.shape_cast %swap3A_737 : vector<1x1x16xf32> to vector<16xf32>
        %swap3A_739 = vector.shape_cast %mul3A_732 : vector<16xf32> to vector<1x1x16xf32>
        tpu.vector_store %arg6[%swap3A_734, %swap3A_735, %swap3A_736], %swap3A_739 {strides = array<i32>} : memref<2x200x64xf32, #tpu.memory_space<vmem>>, vector<1x1x16xf32>,
        %get3A_740 = arith.constant 0 : i32
        %get3A_741 = arith.index_cast %get3A_740 : i32 to index
        %get3A_742 = arith.index_cast %add3A_707 : i32 to index
        %get3A_743 = arith.constant 32 : index
        %get3A_744 = tpu.vector_load %arg6[%get3A_741, %get3A_742, %get3A_743] {strides = array<i32>} : memref<2x200x64xf32, #tpu.memory_space<vmem>>, vector<1x1x16xf32>,
        %get3A_745 = vector.shape_cast %get3A_744 : vector<1x1x16xf32> to vector<16xf32>
        %mul3A_746 = arith.constant 8.000000e+00 : f32
        %mul3A_747 = vector.broadcast %mul3A_746 : f32 to vector<16xf32>
        %mul3A_748 = arith.mulf %get3A_745, %mul3A_747 : vector<16xf32>
        %swap3A_749 = arith.constant 0 : i32
        %swap3A_750 = arith.index_cast %swap3A_749 : i32 to index
        %swap3A_751 = arith.index_cast %add3A_707 : i32 to index
        %swap3A_752 = arith.constant 32 : index
        %swap3A_753 = tpu.vector_load %arg6[%swap3A_750, %swap3A_751, %swap3A_752] {strides = array<i32>} : memref<2x200x64xf32, #tpu.memory_space<vmem>>, vector<1x1x16xf32>,
        %swap3A_754 = vector.shape_cast %swap3A_753 : vector<1x1x16xf32> to vector<16xf32>
        %swap3A_755 = vector.shape_cast %mul3A_748 : vector<16xf32> to vector<1x1x16xf32>
        tpu.vector_store %arg6[%swap3A_750, %swap3A_751, %swap3A_752], %swap3A_755 {strides = array<i32>} : memref<2x200x64xf32, #tpu.memory_space<vmem>>, vector<1x1x16xf32>,
        %get3A_756 = arith.constant 0 : i32
        %get3A_757 = arith.index_cast %get3A_756 : i32 to index
        %get3A_758 = arith.index_cast %add3A_707 : i32 to index
        %get3A_759 = arith.constant 48 : index
        %get3A_760 = tpu.vector_load %arg6[%get3A_757, %get3A_758, %get3A_759] {strides = array<i32>} : memref<2x200x64xf32, #tpu.memory_space<vmem>>, vector<1x1x16xf32>,
        %get3A_761 = vector.shape_cast %get3A_760 : vector<1x1x16xf32> to vector<16xf32>
        %mul3A_762 = arith.constant 8.000000e+00 : f32
        %mul3A_763 = vector.broadcast %mul3A_762 : f32 to vector<16xf32>
        %mul3A_764 = arith.mulf %get3A_761, %mul3A_763 : vector<16xf32>
        %swap3A_765 = arith.constant 0 : i32
        %swap3A_766 = arith.index_cast %swap3A_765 : i32 to index
        %swap3A_767 = arith.index_cast %add3A_707 : i32 to index
        %swap3A_768 = arith.constant 48 : index
        %swap3A_769 = tpu.vector_load %arg6[%swap3A_766, %swap3A_767, %swap3A_768] {strides = array<i32>} : memref<2x200x64xf32, #tpu.memory_space<vmem>>, vector<1x1x16xf32>,
        %swap3A_770 = vector.shape_cast %swap3A_769 : vector<1x1x16xf32> to vector<16xf32>
        %swap3A_771 = vector.shape_cast %mul3A_764 : vector<16xf32> to vector<1x1x16xf32>
        tpu.vector_store %arg6[%swap3A_766, %swap3A_767, %swap3A_768], %swap3A_771 {strides = array<i32>} : memref<2x200x64xf32, #tpu.memory_space<vmem>>, vector<1x1x16xf32>,
        %mul3A_772 = arith.constant 8 : i32
        %mul3A_773 = arith.muli %scan3A_297, %mul3A_772 : i32
        %add3A_774 = arith.constant 7 : i32
        %add3A_775 = arith.addi %mul3A_773, %add3A_774 : i32
        %get3A_776 = arith.constant 0 : i32
        %get3A_777 = arith.index_cast %get3A_776 : i32 to index
        %get3A_778 = arith.index_cast %add3A_775 : i32 to index
        %get3A_779 = arith.constant 0 : index
        %get3A_780 = tpu.vector_load %arg6[%get3A_777, %get3A_778, %get3A_779] {strides = array<i32>} : memref<2x200x64xf32, #tpu.memory_space<vmem>>, vector<1x1x16xf32>,
        %get3A_781 = vector.shape_cast %get3A_780 : vector<1x1x16xf32> to vector<16xf32>
        %mul3A_782 = arith.constant 8.000000e+00 : f32
        %mul3A_783 = vector.broadcast %mul3A_782 : f32 to vector<16xf32>
        %mul3A_784 = arith.mulf %get3A_781, %mul3A_783 : vector<16xf32>
        %swap3A_785 = arith.constant 0 : i32
        %swap3A_786 = arith.index_cast %swap3A_785 : i32 to index
        %swap3A_787 = arith.index_cast %add3A_775 : i32 to index
        %swap3A_788 = arith.constant 0 : index
        %swap3A_789 = tpu.vector_load %arg6[%swap3A_786, %swap3A_787, %swap3A_788] {strides = array<i32>} : memref<2x200x64xf32, #tpu.memory_space<vmem>>, vector<1x1x16xf32>,
        %swap3A_790 = vector.shape_cast %swap3A_789 : vector<1x1x16xf32> to vector<16xf32>
        %swap3A_791 = vector.shape_cast %mul3A_784 : vector<16xf32> to vector<1x1x16xf32>
        tpu.vector_store %arg6[%swap3A_786, %swap3A_787, %swap3A_788], %swap3A_791 {strides = array<i32>} : memref<2x200x64xf32, #tpu.memory_space<vmem>>, vector<1x1x16xf32>,
        %get3A_792 = arith.constant 0 : i32
        %get3A_793 = arith.index_cast %get3A_792 : i32 to index
        %get3A_794 = arith.index_cast %add3A_775 : i32 to index
        %get3A_795 = arith.constant 16 : index
        %get3A_796 = tpu.vector_load %arg6[%get3A_793, %get3A_794, %get3A_795] {strides = array<i32>} : memref<2x200x64xf32, #tpu.memory_space<vmem>>, vector<1x1x16xf32>,
        %get3A_797 = vector.shape_cast %get3A_796 : vector<1x1x16xf32> to vector<16xf32>
        %mul3A_798 = arith.constant 8.000000e+00 : f32
        %mul3A_799 = vector.broadcast %mul3A_798 : f32 to vector<16xf32>
        %mul3A_800 = arith.mulf %get3A_797, %mul3A_799 : vector<16xf32>
        %swap3A_801 = arith.constant 0 : i32
        %swap3A_802 = arith.index_cast %swap3A_801 : i32 to index
        %swap3A_803 = arith.index_cast %add3A_775 : i32 to index
        %swap3A_804 = arith.constant 16 : index
        %swap3A_805 = tpu.vector_load %arg6[%swap3A_802, %swap3A_803, %swap3A_804] {strides = array<i32>} : memref<2x200x64xf32, #tpu.memory_space<vmem>>, vector<1x1x16xf32>,
        %swap3A_806 = vector.shape_cast %swap3A_805 : vector<1x1x16xf32> to vector<16xf32>
        %swap3A_807 = vector.shape_cast %mul3A_800 : vector<16xf32> to vector<1x1x16xf32>
        tpu.vector_store %arg6[%swap3A_802, %swap3A_803, %swap3A_804], %swap3A_807 {strides = array<i32>} : memref<2x200x64xf32, #tpu.memory_space<vmem>>, vector<1x1x16xf32>,
        %get3A_808 = arith.constant 0 : i32
        %get3A_809 = arith.index_cast %get3A_808 : i32 to index
        %get3A_810 = arith.index_cast %add3A_775 : i32 to index
        %get3A_811 = arith.constant 32 : index
        %get3A_812 = tpu.vector_load %arg6[%get3A_809, %get3A_810, %get3A_811] {strides = array<i32>} : memref<2x200x64xf32, #tpu.memory_space<vmem>>, vector<1x1x16xf32>,
        %get3A_813 = vector.shape_cast %get3A_812 : vector<1x1x16xf32> to vector<16xf32>
        %mul3A_814 = arith.constant 8.000000e+00 : f32
        %mul3A_815 = vector.broadcast %mul3A_814 : f32 to vector<16xf32>
        %mul3A_816 = arith.mulf %get3A_813, %mul3A_815 : vector<16xf32>
        %swap3A_817 = arith.constant 0 : i32
        %swap3A_818 = arith.index_cast %swap3A_817 : i32 to index
        %swap3A_819 = arith.index_cast %add3A_775 : i32 to index
        %swap3A_820 = arith.constant 32 : index
        %swap3A_821 = tpu.vector_load %arg6[%swap3A_818, %swap3A_819, %swap3A_820] {strides = array<i32>} : memref<2x200x64xf32, #tpu.memory_space<vmem>>, vector<1x1x16xf32>,
        %swap3A_822 = vector.shape_cast %swap3A_821 : vector<1x1x16xf32> to vector<16xf32>
        %swap3A_823 = vector.shape_cast %mul3A_816 : vector<16xf32> to vector<1x1x16xf32>
        tpu.vector_store %arg6[%swap3A_818, %swap3A_819, %swap3A_820], %swap3A_823 {strides = array<i32>} : memref<2x200x64xf32, #tpu.memory_space<vmem>>, vector<1x1x16xf32>,
        %get3A_824 = arith.constant 0 : i32
        %get3A_825 = arith.index_cast %get3A_824 : i32 to index
        %get3A_826 = arith.index_cast %add3A_775 : i32 to index
        %get3A_827 = arith.constant 48 : index
        %get3A_828 = tpu.vector_load %arg6[%get3A_825, %get3A_826, %get3A_827] {strides = array<i32>} : memref<2x200x64xf32, #tpu.memory_space<vmem>>, vector<1x1x16xf32>,
        %get3A_829 = vector.shape_cast %get3A_828 : vector<1x1x16xf32> to vector<16xf32>
        %mul3A_830 = arith.constant 8.000000e+00 : f32
        %mul3A_831 = vector.broadcast %mul3A_830 : f32 to vector<16xf32>
        %mul3A_832 = arith.mulf %get3A_829, %mul3A_831 : vector<16xf32>
        %swap3A_833 = arith.constant 0 : i32
        %swap3A_834 = arith.index_cast %swap3A_833 : i32 to index
        %swap3A_835 = arith.index_cast %add3A_775 : i32 to index
        %swap3A_836 = arith.constant 48 : index
        %swap3A_837 = tpu.vector_load %arg6[%swap3A_834, %swap3A_835, %swap3A_836] {strides = array<i32>} : memref<2x200x64xf32, #tpu.memory_space<vmem>>, vector<1x1x16xf32>,
        %swap3A_838 = vector.shape_cast %swap3A_837 : vector<1x1x16xf32> to vector<16xf32>
        %swap3A_839 = vector.shape_cast %mul3A_832 : vector<16xf32> to vector<1x1x16xf32>
        tpu.vector_store %arg6[%swap3A_834, %swap3A_835, %swap3A_836], %swap3A_839 {strides = array<i32>} : memref<2x200x64xf32, #tpu.memory_space<vmem>>, vector<1x1x16xf32>,
      }
      %scan3A_191 = arith.constant 25 : i32
      %mul3A_192 = arith.constant 128 : i32
      %mul3A_193 = arith.muli %add3A, %mul3A_192 : i32
      %add3A_194 = arith.addi %mul3A_193, %add3A_145 : i32
      %dma_start3A_195 = arith.constant 0 : i32
      %dma_start3A_196 = arith.constant 0 : i32
      %dma_start3A_197 = arith.constant 0 : i32
      %dma_start3A_198 = tpu.memref_slice %arg6[%dma_start3A_195, %dma_start3A_196, %dma_start3A_197] : memref<2x200x64xf32, #tpu.memory_space<vmem>> -> memref<1x200x64xf32, #tpu.memory_space<vmem>>
      %dma_start3A_199 = tpu.memref_squeeze %dma_start3A_198 : memref<1x200x64xf32, #tpu.memory_space<vmem>> -> memref<200x64xf32, #tpu.memory_space<vmem>>
      %dma_start3A_200 = arith.constant 0 : i32
      %dma_start3A_201 = arith.constant 0 : i32
      %dma_start3A_202 = tpu.memref_slice %arg4[%add3A_194, %dma_start3A_200, %dma_start3A_201] : memref<4096x200x128xf32, #tpu.memory_space<hbm>> -> memref<1x200x128xf32, #tpu.memory_space<hbm>>
      %dma_start3A_203 = tpu.memref_squeeze %dma_start3A_202 : memref<1x200x128xf32, #tpu.memory_space<hbm>> -> memref<200x128xf32, #tpu.memory_space<hbm>>
      %dma_start3A_204 = arith.constant 0 : i32
      %dma_start3A_205 = arith.constant 0 : i32
      %dma_start3A_206 = tpu.memref_slice %dma_start3A_203[%dma_start3A_204, %dma_start3A_205] : memref<200x128xf32, #tpu.memory_space<hbm>> -> memref<200x64xf32, #tpu.memory_space<hbm>>
      %dma_start3A_207 = arith.constant 0 : i32
      %dma_start3A_208 = arith.constant 0 : i32
      %dma_start3A_209 = tpu.memref_slice %arg4[%add3A_194, %dma_start3A_207, %dma_start3A_208] : memref<4096x200x128xf32, #tpu.memory_space<hbm>> -> memref<1x200x128xf32, #tpu.memory_space<hbm>>
      %dma_start3A_210 = tpu.memref_squeeze %dma_start3A_209 : memref<1x200x128xf32, #tpu.memory_space<hbm>> -> memref<200x128xf32, #tpu.memory_space<hbm>>
      %dma_start3A_211 = arith.constant 0 : i32
      %dma_start3A_212 = arith.constant 0 : i32
      %dma_start3A_213 = tpu.memref_slice %dma_start3A_210[%dma_start3A_211, %dma_start3A_212] : memref<200x128xf32, #tpu.memory_space<hbm>> -> memref<200x64xf32, #tpu.memory_space<hbm>>
      %dma_start3A_214 = arith.constant 0 : i32
      %dma_start3A_215 = arith.constant 0 : i32
      %dma_start3A_216 = tpu.memref_slice %arg6[%dma_start3A_195, %dma_start3A_214, %dma_start3A_215] : memref<2x200x64xf32, #tpu.memory_space<vmem>> -> memref<1x200x64xf32, #tpu.memory_space<vmem>>
      %dma_start3A_217 = tpu.memref_squeeze %dma_start3A_216 : memref<1x200x64xf32, #tpu.memory_space<vmem>> -> memref<200x64xf32, #tpu.memory_space<vmem>>
      tpu.enqueue_dma source(%dma_start3A_217 : memref<200x64xf32, #tpu.memory_space<vmem>>) target(%dma_start3A_213 : memref<200x64xf32, #tpu.memory_space<hbm>>) target_semaphore(%arg11 : memref<!tpu.dma_semaphore, #tpu.memory_space<semaphore_mem>>)
      %mul3A_218 = arith.constant 2 : i32
      %mul3A_219 = arith.muli %scan3A_141, %mul3A_218 : i32
      %add3A_220 = arith.constant 1 : i32
      %add3A_221 = arith.addi %mul3A_219, %add3A_220 : i32
      %mul3A_222 = arith.constant 2 : i32
      %mul3A_223 = arith.muli %scan3A_141, %mul3A_222 : i32
      %add3A_224 = arith.constant 1 : i32
      %add3A_225 = arith.addi %mul3A_223, %add3A_224 : i32
      %lt3A_226 = arith.constant 127 : i32
      %lt3A_227 = arith.cmpi slt, %add3A_225, %lt3A_226 : i32
      %convert_element_type3A_228 = arith.extui %lt3A_227 : i1 to i32
      %cond3A_229 = arith.constant 0 : i32
      %cond3A_230 = arith.cmpi ne, %convert_element_type3A_228, %cond3A_229 : i32
      scf.if %cond3A_230 {
        %mul3A_297 = arith.constant 128 : i32
        %mul3A_298 = arith.muli %add3A, %mul3A_297 : i32
        %dma_wait3A_299 = arith.constant 0 : i32
        %dma_wait3A_300 = arith.constant 0 : i32
        %dma_wait3A_301 = tpu.memref_slice %arg5[%dma_wait3A_299, %dma_wait3A_300] : memref<2x200xi32, #tpu.memory_space<vmem>> -> memref<1x200xi32, #tpu.memory_space<vmem>>
        %dma_wait3A_302 = tpu.memref_squeeze %dma_wait3A_301 : memref<1x200xi32, #tpu.memory_space<vmem>> -> memref<200xi32, #tpu.memory_space<vmem>>
        %dma_wait3A_303 = arith.constant 0 : i32
        %dma_wait3A_304 = tpu.memref_slice %arg2[%mul3A_298, %dma_wait3A_303] : memref<4096x200xi32, #tpu.memory_space<hbm>> -> memref<1x200xi32, #tpu.memory_space<hbm>>
        %dma_wait3A_305 = tpu.memref_squeeze %dma_wait3A_304 : memref<1x200xi32, #tpu.memory_space<hbm>> -> memref<200xi32, #tpu.memory_space<hbm>>
        %dma_wait3A_306 = arith.constant 0 : i32
        %dma_wait3A_307 = tpu.memref_slice %arg5[%dma_wait3A_299, %dma_wait3A_306] : memref<2x200xi32, #tpu.memory_space<vmem>> -> memref<1x200xi32, #tpu.memory_space<vmem>>
        %dma_wait3A_308 = tpu.memref_squeeze %dma_wait3A_307 : memref<1x200xi32, #tpu.memory_space<vmem>> -> memref<200xi32, #tpu.memory_space<vmem>>
        %dma_wait3A_309 = arith.constant 0 : i32
        %dma_wait3A_310 = tpu.memref_slice %arg2[%mul3A_298, %dma_wait3A_309] : memref<4096x200xi32, #tpu.memory_space<hbm>> -> memref<1x200xi32, #tpu.memory_space<hbm>>
        %dma_wait3A_311 = tpu.memref_squeeze %dma_wait3A_310 : memref<1x200xi32, #tpu.memory_space<hbm>> -> memref<200xi32, #tpu.memory_space<hbm>>
        tpu.wait_dma2 semaphore(%arg7 : memref<!tpu.dma_semaphore, #tpu.memory_space<semaphore_mem>>) src(%dma_wait3A_311 : memref<200xi32, #tpu.memory_space<hbm>>) dst(%dma_wait3A_308 : memref<200xi32, #tpu.memory_space<vmem>>)
        %sub3A = arith.constant 1 : i32
        %sub3A_312 = arith.subi %add3A_221, %sub3A : i32
        %mul3A_313 = arith.constant 128 : i32
        %mul3A_314 = arith.muli %add3A, %mul3A_313 : i32
        %add3A_315 = arith.addi %mul3A_314, %sub3A_312 : i32
        %dma_wait3A_316 = arith.constant 0 : i32
        %dma_wait3A_317 = arith.constant 0 : i32
        %dma_wait3A_318 = arith.constant 0 : i32
        %dma_wait3A_319 = tpu.memref_slice %arg6[%dma_wait3A_316, %dma_wait3A_317, %dma_wait3A_318] : memref<2x200x64xf32, #tpu.memory_space<vmem>> -> memref<1x200x64xf32, #tpu.memory_space<vmem>>
        %dma_wait3A_320 = tpu.memref_squeeze %dma_wait3A_319 : memref<1x200x64xf32, #tpu.memory_space<vmem>> -> memref<200x64xf32, #tpu.memory_space<vmem>>
        %dma_wait3A_321 = arith.constant 0 : i32
        %dma_wait3A_322 = arith.constant 0 : i32
        %dma_wait3A_323 = tpu.memref_slice %arg4[%add3A_315, %dma_wait3A_321, %dma_wait3A_322] : memref<4096x200x128xf32, #tpu.memory_space<hbm>> -> memref<1x200x128xf32, #tpu.memory_space<hbm>>
        %dma_wait3A_324 = tpu.memref_squeeze %dma_wait3A_323 : memref<1x200x128xf32, #tpu.memory_space<hbm>> -> memref<200x128xf32, #tpu.memory_space<hbm>>
        %dma_wait3A_325 = arith.constant 0 : i32
        %dma_wait3A_326 = arith.constant 0 : i32
        %dma_wait3A_327 = tpu.memref_slice %dma_wait3A_324[%dma_wait3A_325, %dma_wait3A_326] : memref<200x128xf32, #tpu.memory_space<hbm>> -> memref<200x64xf32, #tpu.memory_space<hbm>>
        %dma_wait3A_328 = arith.constant 0 : i32
        %dma_wait3A_329 = arith.constant 0 : i32
        %dma_wait3A_330 = tpu.memref_slice %arg4[%add3A_315, %dma_wait3A_328, %dma_wait3A_329] : memref<4096x200x128xf32, #tpu.memory_space<hbm>> -> memref<1x200x128xf32, #tpu.memory_space<hbm>>
        %dma_wait3A_331 = tpu.memref_squeeze %dma_wait3A_330 : memref<1x200x128xf32, #tpu.memory_space<hbm>> -> memref<200x128xf32, #tpu.memory_space<hbm>>
        %dma_wait3A_332 = arith.constant 0 : i32
        %dma_wait3A_333 = arith.constant 0 : i32
        %dma_wait3A_334 = tpu.memref_slice %dma_wait3A_331[%dma_wait3A_332, %dma_wait3A_333] : memref<200x128xf32, #tpu.memory_space<hbm>> -> memref<200x64xf32, #tpu.memory_space<hbm>>
        %dma_wait3A_335 = arith.constant 0 : i32
        %dma_wait3A_336 = arith.constant 0 : i32
        %dma_wait3A_337 = tpu.memref_slice %arg6[%dma_wait3A_316, %dma_wait3A_335, %dma_wait3A_336] : memref<2x200x64xf32, #tpu.memory_space<vmem>> -> memref<1x200x64xf32, #tpu.memory_space<vmem>>
        %dma_wait3A_338 = tpu.memref_squeeze %dma_wait3A_337 : memref<1x200x64xf32, #tpu.memory_space<vmem>> -> memref<200x64xf32, #tpu.memory_space<vmem>>
        tpu.wait_dma2 semaphore(%arg11 : memref<!tpu.dma_semaphore, #tpu.memory_space<semaphore_mem>>) src(%dma_wait3A_338 : memref<200x64xf32, #tpu.memory_space<vmem>>) dst(%dma_wait3A_334 : memref<200x64xf32, #tpu.memory_space<hbm>>)
        %dma_start3A_339 = arith.constant 0 : i32
        %dma_start3A_340 = arith.constant 0 : i32
        %dma_start3A_341 = arith.constant 0 : i32
        %dma_start3A_342 = arith.constant 0 : i32
        %dma_start3A_343 = tpu.memref_slice %arg6[%dma_start3A_340, %dma_start3A_341, %dma_start3A_342] : memref<2x200x64xf32, #tpu.memory_space<vmem>> -> memref<1x200x64xf32, #tpu.memory_space<vmem>>
        %dma_start3A_344 = tpu.memref_squeeze %dma_start3A_343 : memref<1x200x64xf32, #tpu.memory_space<vmem>> -> memref<200x64xf32, #tpu.memory_space<vmem>>
        %dma_start3A_345 = arith.constant 0 : i32
        %dma_start3A_346 = arith.constant 0 : i32
        %dma_start3A_347 = tpu.memref_slice %dma_start3A_344[%dma_start3A_345, %dma_start3A_346] : memref<200x64xf32, #tpu.memory_space<vmem>> -> memref<128x64xf32, #tpu.memory_space<vmem>>
        %dma_start3A_348 = arith.constant 0 : i32
        %dma_start3A_349 = tpu.memref_slice %arg5[%dma_start3A_339, %dma_start3A_348] : memref<2x200xi32, #tpu.memory_space<vmem>> -> memref<1x200xi32, #tpu.memory_space<vmem>>
        %dma_start3A_350 = tpu.memref_squeeze %dma_start3A_349 : memref<1x200xi32, #tpu.memory_space<vmem>> -> memref<200xi32, #tpu.memory_space<vmem>>
        %dma_start3A_351 = arith.constant 0 : i32
        %dma_start3A_352 = tpu.memref_slice %dma_start3A_350[%dma_start3A_351] : memref<200xi32, #tpu.memory_space<vmem>> -> memref<128xi32, #tpu.memory_space<vmem>>
        %dma_start3A_353 = arith.constant 0 : i32
        %dma_start3A_354 = arith.constant 0 : i32
        %dma_start3A_355 = tpu.memref_slice %arg3[%dma_start3A_353, %dma_start3A_354] : memref<1000000x64xf32, #tpu.memory_space<hbm>> -> memref<1000000x64xf32, #tpu.memory_space<hbm>>
        tpu.enqueue_indirect_dma source(%dma_start3A_355 : memref<1000000x64xf32, #tpu.memory_space<hbm>>) target(%dma_start3A_347 : memref<128x64xf32, #tpu.memory_space<vmem>>) offsets(%dma_start3A_352 : memref<128xi32, #tpu.memory_space<vmem>>) semaphore(%arg9 : memref<!tpu.dma_semaphore, #tpu.memory_space<semaphore_mem>>)
        %dma_start3A_356 = arith.constant 0 : i32
        %dma_start3A_357 = arith.constant 0 : i32
        %dma_start3A_358 = arith.constant 0 : i32
        %dma_start3A_359 = arith.constant 0 : i32
        %dma_start3A_360 = tpu.memref_slice %arg6[%dma_start3A_357, %dma_start3A_358, %dma_start3A_359] : memref<2x200x64xf32, #tpu.memory_space<vmem>> -> memref<1x200x64xf32, #tpu.memory_space<vmem>>
        %dma_start3A_361 = tpu.memref_squeeze %dma_start3A_360 : memref<1x200x64xf32, #tpu.memory_space<vmem>> -> memref<200x64xf32, #tpu.memory_space<vmem>>
        %dma_start3A_362 = arith.constant 128 : i32
        %dma_start3A_363 = arith.constant 0 : i32
        %dma_start3A_364 = tpu.memref_slice %dma_start3A_361[%dma_start3A_362, %dma_start3A_363] : memref<200x64xf32, #tpu.memory_space<vmem>> -> memref<72x64xf32, #tpu.memory_space<vmem>>
        %dma_start3A_365 = arith.constant 0 : i32
        %dma_start3A_366 = tpu.memref_slice %arg5[%dma_start3A_356, %dma_start3A_365] : memref<2x200xi32, #tpu.memory_space<vmem>> -> memref<1x200xi32, #tpu.memory_space<vmem>>
        %dma_start3A_367 = tpu.memref_squeeze %dma_start3A_366 : memref<1x200xi32, #tpu.memory_space<vmem>> -> memref<200xi32, #tpu.memory_space<vmem>>
        %dma_start3A_368 = arith.constant 128 : i32
        %dma_start3A_369 = tpu.memref_slice %dma_start3A_367[%dma_start3A_368] : memref<200xi32, #tpu.memory_space<vmem>> -> memref<72xi32, #tpu.memory_space<vmem>>
        %dma_start3A_370 = arith.constant 0 : i32
        %dma_start3A_371 = arith.constant 0 : i32
        %dma_start3A_372 = tpu.memref_slice %arg3[%dma_start3A_370, %dma_start3A_371] : memref<1000000x64xf32, #tpu.memory_space<hbm>> -> memref<1000000x64xf32, #tpu.memory_space<hbm>>
        tpu.enqueue_indirect_dma source(%dma_start3A_372 : memref<1000000x64xf32, #tpu.memory_space<hbm>>) target(%dma_start3A_364 : memref<72x64xf32, #tpu.memory_space<vmem>>) offsets(%dma_start3A_369 : memref<72xi32, #tpu.memory_space<vmem>>) semaphore(%arg9 : memref<!tpu.dma_semaphore, #tpu.memory_space<semaphore_mem>>)
        %mul3A_373 = arith.constant 2 : i32
        %mul3A_374 = arith.muli %scan3A_141, %mul3A_373 : i32
        %add3A_375 = arith.constant 1 : i32
        %add3A_376 = arith.addi %mul3A_374, %add3A_375 : i32
        %lt3A_377 = arith.constant 126 : i32
        %lt3A_378 = arith.cmpi slt, %add3A_376, %lt3A_377 : i32
        %convert_element_type3A_379 = arith.extui %lt3A_378 : i1 to i32
        %cond3A_380 = arith.constant 0 : i32
        %cond3A_381 = arith.cmpi ne, %convert_element_type3A_379, %cond3A_380 : i32
        scf.if %cond3A_381 {
          %add3A_382 = arith.constant 2 : i32
          %add3A_383 = arith.addi %add3A_221, %add3A_382 : i32
          %mul3A_384 = arith.constant 128 : i32
          %mul3A_385 = arith.muli %add3A, %mul3A_384 : i32
          %add3A_386 = arith.addi %mul3A_385, %add3A_383 : i32
          %dma_start3A_387 = arith.constant 1 : i32
          %dma_start3A_388 = arith.constant 0 : i32
          %dma_start3A_389 = tpu.memref_slice %arg5[%dma_start3A_387, %dma_start3A_388] : memref<2x200xi32, #tpu.memory_space<vmem>> -> memref<1x200xi32, #tpu.memory_space<vmem>>
          %dma_start3A_390 = tpu.memref_squeeze %dma_start3A_389 : memref<1x200xi32, #tpu.memory_space<vmem>> -> memref<200xi32, #tpu.memory_space<vmem>>
          %dma_start3A_391 = arith.constant 0 : i32
          %dma_start3A_392 = tpu.memref_slice %arg2[%add3A_386, %dma_start3A_391] : memref<4096x200xi32, #tpu.memory_space<hbm>> -> memref<1x200xi32, #tpu.memory_space<hbm>>
          %dma_start3A_393 = tpu.memref_squeeze %dma_start3A_392 : memref<1x200xi32, #tpu.memory_space<hbm>> -> memref<200xi32, #tpu.memory_space<hbm>>
          %dma_start3A_394 = arith.constant 0 : i32
          %dma_start3A_395 = tpu.memref_slice %arg5[%dma_start3A_387, %dma_start3A_394] : memref<2x200xi32, #tpu.memory_space<vmem>> -> memref<1x200xi32, #tpu.memory_space<vmem>>
          %dma_start3A_396 = tpu.memref_squeeze %dma_start3A_395 : memref<1x200xi32, #tpu.memory_space<vmem>> -> memref<200xi32, #tpu.memory_space<vmem>>
          %dma_start3A_397 = arith.constant 0 : i32
          %dma_start3A_398 = tpu.memref_slice %arg2[%add3A_386, %dma_start3A_397] : memref<4096x200xi32, #tpu.memory_space<hbm>> -> memref<1x200xi32, #tpu.memory_space<hbm>>
          %dma_start3A_399 = tpu.memref_squeeze %dma_start3A_398 : memref<1x200xi32, #tpu.memory_space<hbm>> -> memref<200xi32, #tpu.memory_space<hbm>>
          tpu.enqueue_dma source(%dma_start3A_399 : memref<200xi32, #tpu.memory_space<hbm>>) target(%dma_start3A_396 : memref<200xi32, #tpu.memory_space<vmem>>) target_semaphore(%arg8 : memref<!tpu.dma_semaphore, #tpu.memory_space<semaphore_mem>>)
        } else {
        }
      } else {
      }
      %dma_wait3A_231 = arith.constant 1 : i32
      %dma_wait3A_232 = arith.constant 1 : i32
      %dma_wait3A_233 = arith.constant 0 : i32
      %dma_wait3A_234 = arith.constant 0 : i32
      %dma_wait3A_235 = tpu.memref_slice %arg6[%dma_wait3A_232, %dma_wait3A_233, %dma_wait3A_234] : memref<2x200x64xf32, #tpu.memory_space<vmem>> -> memref<1x200x64xf32, #tpu.memory_space<vmem>>
      %dma_wait3A_236 = tpu.memref_squeeze %dma_wait3A_235 : memref<1x200x64xf32, #tpu.memory_space<vmem>> -> memref<200x64xf32, #tpu.memory_space<vmem>>
      %dma_wait3A_237 = arith.constant 0 : i32
      %dma_wait3A_238 = arith.constant 0 : i32
      %dma_wait3A_239 = tpu.memref_slice %dma_wait3A_236[%dma_wait3A_237, %dma_wait3A_238] : memref<200x64xf32, #tpu.memory_space<vmem>> -> memref<128x64xf32, #tpu.memory_space<vmem>>
      %dma_wait3A_240 = arith.constant 0 : i32
      %dma_wait3A_241 = tpu.memref_slice %arg5[%dma_wait3A_231, %dma_wait3A_240] : memref<2x200xi32, #tpu.memory_space<vmem>> -> memref<1x200xi32, #tpu.memory_space<vmem>>
      %dma_wait3A_242 = tpu.memref_squeeze %dma_wait3A_241 : memref<1x200xi32, #tpu.memory_space<vmem>> -> memref<200xi32, #tpu.memory_space<vmem>>
      %dma_wait3A_243 = arith.constant 0 : i32
      %dma_wait3A_244 = tpu.memref_slice %dma_wait3A_242[%dma_wait3A_243] : memref<200xi32, #tpu.memory_space<vmem>> -> memref<128xi32, #tpu.memory_space<vmem>>
      %dma_wait3A_245 = arith.constant 0 : i32
      %dma_wait3A_246 = arith.constant 0 : i32
      %dma_wait3A_247 = tpu.memref_slice %arg3[%dma_wait3A_245, %dma_wait3A_246] : memref<1000000x64xf32, #tpu.memory_space<hbm>> -> memref<1000000x64xf32, #tpu.memory_space<hbm>>
      tpu.wait_indirect_dma semaphore(%arg10 : memref<!tpu.dma_semaphore, #tpu.memory_space<semaphore_mem>>) src(%dma_wait3A_247 : memref<1000000x64xf32, #tpu.memory_space<hbm>>) dst(%dma_wait3A_239 : memref<128x64xf32, #tpu.memory_space<vmem>>)
      %dma_wait3A_248 = arith.constant 1 : i32
      %dma_wait3A_249 = arith.constant 1 : i32
      %dma_wait3A_250 = arith.constant 0 : i32
      %dma_wait3A_251 = arith.constant 0 : i32
      %dma_wait3A_252 = tpu.memref_slice %arg6[%dma_wait3A_249, %dma_wait3A_250, %dma_wait3A_251] : memref<2x200x64xf32, #tpu.memory_space<vmem>> -> memref<1x200x64xf32, #tpu.memory_space<vmem>>
      %dma_wait3A_253 = tpu.memref_squeeze %dma_wait3A_252 : memref<1x200x64xf32, #tpu.memory_space<vmem>> -> memref<200x64xf32, #tpu.memory_space<vmem>>
      %dma_wait3A_254 = arith.constant 128 : i32
      %dma_wait3A_255 = arith.constant 0 : i32
      %dma_wait3A_256 = tpu.memref_slice %dma_wait3A_253[%dma_wait3A_254, %dma_wait3A_255] : memref<200x64xf32, #tpu.memory_space<vmem>> -> memref<72x64xf32, #tpu.memory_space<vmem>>
      %dma_wait3A_257 = arith.constant 0 : i32
      %dma_wait3A_258 = tpu.memref_slice %arg5[%dma_wait3A_248, %dma_wait3A_257] : memref<2x200xi32, #tpu.memory_space<vmem>> -> memref<1x200xi32, #tpu.memory_space<vmem>>
      %dma_wait3A_259 = tpu.memref_squeeze %dma_wait3A_258 : memref<1x200xi32, #tpu.memory_space<vmem>> -> memref<200xi32, #tpu.memory_space<vmem>>
      %dma_wait3A_260 = arith.constant 128 : i32
      %dma_wait3A_261 = tpu.memref_slice %dma_wait3A_259[%dma_wait3A_260] : memref<200xi32, #tpu.memory_space<vmem>> -> memref<72xi32, #tpu.memory_space<vmem>>
      %dma_wait3A_262 = arith.constant 0 : i32
      %dma_wait3A_263 = arith.constant 0 : i32
      %dma_wait3A_264 = tpu.memref_slice %arg3[%dma_wait3A_262, %dma_wait3A_263] : memref<1000000x64xf32, #tpu.memory_space<hbm>> -> memref<1000000x64xf32, #tpu.memory_space<hbm>>
      tpu.wait_indirect_dma semaphore(%arg10 : memref<!tpu.dma_semaphore, #tpu.memory_space<semaphore_mem>>) src(%dma_wait3A_264 : memref<1000000x64xf32, #tpu.memory_space<hbm>>) dst(%dma_wait3A_256 : memref<72x64xf32, #tpu.memory_space<vmem>>)
      %scan3A_265 = arith.constant 0 : i32
      %scan3A_266 = arith.constant 0 : i32
      %scan3A_267 = arith.constant 25 : i32
      %scan3A_268 = arith.addi %scan3A_266, %scan3A_267 : i32
      %scan3A_269 = arith.constant 1 : i32
      scf.for %scan3A_297 = %scan3A_266 to %scan3A_268 step %scan3A_269  : i32 {
        %mul3A_298 = arith.constant 8 : i32
        %mul3A_299 = arith.muli %scan3A_297, %mul3A_298 : i32
        %add3A_300 = arith.constant 0 : i32
        %add3A_301 = arith.addi %mul3A_299, %add3A_300 : i32
        %get3A = arith.constant 1 : i32
        %get3A_302 = arith.index_cast %get3A : i32 to index
        %get3A_303 = arith.index_cast %add3A_301 : i32 to index
        %get3A_304 = arith.constant 0 : index
        %get3A_305 = tpu.vector_load %arg6[%get3A_302, %get3A_303, %get3A_304] {strides = array<i32>} : memref<2x200x64xf32, #tpu.memory_space<vmem>>, vector<1x1x16xf32>,
        %get3A_306 = vector.shape_cast %get3A_305 : vector<1x1x16xf32> to vector<16xf32>
        %mul3A_307 = arith.constant 8.000000e+00 : f32
        %mul3A_308 = vector.broadcast %mul3A_307 : f32 to vector<16xf32>
        %mul3A_309 = arith.mulf %get3A_306, %mul3A_308 : vector<16xf32>
        %swap3A = arith.constant 1 : i32
        %swap3A_310 = arith.index_cast %swap3A : i32 to index
        %swap3A_311 = arith.index_cast %add3A_301 : i32 to index
        %swap3A_312 = arith.constant 0 : index
        %swap3A_313 = tpu.vector_load %arg6[%swap3A_310, %swap3A_311, %swap3A_312] {strides = array<i32>} : memref<2x200x64xf32, #tpu.memory_space<vmem>>, vector<1x1x16xf32>,
        %swap3A_314 = vector.shape_cast %swap3A_313 : vector<1x1x16xf32> to vector<16xf32>
        %swap3A_315 = vector.shape_cast %mul3A_309 : vector<16xf32> to vector<1x1x16xf32>
        tpu.vector_store %arg6[%swap3A_310, %swap3A_311, %swap3A_312], %swap3A_315 {strides = array<i32>} : memref<2x200x64xf32, #tpu.memory_space<vmem>>, vector<1x1x16xf32>,
        %get3A_316 = arith.constant 1 : i32
        %get3A_317 = arith.index_cast %get3A_316 : i32 to index
        %get3A_318 = arith.index_cast %add3A_301 : i32 to index
        %get3A_319 = arith.constant 16 : index
        %get3A_320 = tpu.vector_load %arg6[%get3A_317, %get3A_318, %get3A_319] {strides = array<i32>} : memref<2x200x64xf32, #tpu.memory_space<vmem>>, vector<1x1x16xf32>,
        %get3A_321 = vector.shape_cast %get3A_320 : vector<1x1x16xf32> to vector<16xf32>
        %mul3A_322 = arith.constant 8.000000e+00 : f32
        %mul3A_323 = vector.broadcast %mul3A_322 : f32 to vector<16xf32>
        %mul3A_324 = arith.mulf %get3A_321, %mul3A_323 : vector<16xf32>
        %swap3A_325 = arith.constant 1 : i32
        %swap3A_326 = arith.index_cast %swap3A_325 : i32 to index
        %swap3A_327 = arith.index_cast %add3A_301 : i32 to index
        %swap3A_328 = arith.constant 16 : index
        %swap3A_329 = tpu.vector_load %arg6[%swap3A_326, %swap3A_327, %swap3A_328] {strides = array<i32>} : memref<2x200x64xf32, #tpu.memory_space<vmem>>, vector<1x1x16xf32>,
        %swap3A_330 = vector.shape_cast %swap3A_329 : vector<1x1x16xf32> to vector<16xf32>
        %swap3A_331 = vector.shape_cast %mul3A_324 : vector<16xf32> to vector<1x1x16xf32>
        tpu.vector_store %arg6[%swap3A_326, %swap3A_327, %swap3A_328], %swap3A_331 {strides = array<i32>} : memref<2x200x64xf32, #tpu.memory_space<vmem>>, vector<1x1x16xf32>,
        %get3A_332 = arith.constant 1 : i32
        %get3A_333 = arith.index_cast %get3A_332 : i32 to index
        %get3A_334 = arith.index_cast %add3A_301 : i32 to index
        %get3A_335 = arith.constant 32 : index
        %get3A_336 = tpu.vector_load %arg6[%get3A_333, %get3A_334, %get3A_335] {strides = array<i32>} : memref<2x200x64xf32, #tpu.memory_space<vmem>>, vector<1x1x16xf32>,
        %get3A_337 = vector.shape_cast %get3A_336 : vector<1x1x16xf32> to vector<16xf32>
        %mul3A_338 = arith.constant 8.000000e+00 : f32
        %mul3A_339 = vector.broadcast %mul3A_338 : f32 to vector<16xf32>
        %mul3A_340 = arith.mulf %get3A_337, %mul3A_339 : vector<16xf32>
        %swap3A_341 = arith.constant 1 : i32
        %swap3A_342 = arith.index_cast %swap3A_341 : i32 to index
        %swap3A_343 = arith.index_cast %add3A_301 : i32 to index
        %swap3A_344 = arith.constant 32 : index
        %swap3A_345 = tpu.vector_load %arg6[%swap3A_342, %swap3A_343, %swap3A_344] {strides = array<i32>} : memref<2x200x64xf32, #tpu.memory_space<vmem>>, vector<1x1x16xf32>,
        %swap3A_346 = vector.shape_cast %swap3A_345 : vector<1x1x16xf32> to vector<16xf32>
        %swap3A_347 = vector.shape_cast %mul3A_340 : vector<16xf32> to vector<1x1x16xf32>
        tpu.vector_store %arg6[%swap3A_342, %swap3A_343, %swap3A_344], %swap3A_347 {strides = array<i32>} : memref<2x200x64xf32, #tpu.memory_space<vmem>>, vector<1x1x16xf32>,
        %get3A_348 = arith.constant 1 : i32
        %get3A_349 = arith.index_cast %get3A_348 : i32 to index
        %get3A_350 = arith.index_cast %add3A_301 : i32 to index
        %get3A_351 = arith.constant 48 : index
        %get3A_352 = tpu.vector_load %arg6[%get3A_349, %get3A_350, %get3A_351] {strides = array<i32>} : memref<2x200x64xf32, #tpu.memory_space<vmem>>, vector<1x1x16xf32>,
        %get3A_353 = vector.shape_cast %get3A_352 : vector<1x1x16xf32> to vector<16xf32>
        %mul3A_354 = arith.constant 8.000000e+00 : f32
        %mul3A_355 = vector.broadcast %mul3A_354 : f32 to vector<16xf32>
        %mul3A_356 = arith.mulf %get3A_353, %mul3A_355 : vector<16xf32>
        %swap3A_357 = arith.constant 1 : i32
        %swap3A_358 = arith.index_cast %swap3A_357 : i32 to index
        %swap3A_359 = arith.index_cast %add3A_301 : i32 to index
        %swap3A_360 = arith.constant 48 : index
        %swap3A_361 = tpu.vector_load %arg6[%swap3A_358, %swap3A_359, %swap3A_360] {strides = array<i32>} : memref<2x200x64xf32, #tpu.memory_space<vmem>>, vector<1x1x16xf32>,
        %swap3A_362 = vector.shape_cast %swap3A_361 : vector<1x1x16xf32> to vector<16xf32>
        %swap3A_363 = vector.shape_cast %mul3A_356 : vector<16xf32> to vector<1x1x16xf32>
        tpu.vector_store %arg6[%swap3A_358, %swap3A_359, %swap3A_360], %swap3A_363 {strides = array<i32>} : memref<2x200x64xf32, #tpu.memory_space<vmem>>, vector<1x1x16xf32>,
        %mul3A_364 = arith.constant 8 : i32
        %mul3A_365 = arith.muli %scan3A_297, %mul3A_364 : i32
        %add3A_366 = arith.constant 1 : i32
        %add3A_367 = arith.addi %mul3A_365, %add3A_366 : i32
        %get3A_368 = arith.constant 1 : i32
        %get3A_369 = arith.index_cast %get3A_368 : i32 to index
        %get3A_370 = arith.index_cast %add3A_367 : i32 to index
        %get3A_371 = arith.constant 0 : index
        %get3A_372 = tpu.vector_load %arg6[%get3A_369, %get3A_370, %get3A_371] {strides = array<i32>} : memref<2x200x64xf32, #tpu.memory_space<vmem>>, vector<1x1x16xf32>,
        %get3A_373 = vector.shape_cast %get3A_372 : vector<1x1x16xf32> to vector<16xf32>
        %mul3A_374 = arith.constant 8.000000e+00 : f32
        %mul3A_375 = vector.broadcast %mul3A_374 : f32 to vector<16xf32>
        %mul3A_376 = arith.mulf %get3A_373, %mul3A_375 : vector<16xf32>
        %swap3A_377 = arith.constant 1 : i32
        %swap3A_378 = arith.index_cast %swap3A_377 : i32 to index
        %swap3A_379 = arith.index_cast %add3A_367 : i32 to index
        %swap3A_380 = arith.constant 0 : index
        %swap3A_381 = tpu.vector_load %arg6[%swap3A_378, %swap3A_379, %swap3A_380] {strides = array<i32>} : memref<2x200x64xf32, #tpu.memory_space<vmem>>, vector<1x1x16xf32>,
        %swap3A_382 = vector.shape_cast %swap3A_381 : vector<1x1x16xf32> to vector<16xf32>
        %swap3A_383 = vector.shape_cast %mul3A_376 : vector<16xf32> to vector<1x1x16xf32>
        tpu.vector_store %arg6[%swap3A_378, %swap3A_379, %swap3A_380], %swap3A_383 {strides = array<i32>} : memref<2x200x64xf32, #tpu.memory_space<vmem>>, vector<1x1x16xf32>,
        %get3A_384 = arith.constant 1 : i32
        %get3A_385 = arith.index_cast %get3A_384 : i32 to index
        %get3A_386 = arith.index_cast %add3A_367 : i32 to index
        %get3A_387 = arith.constant 16 : index
        %get3A_388 = tpu.vector_load %arg6[%get3A_385, %get3A_386, %get3A_387] {strides = array<i32>} : memref<2x200x64xf32, #tpu.memory_space<vmem>>, vector<1x1x16xf32>,
        %get3A_389 = vector.shape_cast %get3A_388 : vector<1x1x16xf32> to vector<16xf32>
        %mul3A_390 = arith.constant 8.000000e+00 : f32
        %mul3A_391 = vector.broadcast %mul3A_390 : f32 to vector<16xf32>
        %mul3A_392 = arith.mulf %get3A_389, %mul3A_391 : vector<16xf32>
        %swap3A_393 = arith.constant 1 : i32
        %swap3A_394 = arith.index_cast %swap3A_393 : i32 to index
        %swap3A_395 = arith.index_cast %add3A_367 : i32 to index
        %swap3A_396 = arith.constant 16 : index
        %swap3A_397 = tpu.vector_load %arg6[%swap3A_394, %swap3A_395, %swap3A_396] {strides = array<i32>} : memref<2x200x64xf32, #tpu.memory_space<vmem>>, vector<1x1x16xf32>,
        %swap3A_398 = vector.shape_cast %swap3A_397 : vector<1x1x16xf32> to vector<16xf32>
        %swap3A_399 = vector.shape_cast %mul3A_392 : vector<16xf32> to vector<1x1x16xf32>
        tpu.vector_store %arg6[%swap3A_394, %swap3A_395, %swap3A_396], %swap3A_399 {strides = array<i32>} : memref<2x200x64xf32, #tpu.memory_space<vmem>>, vector<1x1x16xf32>,
        %get3A_400 = arith.constant 1 : i32
        %get3A_401 = arith.index_cast %get3A_400 : i32 to index
        %get3A_402 = arith.index_cast %add3A_367 : i32 to index
        %get3A_403 = arith.constant 32 : index
        %get3A_404 = tpu.vector_load %arg6[%get3A_401, %get3A_402, %get3A_403] {strides = array<i32>} : memref<2x200x64xf32, #tpu.memory_space<vmem>>, vector<1x1x16xf32>,
        %get3A_405 = vector.shape_cast %get3A_404 : vector<1x1x16xf32> to vector<16xf32>
        %mul3A_406 = arith.constant 8.000000e+00 : f32
        %mul3A_407 = vector.broadcast %mul3A_406 : f32 to vector<16xf32>
        %mul3A_408 = arith.mulf %get3A_405, %mul3A_407 : vector<16xf32>
        %swap3A_409 = arith.constant 1 : i32
        %swap3A_410 = arith.index_cast %swap3A_409 : i32 to index
        %swap3A_411 = arith.index_cast %add3A_367 : i32 to index
        %swap3A_412 = arith.constant 32 : index
        %swap3A_413 = tpu.vector_load %arg6[%swap3A_410, %swap3A_411, %swap3A_412] {strides = array<i32>} : memref<2x200x64xf32, #tpu.memory_space<vmem>>, vector<1x1x16xf32>,
        %swap3A_414 = vector.shape_cast %swap3A_413 : vector<1x1x16xf32> to vector<16xf32>
        %swap3A_415 = vector.shape_cast %mul3A_408 : vector<16xf32> to vector<1x1x16xf32>
        tpu.vector_store %arg6[%swap3A_410, %swap3A_411, %swap3A_412], %swap3A_415 {strides = array<i32>} : memref<2x200x64xf32, #tpu.memory_space<vmem>>, vector<1x1x16xf32>,
        %get3A_416 = arith.constant 1 : i32
        %get3A_417 = arith.index_cast %get3A_416 : i32 to index
        %get3A_418 = arith.index_cast %add3A_367 : i32 to index
        %get3A_419 = arith.constant 48 : index
        %get3A_420 = tpu.vector_load %arg6[%get3A_417, %get3A_418, %get3A_419] {strides = array<i32>} : memref<2x200x64xf32, #tpu.memory_space<vmem>>, vector<1x1x16xf32>,
        %get3A_421 = vector.shape_cast %get3A_420 : vector<1x1x16xf32> to vector<16xf32>
        %mul3A_422 = arith.constant 8.000000e+00 : f32
        %mul3A_423 = vector.broadcast %mul3A_422 : f32 to vector<16xf32>
        %mul3A_424 = arith.mulf %get3A_421, %mul3A_423 : vector<16xf32>
        %swap3A_425 = arith.constant 1 : i32
        %swap3A_426 = arith.index_cast %swap3A_425 : i32 to index
        %swap3A_427 = arith.index_cast %add3A_367 : i32 to index
        %swap3A_428 = arith.constant 48 : index
        %swap3A_429 = tpu.vector_load %arg6[%swap3A_426, %swap3A_427, %swap3A_428] {strides = array<i32>} : memref<2x200x64xf32, #tpu.memory_space<vmem>>, vector<1x1x16xf32>,
        %swap3A_430 = vector.shape_cast %swap3A_429 : vector<1x1x16xf32> to vector<16xf32>
        %swap3A_431 = vector.shape_cast %mul3A_424 : vector<16xf32> to vector<1x1x16xf32>
        tpu.vector_store %arg6[%swap3A_426, %swap3A_427, %swap3A_428], %swap3A_431 {strides = array<i32>} : memref<2x200x64xf32, #tpu.memory_space<vmem>>, vector<1x1x16xf32>,
        %mul3A_432 = arith.constant 8 : i32
        %mul3A_433 = arith.muli %scan3A_297, %mul3A_432 : i32
        %add3A_434 = arith.constant 2 : i32
        %add3A_435 = arith.addi %mul3A_433, %add3A_434 : i32
        %get3A_436 = arith.constant 1 : i32
        %get3A_437 = arith.index_cast %get3A_436 : i32 to index
        %get3A_438 = arith.index_cast %add3A_435 : i32 to index
        %get3A_439 = arith.constant 0 : index
        %get3A_440 = tpu.vector_load %arg6[%get3A_437, %get3A_438, %get3A_439] {strides = array<i32>} : memref<2x200x64xf32, #tpu.memory_space<vmem>>, vector<1x1x16xf32>,
        %get3A_441 = vector.shape_cast %get3A_440 : vector<1x1x16xf32> to vector<16xf32>
        %mul3A_442 = arith.constant 8.000000e+00 : f32
        %mul3A_443 = vector.broadcast %mul3A_442 : f32 to vector<16xf32>
        %mul3A_444 = arith.mulf %get3A_441, %mul3A_443 : vector<16xf32>
        %swap3A_445 = arith.constant 1 : i32
        %swap3A_446 = arith.index_cast %swap3A_445 : i32 to index
        %swap3A_447 = arith.index_cast %add3A_435 : i32 to index
        %swap3A_448 = arith.constant 0 : index
        %swap3A_449 = tpu.vector_load %arg6[%swap3A_446, %swap3A_447, %swap3A_448] {strides = array<i32>} : memref<2x200x64xf32, #tpu.memory_space<vmem>>, vector<1x1x16xf32>,
        %swap3A_450 = vector.shape_cast %swap3A_449 : vector<1x1x16xf32> to vector<16xf32>
        %swap3A_451 = vector.shape_cast %mul3A_444 : vector<16xf32> to vector<1x1x16xf32>
        tpu.vector_store %arg6[%swap3A_446, %swap3A_447, %swap3A_448], %swap3A_451 {strides = array<i32>} : memref<2x200x64xf32, #tpu.memory_space<vmem>>, vector<1x1x16xf32>,
        %get3A_452 = arith.constant 1 : i32
        %get3A_453 = arith.index_cast %get3A_452 : i32 to index
        %get3A_454 = arith.index_cast %add3A_435 : i32 to index
        %get3A_455 = arith.constant 16 : index
        %get3A_456 = tpu.vector_load %arg6[%get3A_453, %get3A_454, %get3A_455] {strides = array<i32>} : memref<2x200x64xf32, #tpu.memory_space<vmem>>, vector<1x1x16xf32>,
        %get3A_457 = vector.shape_cast %get3A_456 : vector<1x1x16xf32> to vector<16xf32>
        %mul3A_458 = arith.constant 8.000000e+00 : f32
        %mul3A_459 = vector.broadcast %mul3A_458 : f32 to vector<16xf32>
        %mul3A_460 = arith.mulf %get3A_457, %mul3A_459 : vector<16xf32>
        %swap3A_461 = arith.constant 1 : i32
        %swap3A_462 = arith.index_cast %swap3A_461 : i32 to index
        %swap3A_463 = arith.index_cast %add3A_435 : i32 to index
        %swap3A_464 = arith.constant 16 : index
        %swap3A_465 = tpu.vector_load %arg6[%swap3A_462, %swap3A_463, %swap3A_464] {strides = array<i32>} : memref<2x200x64xf32, #tpu.memory_space<vmem>>, vector<1x1x16xf32>,
        %swap3A_466 = vector.shape_cast %swap3A_465 : vector<1x1x16xf32> to vector<16xf32>
        %swap3A_467 = vector.shape_cast %mul3A_460 : vector<16xf32> to vector<1x1x16xf32>
        tpu.vector_store %arg6[%swap3A_462, %swap3A_463, %swap3A_464], %swap3A_467 {strides = array<i32>} : memref<2x200x64xf32, #tpu.memory_space<vmem>>, vector<1x1x16xf32>,
        %get3A_468 = arith.constant 1 : i32
        %get3A_469 = arith.index_cast %get3A_468 : i32 to index
        %get3A_470 = arith.index_cast %add3A_435 : i32 to index
        %get3A_471 = arith.constant 32 : index
        %get3A_472 = tpu.vector_load %arg6[%get3A_469, %get3A_470, %get3A_471] {strides = array<i32>} : memref<2x200x64xf32, #tpu.memory_space<vmem>>, vector<1x1x16xf32>,
        %get3A_473 = vector.shape_cast %get3A_472 : vector<1x1x16xf32> to vector<16xf32>
        %mul3A_474 = arith.constant 8.000000e+00 : f32
        %mul3A_475 = vector.broadcast %mul3A_474 : f32 to vector<16xf32>
        %mul3A_476 = arith.mulf %get3A_473, %mul3A_475 : vector<16xf32>
        %swap3A_477 = arith.constant 1 : i32
        %swap3A_478 = arith.index_cast %swap3A_477 : i32 to index
        %swap3A_479 = arith.index_cast %add3A_435 : i32 to index
        %swap3A_480 = arith.constant 32 : index
        %swap3A_481 = tpu.vector_load %arg6[%swap3A_478, %swap3A_479, %swap3A_480] {strides = array<i32>} : memref<2x200x64xf32, #tpu.memory_space<vmem>>, vector<1x1x16xf32>,
        %swap3A_482 = vector.shape_cast %swap3A_481 : vector<1x1x16xf32> to vector<16xf32>
        %swap3A_483 = vector.shape_cast %mul3A_476 : vector<16xf32> to vector<1x1x16xf32>
        tpu.vector_store %arg6[%swap3A_478, %swap3A_479, %swap3A_480], %swap3A_483 {strides = array<i32>} : memref<2x200x64xf32, #tpu.memory_space<vmem>>, vector<1x1x16xf32>,
        %get3A_484 = arith.constant 1 : i32
        %get3A_485 = arith.index_cast %get3A_484 : i32 to index
        %get3A_486 = arith.index_cast %add3A_435 : i32 to index
        %get3A_487 = arith.constant 48 : index
        %get3A_488 = tpu.vector_load %arg6[%get3A_485, %get3A_486, %get3A_487] {strides = array<i32>} : memref<2x200x64xf32, #tpu.memory_space<vmem>>, vector<1x1x16xf32>,
        %get3A_489 = vector.shape_cast %get3A_488 : vector<1x1x16xf32> to vector<16xf32>
        %mul3A_490 = arith.constant 8.000000e+00 : f32
        %mul3A_491 = vector.broadcast %mul3A_490 : f32 to vector<16xf32>
        %mul3A_492 = arith.mulf %get3A_489, %mul3A_491 : vector<16xf32>
        %swap3A_493 = arith.constant 1 : i32
        %swap3A_494 = arith.index_cast %swap3A_493 : i32 to index
        %swap3A_495 = arith.index_cast %add3A_435 : i32 to index
        %swap3A_496 = arith.constant 48 : index
        %swap3A_497 = tpu.vector_load %arg6[%swap3A_494, %swap3A_495, %swap3A_496] {strides = array<i32>} : memref<2x200x64xf32, #tpu.memory_space<vmem>>, vector<1x1x16xf32>,
        %swap3A_498 = vector.shape_cast %swap3A_497 : vector<1x1x16xf32> to vector<16xf32>
        %swap3A_499 = vector.shape_cast %mul3A_492 : vector<16xf32> to vector<1x1x16xf32>
        tpu.vector_store %arg6[%swap3A_494, %swap3A_495, %swap3A_496], %swap3A_499 {strides = array<i32>} : memref<2x200x64xf32, #tpu.memory_space<vmem>>, vector<1x1x16xf32>,
        %mul3A_500 = arith.constant 8 : i32
        %mul3A_501 = arith.muli %scan3A_297, %mul3A_500 : i32
        %add3A_502 = arith.constant 3 : i32
        %add3A_503 = arith.addi %mul3A_501, %add3A_502 : i32
        %get3A_504 = arith.constant 1 : i32
        %get3A_505 = arith.index_cast %get3A_504 : i32 to index
        %get3A_506 = arith.index_cast %add3A_503 : i32 to index
        %get3A_507 = arith.constant 0 : index
        %get3A_508 = tpu.vector_load %arg6[%get3A_505, %get3A_506, %get3A_507] {strides = array<i32>} : memref<2x200x64xf32, #tpu.memory_space<vmem>>, vector<1x1x16xf32>,
        %get3A_509 = vector.shape_cast %get3A_508 : vector<1x1x16xf32> to vector<16xf32>
        %mul3A_510 = arith.constant 8.000000e+00 : f32
        %mul3A_511 = vector.broadcast %mul3A_510 : f32 to vector<16xf32>
        %mul3A_512 = arith.mulf %get3A_509, %mul3A_511 : vector<16xf32>
        %swap3A_513 = arith.constant 1 : i32
        %swap3A_514 = arith.index_cast %swap3A_513 : i32 to index
        %swap3A_515 = arith.index_cast %add3A_503 : i32 to index
        %swap3A_516 = arith.constant 0 : index
        %swap3A_517 = tpu.vector_load %arg6[%swap3A_514, %swap3A_515, %swap3A_516] {strides = array<i32>} : memref<2x200x64xf32, #tpu.memory_space<vmem>>, vector<1x1x16xf32>,
        %swap3A_518 = vector.shape_cast %swap3A_517 : vector<1x1x16xf32> to vector<16xf32>
        %swap3A_519 = vector.shape_cast %mul3A_512 : vector<16xf32> to vector<1x1x16xf32>
        tpu.vector_store %arg6[%swap3A_514, %swap3A_515, %swap3A_516], %swap3A_519 {strides = array<i32>} : memref<2x200x64xf32, #tpu.memory_space<vmem>>, vector<1x1x16xf32>,
        %get3A_520 = arith.constant 1 : i32
        %get3A_521 = arith.index_cast %get3A_520 : i32 to index
        %get3A_522 = arith.index_cast %add3A_503 : i32 to index
        %get3A_523 = arith.constant 16 : index
        %get3A_524 = tpu.vector_load %arg6[%get3A_521, %get3A_522, %get3A_523] {strides = array<i32>} : memref<2x200x64xf32, #tpu.memory_space<vmem>>, vector<1x1x16xf32>,
        %get3A_525 = vector.shape_cast %get3A_524 : vector<1x1x16xf32> to vector<16xf32>
        %mul3A_526 = arith.constant 8.000000e+00 : f32
        %mul3A_527 = vector.broadcast %mul3A_526 : f32 to vector<16xf32>
        %mul3A_528 = arith.mulf %get3A_525, %mul3A_527 : vector<16xf32>
        %swap3A_529 = arith.constant 1 : i32
        %swap3A_530 = arith.index_cast %swap3A_529 : i32 to index
        %swap3A_531 = arith.index_cast %add3A_503 : i32 to index
        %swap3A_532 = arith.constant 16 : index
        %swap3A_533 = tpu.vector_load %arg6[%swap3A_530, %swap3A_531, %swap3A_532] {strides = array<i32>} : memref<2x200x64xf32, #tpu.memory_space<vmem>>, vector<1x1x16xf32>,
        %swap3A_534 = vector.shape_cast %swap3A_533 : vector<1x1x16xf32> to vector<16xf32>
        %swap3A_535 = vector.shape_cast %mul3A_528 : vector<16xf32> to vector<1x1x16xf32>
        tpu.vector_store %arg6[%swap3A_530, %swap3A_531, %swap3A_532], %swap3A_535 {strides = array<i32>} : memref<2x200x64xf32, #tpu.memory_space<vmem>>, vector<1x1x16xf32>,
        %get3A_536 = arith.constant 1 : i32
        %get3A_537 = arith.index_cast %get3A_536 : i32 to index
        %get3A_538 = arith.index_cast %add3A_503 : i32 to index
        %get3A_539 = arith.constant 32 : index
        %get3A_540 = tpu.vector_load %arg6[%get3A_537, %get3A_538, %get3A_539] {strides = array<i32>} : memref<2x200x64xf32, #tpu.memory_space<vmem>>, vector<1x1x16xf32>,
        %get3A_541 = vector.shape_cast %get3A_540 : vector<1x1x16xf32> to vector<16xf32>
        %mul3A_542 = arith.constant 8.000000e+00 : f32
        %mul3A_543 = vector.broadcast %mul3A_542 : f32 to vector<16xf32>
        %mul3A_544 = arith.mulf %get3A_541, %mul3A_543 : vector<16xf32>
        %swap3A_545 = arith.constant 1 : i32
        %swap3A_546 = arith.index_cast %swap3A_545 : i32 to index
        %swap3A_547 = arith.index_cast %add3A_503 : i32 to index
        %swap3A_548 = arith.constant 32 : index
        %swap3A_549 = tpu.vector_load %arg6[%swap3A_546, %swap3A_547, %swap3A_548] {strides = array<i32>} : memref<2x200x64xf32, #tpu.memory_space<vmem>>, vector<1x1x16xf32>,
        %swap3A_550 = vector.shape_cast %swap3A_549 : vector<1x1x16xf32> to vector<16xf32>
        %swap3A_551 = vector.shape_cast %mul3A_544 : vector<16xf32> to vector<1x1x16xf32>
        tpu.vector_store %arg6[%swap3A_546, %swap3A_547, %swap3A_548], %swap3A_551 {strides = array<i32>} : memref<2x200x64xf32, #tpu.memory_space<vmem>>, vector<1x1x16xf32>,
        %get3A_552 = arith.constant 1 : i32
        %get3A_553 = arith.index_cast %get3A_552 : i32 to index
        %get3A_554 = arith.index_cast %add3A_503 : i32 to index
        %get3A_555 = arith.constant 48 : index
        %get3A_556 = tpu.vector_load %arg6[%get3A_553, %get3A_554, %get3A_555] {strides = array<i32>} : memref<2x200x64xf32, #tpu.memory_space<vmem>>, vector<1x1x16xf32>,
        %get3A_557 = vector.shape_cast %get3A_556 : vector<1x1x16xf32> to vector<16xf32>
        %mul3A_558 = arith.constant 8.000000e+00 : f32
        %mul3A_559 = vector.broadcast %mul3A_558 : f32 to vector<16xf32>
        %mul3A_560 = arith.mulf %get3A_557, %mul3A_559 : vector<16xf32>
        %swap3A_561 = arith.constant 1 : i32
        %swap3A_562 = arith.index_cast %swap3A_561 : i32 to index
        %swap3A_563 = arith.index_cast %add3A_503 : i32 to index
        %swap3A_564 = arith.constant 48 : index
        %swap3A_565 = tpu.vector_load %arg6[%swap3A_562, %swap3A_563, %swap3A_564] {strides = array<i32>} : memref<2x200x64xf32, #tpu.memory_space<vmem>>, vector<1x1x16xf32>,
        %swap3A_566 = vector.shape_cast %swap3A_565 : vector<1x1x16xf32> to vector<16xf32>
        %swap3A_567 = vector.shape_cast %mul3A_560 : vector<16xf32> to vector<1x1x16xf32>
        tpu.vector_store %arg6[%swap3A_562, %swap3A_563, %swap3A_564], %swap3A_567 {strides = array<i32>} : memref<2x200x64xf32, #tpu.memory_space<vmem>>, vector<1x1x16xf32>,
        %mul3A_568 = arith.constant 8 : i32
        %mul3A_569 = arith.muli %scan3A_297, %mul3A_568 : i32
        %add3A_570 = arith.constant 4 : i32
        %add3A_571 = arith.addi %mul3A_569, %add3A_570 : i32
        %get3A_572 = arith.constant 1 : i32
        %get3A_573 = arith.index_cast %get3A_572 : i32 to index
        %get3A_574 = arith.index_cast %add3A_571 : i32 to index
        %get3A_575 = arith.constant 0 : index
        %get3A_576 = tpu.vector_load %arg6[%get3A_573, %get3A_574, %get3A_575] {strides = array<i32>} : memref<2x200x64xf32, #tpu.memory_space<vmem>>, vector<1x1x16xf32>,
        %get3A_577 = vector.shape_cast %get3A_576 : vector<1x1x16xf32> to vector<16xf32>
        %mul3A_578 = arith.constant 8.000000e+00 : f32
        %mul3A_579 = vector.broadcast %mul3A_578 : f32 to vector<16xf32>
        %mul3A_580 = arith.mulf %get3A_577, %mul3A_579 : vector<16xf32>
        %swap3A_581 = arith.constant 1 : i32
        %swap3A_582 = arith.index_cast %swap3A_581 : i32 to index
        %swap3A_583 = arith.index_cast %add3A_571 : i32 to index
        %swap3A_584 = arith.constant 0 : index
        %swap3A_585 = tpu.vector_load %arg6[%swap3A_582, %swap3A_583, %swap3A_584] {strides = array<i32>} : memref<2x200x64xf32, #tpu.memory_space<vmem>>, vector<1x1x16xf32>,
        %swap3A_586 = vector.shape_cast %swap3A_585 : vector<1x1x16xf32> to vector<16xf32>
        %swap3A_587 = vector.shape_cast %mul3A_580 : vector<16xf32> to vector<1x1x16xf32>
        tpu.vector_store %arg6[%swap3A_582, %swap3A_583, %swap3A_584], %swap3A_587 {strides = array<i32>} : memref<2x200x64xf32, #tpu.memory_space<vmem>>, vector<1x1x16xf32>,
        %get3A_588 = arith.constant 1 : i32
        %get3A_589 = arith.index_cast %get3A_588 : i32 to index
        %get3A_590 = arith.index_cast %add3A_571 : i32 to index
        %get3A_591 = arith.constant 16 : index
        %get3A_592 = tpu.vector_load %arg6[%get3A_589, %get3A_590, %get3A_591] {strides = array<i32>} : memref<2x200x64xf32, #tpu.memory_space<vmem>>, vector<1x1x16xf32>,
        %get3A_593 = vector.shape_cast %get3A_592 : vector<1x1x16xf32> to vector<16xf32>
        %mul3A_594 = arith.constant 8.000000e+00 : f32
        %mul3A_595 = vector.broadcast %mul3A_594 : f32 to vector<16xf32>
        %mul3A_596 = arith.mulf %get3A_593, %mul3A_595 : vector<16xf32>
        %swap3A_597 = arith.constant 1 : i32
        %swap3A_598 = arith.index_cast %swap3A_597 : i32 to index
        %swap3A_599 = arith.index_cast %add3A_571 : i32 to index
        %swap3A_600 = arith.constant 16 : index
        %swap3A_601 = tpu.vector_load %arg6[%swap3A_598, %swap3A_599, %swap3A_600] {strides = array<i32>} : memref<2x200x64xf32, #tpu.memory_space<vmem>>, vector<1x1x16xf32>,
        %swap3A_602 = vector.shape_cast %swap3A_601 : vector<1x1x16xf32> to vector<16xf32>
        %swap3A_603 = vector.shape_cast %mul3A_596 : vector<16xf32> to vector<1x1x16xf32>
        tpu.vector_store %arg6[%swap3A_598, %swap3A_599, %swap3A_600], %swap3A_603 {strides = array<i32>} : memref<2x200x64xf32, #tpu.memory_space<vmem>>, vector<1x1x16xf32>,
        %get3A_604 = arith.constant 1 : i32
        %get3A_605 = arith.index_cast %get3A_604 : i32 to index
        %get3A_606 = arith.index_cast %add3A_571 : i32 to index
        %get3A_607 = arith.constant 32 : index
        %get3A_608 = tpu.vector_load %arg6[%get3A_605, %get3A_606, %get3A_607] {strides = array<i32>} : memref<2x200x64xf32, #tpu.memory_space<vmem>>, vector<1x1x16xf32>,
        %get3A_609 = vector.shape_cast %get3A_608 : vector<1x1x16xf32> to vector<16xf32>
        %mul3A_610 = arith.constant 8.000000e+00 : f32
        %mul3A_611 = vector.broadcast %mul3A_610 : f32 to vector<16xf32>
        %mul3A_612 = arith.mulf %get3A_609, %mul3A_611 : vector<16xf32>
        %swap3A_613 = arith.constant 1 : i32
        %swap3A_614 = arith.index_cast %swap3A_613 : i32 to index
        %swap3A_615 = arith.index_cast %add3A_571 : i32 to index
        %swap3A_616 = arith.constant 32 : index
        %swap3A_617 = tpu.vector_load %arg6[%swap3A_614, %swap3A_615, %swap3A_616] {strides = array<i32>} : memref<2x200x64xf32, #tpu.memory_space<vmem>>, vector<1x1x16xf32>,
        %swap3A_618 = vector.shape_cast %swap3A_617 : vector<1x1x16xf32> to vector<16xf32>
        %swap3A_619 = vector.shape_cast %mul3A_612 : vector<16xf32> to vector<1x1x16xf32>
        tpu.vector_store %arg6[%swap3A_614, %swap3A_615, %swap3A_616], %swap3A_619 {strides = array<i32>} : memref<2x200x64xf32, #tpu.memory_space<vmem>>, vector<1x1x16xf32>,
        %get3A_620 = arith.constant 1 : i32
        %get3A_621 = arith.index_cast %get3A_620 : i32 to index
        %get3A_622 = arith.index_cast %add3A_571 : i32 to index
        %get3A_623 = arith.constant 48 : index
        %get3A_624 = tpu.vector_load %arg6[%get3A_621, %get3A_622, %get3A_623] {strides = array<i32>} : memref<2x200x64xf32, #tpu.memory_space<vmem>>, vector<1x1x16xf32>,
        %get3A_625 = vector.shape_cast %get3A_624 : vector<1x1x16xf32> to vector<16xf32>
        %mul3A_626 = arith.constant 8.000000e+00 : f32
        %mul3A_627 = vector.broadcast %mul3A_626 : f32 to vector<16xf32>
        %mul3A_628 = arith.mulf %get3A_625, %mul3A_627 : vector<16xf32>
        %swap3A_629 = arith.constant 1 : i32
        %swap3A_630 = arith.index_cast %swap3A_629 : i32 to index
        %swap3A_631 = arith.index_cast %add3A_571 : i32 to index
        %swap3A_632 = arith.constant 48 : index
        %swap3A_633 = tpu.vector_load %arg6[%swap3A_630, %swap3A_631, %swap3A_632] {strides = array<i32>} : memref<2x200x64xf32, #tpu.memory_space<vmem>>, vector<1x1x16xf32>,
        %swap3A_634 = vector.shape_cast %swap3A_633 : vector<1x1x16xf32> to vector<16xf32>
        %swap3A_635 = vector.shape_cast %mul3A_628 : vector<16xf32> to vector<1x1x16xf32>
        tpu.vector_store %arg6[%swap3A_630, %swap3A_631, %swap3A_632], %swap3A_635 {strides = array<i32>} : memref<2x200x64xf32, #tpu.memory_space<vmem>>, vector<1x1x16xf32>,
        %mul3A_636 = arith.constant 8 : i32
        %mul3A_637 = arith.muli %scan3A_297, %mul3A_636 : i32
        %add3A_638 = arith.constant 5 : i32
        %add3A_639 = arith.addi %mul3A_637, %add3A_638 : i32
        %get3A_640 = arith.constant 1 : i32
        %get3A_641 = arith.index_cast %get3A_640 : i32 to index
        %get3A_642 = arith.index_cast %add3A_639 : i32 to index
        %get3A_643 = arith.constant 0 : index
        %get3A_644 = tpu.vector_load %arg6[%get3A_641, %get3A_642, %get3A_643] {strides = array<i32>} : memref<2x200x64xf32, #tpu.memory_space<vmem>>, vector<1x1x16xf32>,
        %get3A_645 = vector.shape_cast %get3A_644 : vector<1x1x16xf32> to vector<16xf32>
        %mul3A_646 = arith.constant 8.000000e+00 : f32
        %mul3A_647 = vector.broadcast %mul3A_646 : f32 to vector<16xf32>
        %mul3A_648 = arith.mulf %get3A_645, %mul3A_647 : vector<16xf32>
        %swap3A_649 = arith.constant 1 : i32
        %swap3A_650 = arith.index_cast %swap3A_649 : i32 to index
        %swap3A_651 = arith.index_cast %add3A_639 : i32 to index
        %swap3A_652 = arith.constant 0 : index
        %swap3A_653 = tpu.vector_load %arg6[%swap3A_650, %swap3A_651, %swap3A_652] {strides = array<i32>} : memref<2x200x64xf32, #tpu.memory_space<vmem>>, vector<1x1x16xf32>,
        %swap3A_654 = vector.shape_cast %swap3A_653 : vector<1x1x16xf32> to vector<16xf32>
        %swap3A_655 = vector.shape_cast %mul3A_648 : vector<16xf32> to vector<1x1x16xf32>
        tpu.vector_store %arg6[%swap3A_650, %swap3A_651, %swap3A_652], %swap3A_655 {strides = array<i32>} : memref<2x200x64xf32, #tpu.memory_space<vmem>>, vector<1x1x16xf32>,
        %get3A_656 = arith.constant 1 : i32
        %get3A_657 = arith.index_cast %get3A_656 : i32 to index
        %get3A_658 = arith.index_cast %add3A_639 : i32 to index
        %get3A_659 = arith.constant 16 : index
        %get3A_660 = tpu.vector_load %arg6[%get3A_657, %get3A_658, %get3A_659] {strides = array<i32>} : memref<2x200x64xf32, #tpu.memory_space<vmem>>, vector<1x1x16xf32>,
        %get3A_661 = vector.shape_cast %get3A_660 : vector<1x1x16xf32> to vector<16xf32>
        %mul3A_662 = arith.constant 8.000000e+00 : f32
        %mul3A_663 = vector.broadcast %mul3A_662 : f32 to vector<16xf32>
        %mul3A_664 = arith.mulf %get3A_661, %mul3A_663 : vector<16xf32>
        %swap3A_665 = arith.constant 1 : i32
        %swap3A_666 = arith.index_cast %swap3A_665 : i32 to index
        %swap3A_667 = arith.index_cast %add3A_639 : i32 to index
        %swap3A_668 = arith.constant 16 : index
        %swap3A_669 = tpu.vector_load %arg6[%swap3A_666, %swap3A_667, %swap3A_668] {strides = array<i32>} : memref<2x200x64xf32, #tpu.memory_space<vmem>>, vector<1x1x16xf32>,
        %swap3A_670 = vector.shape_cast %swap3A_669 : vector<1x1x16xf32> to vector<16xf32>
        %swap3A_671 = vector.shape_cast %mul3A_664 : vector<16xf32> to vector<1x1x16xf32>
        tpu.vector_store %arg6[%swap3A_666, %swap3A_667, %swap3A_668], %swap3A_671 {strides = array<i32>} : memref<2x200x64xf32, #tpu.memory_space<vmem>>, vector<1x1x16xf32>,
        %get3A_672 = arith.constant 1 : i32
        %get3A_673 = arith.index_cast %get3A_672 : i32 to index
        %get3A_674 = arith.index_cast %add3A_639 : i32 to index
        %get3A_675 = arith.constant 32 : index
        %get3A_676 = tpu.vector_load %arg6[%get3A_673, %get3A_674, %get3A_675] {strides = array<i32>} : memref<2x200x64xf32, #tpu.memory_space<vmem>>, vector<1x1x16xf32>,
        %get3A_677 = vector.shape_cast %get3A_676 : vector<1x1x16xf32> to vector<16xf32>
        %mul3A_678 = arith.constant 8.000000e+00 : f32
        %mul3A_679 = vector.broadcast %mul3A_678 : f32 to vector<16xf32>
        %mul3A_680 = arith.mulf %get3A_677, %mul3A_679 : vector<16xf32>
        %swap3A_681 = arith.constant 1 : i32
        %swap3A_682 = arith.index_cast %swap3A_681 : i32 to index
        %swap3A_683 = arith.index_cast %add3A_639 : i32 to index
        %swap3A_684 = arith.constant 32 : index
        %swap3A_685 = tpu.vector_load %arg6[%swap3A_682, %swap3A_683, %swap3A_684] {strides = array<i32>} : memref<2x200x64xf32, #tpu.memory_space<vmem>>, vector<1x1x16xf32>,
        %swap3A_686 = vector.shape_cast %swap3A_685 : vector<1x1x16xf32> to vector<16xf32>
        %swap3A_687 = vector.shape_cast %mul3A_680 : vector<16xf32> to vector<1x1x16xf32>
        tpu.vector_store %arg6[%swap3A_682, %swap3A_683, %swap3A_684], %swap3A_687 {strides = array<i32>} : memref<2x200x64xf32, #tpu.memory_space<vmem>>, vector<1x1x16xf32>,
        %get3A_688 = arith.constant 1 : i32
        %get3A_689 = arith.index_cast %get3A_688 : i32 to index
        %get3A_690 = arith.index_cast %add3A_639 : i32 to index
        %get3A_691 = arith.constant 48 : index
        %get3A_692 = tpu.vector_load %arg6[%get3A_689, %get3A_690, %get3A_691] {strides = array<i32>} : memref<2x200x64xf32, #tpu.memory_space<vmem>>, vector<1x1x16xf32>,
        %get3A_693 = vector.shape_cast %get3A_692 : vector<1x1x16xf32> to vector<16xf32>
        %mul3A_694 = arith.constant 8.000000e+00 : f32
        %mul3A_695 = vector.broadcast %mul3A_694 : f32 to vector<16xf32>
        %mul3A_696 = arith.mulf %get3A_693, %mul3A_695 : vector<16xf32>
        %swap3A_697 = arith.constant 1 : i32
        %swap3A_698 = arith.index_cast %swap3A_697 : i32 to index
        %swap3A_699 = arith.index_cast %add3A_639 : i32 to index
        %swap3A_700 = arith.constant 48 : index
        %swap3A_701 = tpu.vector_load %arg6[%swap3A_698, %swap3A_699, %swap3A_700] {strides = array<i32>} : memref<2x200x64xf32, #tpu.memory_space<vmem>>, vector<1x1x16xf32>,
        %swap3A_702 = vector.shape_cast %swap3A_701 : vector<1x1x16xf32> to vector<16xf32>
        %swap3A_703 = vector.shape_cast %mul3A_696 : vector<16xf32> to vector<1x1x16xf32>
        tpu.vector_store %arg6[%swap3A_698, %swap3A_699, %swap3A_700], %swap3A_703 {strides = array<i32>} : memref<2x200x64xf32, #tpu.memory_space<vmem>>, vector<1x1x16xf32>,
        %mul3A_704 = arith.constant 8 : i32
        %mul3A_705 = arith.muli %scan3A_297, %mul3A_704 : i32
        %add3A_706 = arith.constant 6 : i32
        %add3A_707 = arith.addi %mul3A_705, %add3A_706 : i32
        %get3A_708 = arith.constant 1 : i32
        %get3A_709 = arith.index_cast %get3A_708 : i32 to index
        %get3A_710 = arith.index_cast %add3A_707 : i32 to index
        %get3A_711 = arith.constant 0 : index
        %get3A_712 = tpu.vector_load %arg6[%get3A_709, %get3A_710, %get3A_711] {strides = array<i32>} : memref<2x200x64xf32, #tpu.memory_space<vmem>>, vector<1x1x16xf32>,
        %get3A_713 = vector.shape_cast %get3A_712 : vector<1x1x16xf32> to vector<16xf32>
        %mul3A_714 = arith.constant 8.000000e+00 : f32
        %mul3A_715 = vector.broadcast %mul3A_714 : f32 to vector<16xf32>
        %mul3A_716 = arith.mulf %get3A_713, %mul3A_715 : vector<16xf32>
        %swap3A_717 = arith.constant 1 : i32
        %swap3A_718 = arith.index_cast %swap3A_717 : i32 to index
        %swap3A_719 = arith.index_cast %add3A_707 : i32 to index
        %swap3A_720 = arith.constant 0 : index
        %swap3A_721 = tpu.vector_load %arg6[%swap3A_718, %swap3A_719, %swap3A_720] {strides = array<i32>} : memref<2x200x64xf32, #tpu.memory_space<vmem>>, vector<1x1x16xf32>,
        %swap3A_722 = vector.shape_cast %swap3A_721 : vector<1x1x16xf32> to vector<16xf32>
        %swap3A_723 = vector.shape_cast %mul3A_716 : vector<16xf32> to vector<1x1x16xf32>
        tpu.vector_store %arg6[%swap3A_718, %swap3A_719, %swap3A_720], %swap3A_723 {strides = array<i32>} : memref<2x200x64xf32, #tpu.memory_space<vmem>>, vector<1x1x16xf32>,
        %get3A_724 = arith.constant 1 : i32
        %get3A_725 = arith.index_cast %get3A_724 : i32 to index
        %get3A_726 = arith.index_cast %add3A_707 : i32 to index
        %get3A_727 = arith.constant 16 : index
        %get3A_728 = tpu.vector_load %arg6[%get3A_725, %get3A_726, %get3A_727] {strides = array<i32>} : memref<2x200x64xf32, #tpu.memory_space<vmem>>, vector<1x1x16xf32>,
        %get3A_729 = vector.shape_cast %get3A_728 : vector<1x1x16xf32> to vector<16xf32>
        %mul3A_730 = arith.constant 8.000000e+00 : f32
        %mul3A_731 = vector.broadcast %mul3A_730 : f32 to vector<16xf32>
        %mul3A_732 = arith.mulf %get3A_729, %mul3A_731 : vector<16xf32>
        %swap3A_733 = arith.constant 1 : i32
        %swap3A_734 = arith.index_cast %swap3A_733 : i32 to index
        %swap3A_735 = arith.index_cast %add3A_707 : i32 to index
        %swap3A_736 = arith.constant 16 : index
        %swap3A_737 = tpu.vector_load %arg6[%swap3A_734, %swap3A_735, %swap3A_736] {strides = array<i32>} : memref<2x200x64xf32, #tpu.memory_space<vmem>>, vector<1x1x16xf32>,
        %swap3A_738 = vector.shape_cast %swap3A_737 : vector<1x1x16xf32> to vector<16xf32>
        %swap3A_739 = vector.shape_cast %mul3A_732 : vector<16xf32> to vector<1x1x16xf32>
        tpu.vector_store %arg6[%swap3A_734, %swap3A_735, %swap3A_736], %swap3A_739 {strides = array<i32>} : memref<2x200x64xf32, #tpu.memory_space<vmem>>, vector<1x1x16xf32>,
        %get3A_740 = arith.constant 1 : i32
        %get3A_741 = arith.index_cast %get3A_740 : i32 to index
        %get3A_742 = arith.index_cast %add3A_707 : i32 to index
        %get3A_743 = arith.constant 32 : index
        %get3A_744 = tpu.vector_load %arg6[%get3A_741, %get3A_742, %get3A_743] {strides = array<i32>} : memref<2x200x64xf32, #tpu.memory_space<vmem>>, vector<1x1x16xf32>,
        %get3A_745 = vector.shape_cast %get3A_744 : vector<1x1x16xf32> to vector<16xf32>
        %mul3A_746 = arith.constant 8.000000e+00 : f32
        %mul3A_747 = vector.broadcast %mul3A_746 : f32 to vector<16xf32>
        %mul3A_748 = arith.mulf %get3A_745, %mul3A_747 : vector<16xf32>
        %swap3A_749 = arith.constant 1 : i32
        %swap3A_750 = arith.index_cast %swap3A_749 : i32 to index
        %swap3A_751 = arith.index_cast %add3A_707 : i32 to index
        %swap3A_752 = arith.constant 32 : index
        %swap3A_753 = tpu.vector_load %arg6[%swap3A_750, %swap3A_751, %swap3A_752] {strides = array<i32>} : memref<2x200x64xf32, #tpu.memory_space<vmem>>, vector<1x1x16xf32>,
        %swap3A_754 = vector.shape_cast %swap3A_753 : vector<1x1x16xf32> to vector<16xf32>
        %swap3A_755 = vector.shape_cast %mul3A_748 : vector<16xf32> to vector<1x1x16xf32>
        tpu.vector_store %arg6[%swap3A_750, %swap3A_751, %swap3A_752], %swap3A_755 {strides = array<i32>} : memref<2x200x64xf32, #tpu.memory_space<vmem>>, vector<1x1x16xf32>,
        %get3A_756 = arith.constant 1 : i32
        %get3A_757 = arith.index_cast %get3A_756 : i32 to index
        %get3A_758 = arith.index_cast %add3A_707 : i32 to index
        %get3A_759 = arith.constant 48 : index
        %get3A_760 = tpu.vector_load %arg6[%get3A_757, %get3A_758, %get3A_759] {strides = array<i32>} : memref<2x200x64xf32, #tpu.memory_space<vmem>>, vector<1x1x16xf32>,
        %get3A_761 = vector.shape_cast %get3A_760 : vector<1x1x16xf32> to vector<16xf32>
        %mul3A_762 = arith.constant 8.000000e+00 : f32
        %mul3A_763 = vector.broadcast %mul3A_762 : f32 to vector<16xf32>
        %mul3A_764 = arith.mulf %get3A_761, %mul3A_763 : vector<16xf32>
        %swap3A_765 = arith.constant 1 : i32
        %swap3A_766 = arith.index_cast %swap3A_765 : i32 to index
        %swap3A_767 = arith.index_cast %add3A_707 : i32 to index
        %swap3A_768 = arith.constant 48 : index
        %swap3A_769 = tpu.vector_load %arg6[%swap3A_766, %swap3A_767, %swap3A_768] {strides = array<i32>} : memref<2x200x64xf32, #tpu.memory_space<vmem>>, vector<1x1x16xf32>,
        %swap3A_770 = vector.shape_cast %swap3A_769 : vector<1x1x16xf32> to vector<16xf32>
        %swap3A_771 = vector.shape_cast %mul3A_764 : vector<16xf32> to vector<1x1x16xf32>
        tpu.vector_store %arg6[%swap3A_766, %swap3A_767, %swap3A_768], %swap3A_771 {strides = array<i32>} : memref<2x200x64xf32, #tpu.memory_space<vmem>>, vector<1x1x16xf32>,
        %mul3A_772 = arith.constant 8 : i32
        %mul3A_773 = arith.muli %scan3A_297, %mul3A_772 : i32
        %add3A_774 = arith.constant 7 : i32
        %add3A_775 = arith.addi %mul3A_773, %add3A_774 : i32
        %get3A_776 = arith.constant 1 : i32
        %get3A_777 = arith.index_cast %get3A_776 : i32 to index
        %get3A_778 = arith.index_cast %add3A_775 : i32 to index
        %get3A_779 = arith.constant 0 : index
        %get3A_780 = tpu.vector_load %arg6[%get3A_777, %get3A_778, %get3A_779] {strides = array<i32>} : memref<2x200x64xf32, #tpu.memory_space<vmem>>, vector<1x1x16xf32>,
        %get3A_781 = vector.shape_cast %get3A_780 : vector<1x1x16xf32> to vector<16xf32>
        %mul3A_782 = arith.constant 8.000000e+00 : f32
        %mul3A_783 = vector.broadcast %mul3A_782 : f32 to vector<16xf32>
        %mul3A_784 = arith.mulf %get3A_781, %mul3A_783 : vector<16xf32>
        %swap3A_785 = arith.constant 1 : i32
        %swap3A_786 = arith.index_cast %swap3A_785 : i32 to index
        %swap3A_787 = arith.index_cast %add3A_775 : i32 to index
        %swap3A_788 = arith.constant 0 : index
        %swap3A_789 = tpu.vector_load %arg6[%swap3A_786, %swap3A_787, %swap3A_788] {strides = array<i32>} : memref<2x200x64xf32, #tpu.memory_space<vmem>>, vector<1x1x16xf32>,
        %swap3A_790 = vector.shape_cast %swap3A_789 : vector<1x1x16xf32> to vector<16xf32>
        %swap3A_791 = vector.shape_cast %mul3A_784 : vector<16xf32> to vector<1x1x16xf32>
        tpu.vector_store %arg6[%swap3A_786, %swap3A_787, %swap3A_788], %swap3A_791 {strides = array<i32>} : memref<2x200x64xf32, #tpu.memory_space<vmem>>, vector<1x1x16xf32>,
        %get3A_792 = arith.constant 1 : i32
        %get3A_793 = arith.index_cast %get3A_792 : i32 to index
        %get3A_794 = arith.index_cast %add3A_775 : i32 to index
        %get3A_795 = arith.constant 16 : index
        %get3A_796 = tpu.vector_load %arg6[%get3A_793, %get3A_794, %get3A_795] {strides = array<i32>} : memref<2x200x64xf32, #tpu.memory_space<vmem>>, vector<1x1x16xf32>,
        %get3A_797 = vector.shape_cast %get3A_796 : vector<1x1x16xf32> to vector<16xf32>
        %mul3A_798 = arith.constant 8.000000e+00 : f32
        %mul3A_799 = vector.broadcast %mul3A_798 : f32 to vector<16xf32>
        %mul3A_800 = arith.mulf %get3A_797, %mul3A_799 : vector<16xf32>
        %swap3A_801 = arith.constant 1 : i32
        %swap3A_802 = arith.index_cast %swap3A_801 : i32 to index
        %swap3A_803 = arith.index_cast %add3A_775 : i32 to index
        %swap3A_804 = arith.constant 16 : index
        %swap3A_805 = tpu.vector_load %arg6[%swap3A_802, %swap3A_803, %swap3A_804] {strides = array<i32>} : memref<2x200x64xf32, #tpu.memory_space<vmem>>, vector<1x1x16xf32>,
        %swap3A_806 = vector.shape_cast %swap3A_805 : vector<1x1x16xf32> to vector<16xf32>
        %swap3A_807 = vector.shape_cast %mul3A_800 : vector<16xf32> to vector<1x1x16xf32>
        tpu.vector_store %arg6[%swap3A_802, %swap3A_803, %swap3A_804], %swap3A_807 {strides = array<i32>} : memref<2x200x64xf32, #tpu.memory_space<vmem>>, vector<1x1x16xf32>,
        %get3A_808 = arith.constant 1 : i32
        %get3A_809 = arith.index_cast %get3A_808 : i32 to index
        %get3A_810 = arith.index_cast %add3A_775 : i32 to index
        %get3A_811 = arith.constant 32 : index
        %get3A_812 = tpu.vector_load %arg6[%get3A_809, %get3A_810, %get3A_811] {strides = array<i32>} : memref<2x200x64xf32, #tpu.memory_space<vmem>>, vector<1x1x16xf32>,
        %get3A_813 = vector.shape_cast %get3A_812 : vector<1x1x16xf32> to vector<16xf32>
        %mul3A_814 = arith.constant 8.000000e+00 : f32
        %mul3A_815 = vector.broadcast %mul3A_814 : f32 to vector<16xf32>
        %mul3A_816 = arith.mulf %get3A_813, %mul3A_815 : vector<16xf32>
        %swap3A_817 = arith.constant 1 : i32
        %swap3A_818 = arith.index_cast %swap3A_817 : i32 to index
        %swap3A_819 = arith.index_cast %add3A_775 : i32 to index
        %swap3A_820 = arith.constant 32 : index
        %swap3A_821 = tpu.vector_load %arg6[%swap3A_818, %swap3A_819, %swap3A_820] {strides = array<i32>} : memref<2x200x64xf32, #tpu.memory_space<vmem>>, vector<1x1x16xf32>,
        %swap3A_822 = vector.shape_cast %swap3A_821 : vector<1x1x16xf32> to vector<16xf32>
        %swap3A_823 = vector.shape_cast %mul3A_816 : vector<16xf32> to vector<1x1x16xf32>
        tpu.vector_store %arg6[%swap3A_818, %swap3A_819, %swap3A_820], %swap3A_823 {strides = array<i32>} : memref<2x200x64xf32, #tpu.memory_space<vmem>>, vector<1x1x16xf32>,
        %get3A_824 = arith.constant 1 : i32
        %get3A_825 = arith.index_cast %get3A_824 : i32 to index
        %get3A_826 = arith.index_cast %add3A_775 : i32 to index
        %get3A_827 = arith.constant 48 : index
        %get3A_828 = tpu.vector_load %arg6[%get3A_825, %get3A_826, %get3A_827] {strides = array<i32>} : memref<2x200x64xf32, #tpu.memory_space<vmem>>, vector<1x1x16xf32>,
        %get3A_829 = vector.shape_cast %get3A_828 : vector<1x1x16xf32> to vector<16xf32>
        %mul3A_830 = arith.constant 8.000000e+00 : f32
        %mul3A_831 = vector.broadcast %mul3A_830 : f32 to vector<16xf32>
        %mul3A_832 = arith.mulf %get3A_829, %mul3A_831 : vector<16xf32>
        %swap3A_833 = arith.constant 1 : i32
        %swap3A_834 = arith.index_cast %swap3A_833 : i32 to index
        %swap3A_835 = arith.index_cast %add3A_775 : i32 to index
        %swap3A_836 = arith.constant 48 : index
        %swap3A_837 = tpu.vector_load %arg6[%swap3A_834, %swap3A_835, %swap3A_836] {strides = array<i32>} : memref<2x200x64xf32, #tpu.memory_space<vmem>>, vector<1x1x16xf32>,
        %swap3A_838 = vector.shape_cast %swap3A_837 : vector<1x1x16xf32> to vector<16xf32>
        %swap3A_839 = vector.shape_cast %mul3A_832 : vector<16xf32> to vector<1x1x16xf32>
        tpu.vector_store %arg6[%swap3A_834, %swap3A_835, %swap3A_836], %swap3A_839 {strides = array<i32>} : memref<2x200x64xf32, #tpu.memory_space<vmem>>, vector<1x1x16xf32>,
      }
      %scan3A_270 = arith.constant 25 : i32
      %mul3A_271 = arith.constant 128 : i32
      %mul3A_272 = arith.muli %add3A, %mul3A_271 : i32
      %add3A_273 = arith.addi %mul3A_272, %add3A_221 : i32
      %dma_start3A_274 = arith.constant 1 : i32
      %dma_start3A_275 = arith.constant 0 : i32
      %dma_start3A_276 = arith.constant 0 : i32
      %dma_start3A_277 = tpu.memref_slice %arg6[%dma_start3A_274, %dma_start3A_275, %dma_start3A_276] : memref<2x200x64xf32, #tpu.memory_space<vmem>> -> memref<1x200x64xf32, #tpu.memory_space<vmem>>
      %dma_start3A_278 = tpu.memref_squeeze %dma_start3A_277 : memref<1x200x64xf32, #tpu.memory_space<vmem>> -> memref<200x64xf32, #tpu.memory_space<vmem>>
      %dma_start3A_279 = arith.constant 0 : i32
      %dma_start3A_280 = arith.constant 0 : i32
      %dma_start3A_281 = tpu.memref_slice %arg4[%add3A_273, %dma_start3A_279, %dma_start3A_280] : memref<4096x200x128xf32, #tpu.memory_space<hbm>> -> memref<1x200x128xf32, #tpu.memory_space<hbm>>
      %dma_start3A_282 = tpu.memref_squeeze %dma_start3A_281 : memref<1x200x128xf32, #tpu.memory_space<hbm>> -> memref<200x128xf32, #tpu.memory_space<hbm>>
      %dma_start3A_283 = arith.constant 0 : i32
      %dma_start3A_284 = arith.constant 0 : i32
      %dma_start3A_285 = tpu.memref_slice %dma_start3A_282[%dma_start3A_283, %dma_start3A_284] : memref<200x128xf32, #tpu.memory_space<hbm>> -> memref<200x64xf32, #tpu.memory_space<hbm>>
      %dma_start3A_286 = arith.constant 0 : i32
      %dma_start3A_287 = arith.constant 0 : i32
      %dma_start3A_288 = tpu.memref_slice %arg4[%add3A_273, %dma_start3A_286, %dma_start3A_287] : memref<4096x200x128xf32, #tpu.memory_space<hbm>> -> memref<1x200x128xf32, #tpu.memory_space<hbm>>
      %dma_start3A_289 = tpu.memref_squeeze %dma_start3A_288 : memref<1x200x128xf32, #tpu.memory_space<hbm>> -> memref<200x128xf32, #tpu.memory_space<hbm>>
      %dma_start3A_290 = arith.constant 0 : i32
      %dma_start3A_291 = arith.constant 0 : i32
      %dma_start3A_292 = tpu.memref_slice %dma_start3A_289[%dma_start3A_290, %dma_start3A_291] : memref<200x128xf32, #tpu.memory_space<hbm>> -> memref<200x64xf32, #tpu.memory_space<hbm>>
      %dma_start3A_293 = arith.constant 0 : i32
      %dma_start3A_294 = arith.constant 0 : i32
      %dma_start3A_295 = tpu.memref_slice %arg6[%dma_start3A_274, %dma_start3A_293, %dma_start3A_294] : memref<2x200x64xf32, #tpu.memory_space<vmem>> -> memref<1x200x64xf32, #tpu.memory_space<vmem>>
      %dma_start3A_296 = tpu.memref_squeeze %dma_start3A_295 : memref<1x200x64xf32, #tpu.memory_space<vmem>> -> memref<200x64xf32, #tpu.memory_space<vmem>>
      tpu.enqueue_dma source(%dma_start3A_296 : memref<200x64xf32, #tpu.memory_space<vmem>>) target(%dma_start3A_292 : memref<200x64xf32, #tpu.memory_space<hbm>>) target_semaphore(%arg12 : memref<!tpu.dma_semaphore, #tpu.memory_space<semaphore_mem>>)
    }
    %scan3A_86 = arith.constant 64 : i32
    %mul3A_87 = arith.constant 128 : i32
    %mul3A_88 = arith.muli %add3A, %mul3A_87 : i32
    %add3A_89 = arith.constant 126 : i32
    %add3A_90 = arith.addi %mul3A_88, %add3A_89 : i32
    %dma_wait3A_91 = arith.constant 0 : i32
    %dma_wait3A_92 = arith.constant 0 : i32
    %dma_wait3A_93 = arith.constant 0 : i32
    %dma_wait3A_94 = tpu.memref_slice %arg6[%dma_wait3A_91, %dma_wait3A_92, %dma_wait3A_93] : memref<2x200x64xf32, #tpu.memory_space<vmem>> -> memref<1x200x64xf32, #tpu.memory_space<vmem>>
    %dma_wait3A_95 = tpu.memref_squeeze %dma_wait3A_94 : memref<1x200x64xf32, #tpu.memory_space<vmem>> -> memref<200x64xf32, #tpu.memory_space<vmem>>
    %dma_wait3A_96 = arith.constant 0 : i32
    %dma_wait3A_97 = arith.constant 0 : i32
    %dma_wait3A_98 = tpu.memref_slice %arg4[%add3A_90, %dma_wait3A_96, %dma_wait3A_97] : memref<4096x200x128xf32, #tpu.memory_space<hbm>> -> memref<1x200x128xf32, #tpu.memory_space<hbm>>
    %dma_wait3A_99 = tpu.memref_squeeze %dma_wait3A_98 : memref<1x200x128xf32, #tpu.memory_space<hbm>> -> memref<200x128xf32, #tpu.memory_space<hbm>>
    %dma_wait3A_100 = arith.constant 0 : i32
    %dma_wait3A_101 = arith.constant 0 : i32
    %dma_wait3A_102 = tpu.memref_slice %dma_wait3A_99[%dma_wait3A_100, %dma_wait3A_101] : memref<200x128xf32, #tpu.memory_space<hbm>> -> memref<200x64xf32, #tpu.memory_space<hbm>>
    %dma_wait3A_103 = arith.constant 0 : i32
    %dma_wait3A_104 = arith.constant 0 : i32
    %dma_wait3A_105 = tpu.memref_slice %arg4[%add3A_90, %dma_wait3A_103, %dma_wait3A_104] : memref<4096x200x128xf32, #tpu.memory_space<hbm>> -> memref<1x200x128xf32, #tpu.memory_space<hbm>>
    %dma_wait3A_106 = tpu.memref_squeeze %dma_wait3A_105 : memref<1x200x128xf32, #tpu.memory_space<hbm>> -> memref<200x128xf32, #tpu.memory_space<hbm>>
    %dma_wait3A_107 = arith.constant 0 : i32
    %dma_wait3A_108 = arith.constant 0 : i32
    %dma_wait3A_109 = tpu.memref_slice %dma_wait3A_106[%dma_wait3A_107, %dma_wait3A_108] : memref<200x128xf32, #tpu.memory_space<hbm>> -> memref<200x64xf32, #tpu.memory_space<hbm>>
    %dma_wait3A_110 = arith.constant 0 : i32
    %dma_wait3A_111 = arith.constant 0 : i32
    %dma_wait3A_112 = tpu.memref_slice %arg6[%dma_wait3A_91, %dma_wait3A_110, %dma_wait3A_111] : memref<2x200x64xf32, #tpu.memory_space<vmem>> -> memref<1x200x64xf32, #tpu.memory_space<vmem>>
    %dma_wait3A_113 = tpu.memref_squeeze %dma_wait3A_112 : memref<1x200x64xf32, #tpu.memory_space<vmem>> -> memref<200x64xf32, #tpu.memory_space<vmem>>
    tpu.wait_dma2 semaphore(%arg11 : memref<!tpu.dma_semaphore, #tpu.memory_space<semaphore_mem>>) src(%dma_wait3A_113 : memref<200x64xf32, #tpu.memory_space<vmem>>) dst(%dma_wait3A_109 : memref<200x64xf32, #tpu.memory_space<hbm>>)
    %mul3A_114 = arith.constant 128 : i32
    %mul3A_115 = arith.muli %add3A, %mul3A_114 : i32
    %add3A_116 = arith.constant 127 : i32
    %add3A_117 = arith.addi %mul3A_115, %add3A_116 : i32
    %dma_wait3A_118 = arith.constant 1 : i32
    %dma_wait3A_119 = arith.constant 0 : i32
    %dma_wait3A_120 = arith.constant 0 : i32
    %dma_wait3A_121 = tpu.memref_slice %arg6[%dma_wait3A_118, %dma_wait3A_119, %dma_wait3A_120] : memref<2x200x64xf32, #tpu.memory_space<vmem>> -> memref<1x200x64xf32, #tpu.memory_space<vmem>>
    %dma_wait3A_122 = tpu.memref_squeeze %dma_wait3A_121 : memref<1x200x64xf32, #tpu.memory_space<vmem>> -> memref<200x64xf32, #tpu.memory_space<vmem>>
    %dma_wait3A_123 = arith.constant 0 : i32
    %dma_wait3A_124 = arith.constant 0 : i32
    %dma_wait3A_125 = tpu.memref_slice %arg4[%add3A_117, %dma_wait3A_123, %dma_wait3A_124] : memref<4096x200x128xf32, #tpu.memory_space<hbm>> -> memref<1x200x128xf32, #tpu.memory_space<hbm>>
    %dma_wait3A_126 = tpu.memref_squeeze %dma_wait3A_125 : memref<1x200x128xf32, #tpu.memory_space<hbm>> -> memref<200x128xf32, #tpu.memory_space<hbm>>
    %dma_wait3A_127 = arith.constant 0 : i32
    %dma_wait3A_128 = arith.constant 0 : i32
    %dma_wait3A_129 = tpu.memref_slice %dma_wait3A_126[%dma_wait3A_127, %dma_wait3A_128] : memref<200x128xf32, #tpu.memory_space<hbm>> -> memref<200x64xf32, #tpu.memory_space<hbm>>
    %dma_wait3A_130 = arith.constant 0 : i32
    %dma_wait3A_131 = arith.constant 0 : i32
    %dma_wait3A_132 = tpu.memref_slice %arg4[%add3A_117, %dma_wait3A_130, %dma_wait3A_131] : memref<4096x200x128xf32, #tpu.memory_space<hbm>> -> memref<1x200x128xf32, #tpu.memory_space<hbm>>
    %dma_wait3A_133 = tpu.memref_squeeze %dma_wait3A_132 : memref<1x200x128xf32, #tpu.memory_space<hbm>> -> memref<200x128xf32, #tpu.memory_space<hbm>>
    %dma_wait3A_134 = arith.constant 0 : i32
    %dma_wait3A_135 = arith.constant 0 : i32
    %dma_wait3A_136 = tpu.memref_slice %dma_wait3A_133[%dma_wait3A_134, %dma_wait3A_135] : memref<200x128xf32, #tpu.memory_space<hbm>> -> memref<200x64xf32, #tpu.memory_space<hbm>>
    %dma_wait3A_137 = arith.constant 0 : i32
    %dma_wait3A_138 = arith.constant 0 : i32
    %dma_wait3A_139 = tpu.memref_slice %arg6[%dma_wait3A_118, %dma_wait3A_137, %dma_wait3A_138] : memref<2x200x64xf32, #tpu.memory_space<vmem>> -> memref<1x200x64xf32, #tpu.memory_space<vmem>>
    %dma_wait3A_140 = tpu.memref_squeeze %dma_wait3A_139 : memref<1x200x64xf32, #tpu.memory_space<vmem>> -> memref<200x64xf32, #tpu.memory_space<vmem>>
    tpu.wait_dma2 semaphore(%arg12 : memref<!tpu.dma_semaphore, #tpu.memory_space<semaphore_mem>>) src(%dma_wait3A_140 : memref<200x64xf32, #tpu.memory_space<vmem>>) dst(%dma_wait3A_136 : memref<200x64xf32, #tpu.memory_space<hbm>>)
    return
  }
}

</mosaic_0001>

<sc_bundles>
// kernel: kernel.3.cloned.1.call-start
scs
__scs_entry_jumppad:
0x0: {  	(pc) =	sbr.rel $0x88, $3  }
0x1: {  	(tag) =	ssettag $0x0;
	lr =	simm.s32 $0x1  }
0x2: {  	[smem:$0x3F9F] =	sst lr;
	_ =	strace $0xD0000000  }
0x3: {  	_ = 	snop  }
0x4: {  	_ = 	snop  }
0x5: {  	_ = 	snop  }
0x6: {  	_ = 	snop  }
0x7: {  	_ = 	snop  }
__scs_overlays_trampoline_lowered:
0x8: {  	[smem:$0x3FAE] =	sst s0  }
0x9: {  	[smem:$0x3FAF] =	sst s1  }
0xa: {  	[smem:$0x3FB0] =	sst s2  }
0xb: {  	[smem:$0x3FB1] =	sst s3  }
0xc: {  	[smem:$0x3FB2] =	sst s4  }
0xd: {  	[smem:$0x3FB3] =	sst s5  }
0xe: {  	[smem:$0x3FB4] =	sst s6  }
0xf: {  	[smem:$0x3FB5] =	sst s7  }
0x10: {  	[smem:$0x3FB6] =	sst s8  }
0x11: {  	[smem:$0x3FB7] =	sst s9;
	s0 =	simm.s32 @!p0 $0x0  }
0x12: {  	s1 =	sld [smem:$0x3F9D];
	s0 =	simm.s32 @p0 $0x1  }
0x13: {  	[smem:$0x3FB8] =	sst s0;
	s0 =	simm.s32 @!p1 $0x0  }
0x14: {  	s2 =	sld [smem:$0x3F9C];
	s0 =	simm.s32 @p1 $0x1  }
0x15: {  	[smem:$0x3FB9] =	sst s0;
	s0 =	simm.s32 @!p2 $0x0  }
0x16: {  	s3 =	sld [smem:$0x3FDB];
	s0 =	simm.s32 @p2 $0x1  }
0x17: {  	s4 =	simm.s32 $0x1BF5;
	[smem:$0x3FBB] =	sst s0  }
0x18: {  	s0 =	sld [smem:$0x3F9E];
	_ =	swait.ge [sflag:s4], $0x0  }
0x19: {  	s7 =	sld [smem:$0x3F9F]  }
0x1a: {  	s8 =	sadd.s32 $0xFFFFE003, lr  }
0x1b: {  	s9 =	sadd.s32 $0xFFFFFEF7, lr;
	s5 =	simm.s32 $0xFFFFFFFF;
	p2 =	slt.u32 s8, $0xFFFFF086  }
0x1c: {  	p1 =	slt.u32 s9, $0xF7A;
	s5 =	simm.s32 @!p2 $0x0  }
0x1d: {  	s5 =	simm.s32 @p1 $0x1;
	p0 =	seq.s32 s7, s2  }
0x1e: {  	s7 =	smul.u32 @!p0 $0xF7A, s2;
	p2 =	seq.s32 @!p0 s5, $0x0  }
0x1f: {  	s9 =	smul.u32 $0xF7A, s1;
	s8 =	simm.s32 @!p0 $0x1BF5;
	p2 =	por !p2, p0  }
0x20: {  	[sflag:s8] =	ssyncset.s32 @!p0 $0xFFFFF086;
	s6 =	sadd.s32 @!p0 s3, s7;
	s7 =	simm.s32 @!p0 $0x108  }
0x21: {  	s3 =	sadd.s32 s3, s9;
	s6 =	sadd.s32 @!p0 $0x88, s6;
	s7 =	simm.s32 @p2 $0x1082  }
0x22: {  	[simem:s7], [sflag:s8] =	dma.local @!p0 [hbm:s6], $0xF7A  }
0x23: {  	s9 =	sor.u32 $0xD0000000, s2;
	s6 =	simm.s32 $0x108;
	_ =	swait.ge @!p0 [sflag:s8], $0x0  }
0x24: {  	s3 =	sadd.s32 $0x88, s3;
	s6 =	simm.s32 @!p1 $0x1082;
	[sflag:s4] =	ssyncset.s32 $0xFFFFF086  }
0x25: {  	[simem:s6], [sflag:s4] =	dma.local [hbm:s3], $0xF7A  }
0x26: {  	[smem:$0x3F9F] =	sst s1;
	(tag) =	ssettag s2;
	_ =	strace s9  }
0x27: {  	s1 =	sld [smem:$0x3FAF]  }
0x28: {  	s2 =	sld [smem:$0x3FB0]  }
0x29: {  	s4 =	sld [smem:$0x3FB2]  }
0x2a: {  	p0 =	seq.s32 s5, $0x0;
	s5 =	sld [smem:$0x3FB3]  }
0x2b: {  	s6 =	sld [smem:$0x3FB4]  }
0x2c: {  	s7 =	sld [smem:$0x3FB5]  }
0x2d: {  	s3 =	simm.s32 $0x108;
	s8 =	sld [smem:$0x3FB6]  }
0x2e: {  	s3 =	simm.s32 @!p0 $0x1082;
	s9 =	sld [smem:$0x3FB7]  }
0x2f: {  	lr =	sadd.s32 s0, s3;
	s0 =	sld [smem:$0x3FAE]  }
0x30: {  	s3 =	sld [smem:$0x3FB1]  }
0x31: {  	[smem:$0x3FBA] =	sst s10  }
0x32: {  	s10 =	sld [smem:$0x3FB8];
	_ =	sdelay $0x3  }
0x33: {  	p0 =	seq.s32 s10, $0x1;
	s10 =	sld [smem:$0x3FBA];
	_ =	sdelay $0x3  }
0x34: {  	[smem:$0x3FBA] =	sst s10  }
0x35: {  	s10 =	sld [smem:$0x3FB9];
	_ =	sdelay $0x3  }
0x36: {  	p1 =	seq.s32 s10, $0x1;
	s10 =	sld [smem:$0x3FBA];
	_ =	sdelay $0x3  }
0x37: {  	[smem:$0x3FBA] =	sst s10  }
0x38: {  	s10 =	sld [smem:$0x3FBB]  }
0x39: {  	_ = 	snop;
	(pc) =	sbr.ind lr, $3  }
0x3a: {  	_ = 	snop  }
0x3b: {  	_ = 	snop  }
0x3c: {  	p2 =	seq.s32 s10, $0x1;
	s10 =	sld [smem:$0x3FBA]  }
0x3d: {  	_ =	shalt  }
0x3e: {  	_ =	shalt  }
0x3f: {  	_ =	shalt  }
0x40: {  	_ =	shalt  }
0x41: {  	_ =	shalt  }
0x42: {  	_ =	shalt  }
0x43: {  	_ =	shalt  }
0x44: {  	_ =	shalt  }
0x45: {  	_ =	shalt  }
0x46: {  	_ =	shalt  }
0x47: {  	_ =	shalt  }
0x48: {  	_ =	shalt  }
0x49: {  	_ =	shalt  }
0x4a: {  	_ =	shalt  }
0x4b: {  	_ =	shalt  }
0x4c: {  	_ =	shalt  }
0x4d: {  	_ =	shalt  }
0x4e: {  	_ =	shalt  }
0x4f: {  	_ =	shalt  }
0x50: {  	_ =	shalt  }
0x51: {  	_ =	shalt  }
0x52: {  	_ =	shalt  }
0x53: {  	_ =	shalt  }
0x54: {  	_ =	shalt  }
0x55: {  	_ =	shalt  }
0x56: {  	_ =	shalt  }
0x57: {  	_ =	shalt  }
0x58: {  	_ =	shalt  }
0x59: {  	_ =	shalt  }
0x5a: {  	_ =	shalt  }
0x5b: {  	_ =	shalt  }
0x5c: {  	_ =	shalt  }
0x5d: {  	_ =	shalt  }
0x5e: {  	_ =	shalt  }
0x5f: {  	_ =	shalt  }
0x60: {  	_ =	shalt  }
0x61: {  	_ =	shalt  }
0x62: {  	_ =	shalt  }
0x63: {  	_ =	shalt  }
0x64: {  	_ =	shalt  }
0x65: {  	_ =	shalt  }
0x66: {  	_ =	shalt  }
0x67: {  	_ =	shalt  }
0x68: {  	_ =	shalt  }
0x69: {  	_ =	shalt  }
0x6a: {  	_ =	shalt  }
0x6b: {  	_ =	shalt  }
0x6c: {  	_ =	shalt  }
0x6d: {  	_ =	shalt  }
0x6e: {  	_ =	shalt  }
0x6f: {  	_ =	shalt  }
0x70: {  	_ =	shalt  }
0x71: {  	_ =	shalt  }
0x72: {  	_ =	shalt  }
0x73: {  	_ =	shalt  }
0x74: {  	_ =	shalt  }
0x75: {  	_ =	shalt  }
0x76: {  	_ =	shalt  }
0x77: {  	_ =	shalt  }
0x78: {  	_ =	shalt  }
0x79: {  	_ =	shalt  }
0x7a: {  	_ =	shalt  }
0x7b: {  	_ =	shalt  }
0x7c: {  	_ =	shalt  }
0x7d: {  	_ =	shalt  }
0x7e: {  	_ =	shalt  }
0x7f: {  	_ =	shalt  }
0x80: {  	_ =	shalt  }
0x81: {  	_ =	shalt  }
0x82: {  	_ =	shalt  }
0x83: {  	_ =	shalt  }
0x84: {  	_ =	shalt  }
0x85: {  	_ =	shalt  }
0x86: {  	_ =	shalt  }
0x87: {  	_ =	shalt  }
.Lfunc_end0:
.L_simem_size_0:
called_computation.2_lowered:
.L_overlay_start_0:
0x88: {  	s2 =	sld [smem:$0x3FD9]  }
0x89: {  	s3 =	sld [smem:$0x3FFE];
	_ =	sdelay $0x1  }
0x8a: {  	s1 =	srdreg.scid  }
0x8b: {  	s0 =	sand.u32 $0x1, s1  }
0x8c: {  	s17 =	sshll.u32 s0, $0xA;
	s2 =	sadd.s32 s3, s2  }
0x8d: {  	s2 =	sadd.s32 s2, s17  }
0x8e: {  	[smem:$0x3FC6] =	sst s2  }
0x8f: {  	_ = 	snop  }
0x90: {  	s2 =	sld [smem:$0x3FD0];
	(tm) =	ssettm $0x1  }
0x91: {  	s18 =	sld [smem:$0x3FFB];
	_ =	sdelay $0x3  }
0x92: {  	_ =	strace s18  }
0x93: {  	s3 =	sld [smem:$0x3FFC];
	_ =	sdelay $0x3  }
0x94: {  	_ =	strace s3  }
0x95: {  	s3 =	sld [smem:$0x3FFD];
	_ =	sdelay $0x3  }
0x96: {  	_ =	strace s3  }
0x97: {  	_ =	strace $0x8FFFFFFF  }
0x98: {  	s19 =	sld [smem:$0x3FDB];
	_ =	sdelay $0x1  }
0x99: {  	s4 =	simm.s32 $_scs_section_size  }
0x9a: {  	s5 =	simm.s32 $_size__tile_overlayer_lowered;
	s6 =	simm.s32 $_tile_overlayer_lowered  }
0x9b: {  	s22 =	simm.s32 $0x1BFF;
	s21 =	sshll.u32 s6, $0x1;
	s3 =	sadd.s32 s4, s19  }
0x9c: {  	s7 =	simm.s32 $0x0;
	s20 =	sshll.u32 s5, $0x1;
	s5 =	sadd.s32 s21, s3  }
0x9d: {  	[timem:s7], [sflag:s22] =	dma.local [hbm:s5], s20  }
0x9e: {  	_ =	swait.ge [sflag:s22], s20  }
0x9f: {  	s4 =	ssub.s32 $0x0, s20;
	[sflag:s22] =	ssyncset.done $0x0  }
0xa0: {  	[sflag:s22] =	ssyncadd.s32 s4;
	_ =	sdelay $0x1  }
0xa1: {  	s23 =	simm.s32 $0x1B8B  }
0xa2: {  	_ =	swait.ge [sflag:s23], $0x1  }
0xa3: {  	[sflag:s23] =	ssyncset.done $0x0  }
0xa4: {  	s25 =	simm.s32 $0x1B8E;
	s24 =	sld [smem:$0x3FFE];
	[sflag:s23] =	ssyncadd.s32 $0xFFFFFFFF  }
0xa5: {  	s26 =	simm.s32 $execute0_lowered;
	[smem:$0x3FD2] =	sst s25  }
0xa6: {  	s5 =	sshll.u32 s26, $0x1;
	_ =	strace $0x80000049;
	[dreg:$0x1] =	wrdreg $0xFFFFFFFF  }
0xa7: {  	s28 =	simm.s32 $_size_execute0_lowered;
	s3 =	sadd.s32 s3, s5;
	[dreg:$0x0] =	wrdreg $0x0  }
0xa8: {  	s5 =	sshll.u32 s28, $0x1;
	[dreg:$0x2] =	wrdreg s3  }
0xa9: {  	[dreg:$0x3] =	wrdreg s5  }
0xaa: {  	[dreg:$0x4] =	wrdreg $0xC0  }
0xab: {  	_ =	task [dreg:s7], $0x5FFFF  }
0xac: {  	[dreg:$0x1] =	wrdreg $0xFFFFFFFF  }
0xad: {  	[dreg:$0x0] =	wrdreg $0x60  }
0xae: {  	[dreg:$0x2] =	wrdreg s2  }
0xaf: {  	[dreg:$0x3] =	wrdreg s24  }
0xb0: {  	[dreg:$0x4] =	wrdreg $0x9  }
0xb1: {  	_ =	task.clear_ibuf [dreg:s7], $0x5FFFF;
	_ =	strace $0x90000049  }
0xb2: {  	s29 =	simm.s32 $0x9;
	_ =	strace $0x8000004B  }
0xb3: {  	_ =	swait.ge [sflag:s29], $0x1  }
0xb4: {  	[sflag:s29] =	ssyncadd.s32 $0xFFFFFFFF  }
0xb5: {  	_ =	strace $0x9000004B  }
0xb6: {  	_ =	sfence  }
0xb7: {  	s30 =	sld [smem:$0x0];
	_ =	sdelay $0x2  }
0xb8: {  	s31 =	sshll.u32 s1, $0xD;
	s1 =	sshrl.u32 s1, $0x2  }
0xb9: {  	s3 =	sand.u32 $0x4000, s31;
	s1 =	sadd.s32 s1, s30  }
0xba: {  	s0 =	sor.u32 s3, s0;
	s1 =	sshll.u32 s1, $0x11  }
0xbb: {  	s0 =	sor.u32 s1, s0  }
0xbc: {  	s0 =	sadd.s32 $0x8F2B, s0  }
0xbd: {  	[sflag:s0] =	ssyncadd.remote.s32 $0x1  }
0xbe: {  	_ =	sfence.sel $0xFFFF  }
0xbf: {  	[dreg:$0x0] =	wrdreg $0xFFFFFFFF;
	(pc) =	sbr.abs _section_cstart, $3  }
0xc0: {  	[dreg:$0x1] =	wrdreg $0xFFFFFFFF  }
0xc1: {  	_ =	task.clear_ibuf [dreg:s7], $0x2FFFF;
	_ =	strace $0x9FFFFFFF  }
0xc2: {  	(tm) =	ssettm $0x7FFFFFFF  }
0xc3: {  	_ =	shalt  }
tec
execute0_lowered:
.L_overlay_start_1:
0x0: {  	(tag) =	ssettag $0x1  }
0x1: {  	s1 =	srdreg.scid;
	s2 =	rddreg [dreg:$0x0]  }
0x2: {  	s0 =	stileid.u32;
	s6 =	rddreg [dreg:$0x1];
	s3 =	simm.s32 $0x0  }
0x3: {  	s12 =	simm.s32 $0x1;
	s13 =	simm.s32 $0x80;
	s14 =	simm.s32 $0x190  }
0x4: {  	s15 =	simm.s32 $0x48;
	s17 =	simm.s32 $0xC8;
	s18 =	simm.s32 $0x2  }
0x5: {  	s19 =	simm.s32 $0x3390;
	s20 =	simm.s32 $0x148;
	s21 =	simm.s32 $0x5390  }
0x6: {  	s22 =	simm.s32 $0x3;
	s23 =	simm.s32 $0x40;
	s1 =	sand.u32 $0x1, s1  }
0x7: {  	s24 =	simm.s32 $0x4;
	s4 =	sshll.u32 s0, $0x8;
	s5 =	sshll.u32 s1, $0x7  }
0x8: {  	s25 =	simm.s32 $0x5;
	s26 =	simm.s32 $0x6;
	s4 =	sor.u32 s5, s4  }
0x9: {  	s28 =	simm.s32 $0x0;
	[smem:$0x7FF] =	sst s3;
	s7 =	smul.u32 $0x19, s4  }
0xa: {  	_ =	strace $0x8000004A;
	s1 =	ssub.s32 $0x2, s1;
	s5 =	sadd.s32 $0xF43200, s6  }
0xb: {  	s6 =	sadd.s32 $0xE00, s6;
	s8 =	sshrl.u32 s1, $0x1;
	s7 =	sadd.s32 s2, s7  }
0xc: {  	s1 =	ssub.s32 s1, s8;
	s9 =	sor.u32 $0x2, s4;
	s31 =	sadd.s32 $0x19, s7  }
0xd: {  	s10 =	sor.u32 $0x3, s4;
	s11 =	smax.u32 s1, $0x1;
	[dreg:$0x3] =	wrdreg s31  }
.LBB2_1:
0xe: {  	[tilespmem:s3], [sflag:$0x1] =	stream.linear.gather [hbm4b:s7+s3], $0xC8, $0x38;
	[tilespmem:$0x6590] =	vst v63  }
0xf: {  	_ =	swait.ge [sflag:s12], $0xC8  }
0x10: {  	[sflag:s12] =	ssyncset.done $0x0  }
0x11: {  	[sflag:s12] =	ssyncadd.s32 $0xFFFFFF38  }
0x12: {  	[tilespmem:s14], [sflag:$0x3] =	stream.indirect.gather [hbm4b:s5+s13], $0x40, s3, s13, $0xb8;
	[tilespmem:$0x6590] =	vst v63  }
0x13: {  	s0 =	simm.s32 $0x2190  }
0x14: {  	[tilespmem:s0], [sflag:$0x3] =	stream.indirect.gather [hbm4b:s5+s15], $0x40, s13, s15, $0xb8;
	[tilespmem:$0x6590] =	vst v63  }
0x15: {  	s29 =	simm.s32 $0x0;
	s31 =	rddreg [dreg:$0x3]  }
0x16: {  	[tilespmem:s17], [sflag:$0x2] =	stream.linear.gather [hbm4b:s31+s3], $0xC8, $0x38;
	[tilespmem:$0x6590] =	vst v63  }
.LBB2_2:
0x17: {  	p0 =	sne.s32 s29, $0x0  }
.Ltmp0:
0x18: {  	_ = 	snop;
	(pc) =	sbr.rel @!p0 .LBB2_3-.Ltmp0, $4  }
0x19: {  	_ = 	snop  }
0x1a: {  	_ =	swait.ge [sflag:s18], $0xC8  }
0x1b: {  	[sflag:s18] =	ssyncset.done $0x0  }
0x1c: {  	s30 =	sshll.u32 s29, $0x1;
	[sflag:s18] =	ssyncadd.s32 $0xFFFFFF38  }
0x1d: {  	_ =	swait.ge [sflag:s26], $0x3200;
	p0 =	seq.s32 s29, $0x3F  }
.Ltmp1:
0x1e: {  	[sflag:s26] =	ssyncset.done $0x0;
	(pc) =	sbr.rel @p0 .LBB2_6-.Ltmp1, $4  }
.Ltmp2:
0x1f: {  	[sflag:s26] =	ssyncadd.s32 $0xFFFFCE00;
	(pc) =	sbr.rel @!p0 .LBB2_5-.Ltmp2, $4  }
0x20: {  	[tilespmem:s19], [sflag:$0x4] =	stream.indirect.gather [hbm4b:s5+s13], $0x40, s17, s13, $0xb8;
	[tilespmem:$0x6590] =	vst v63  }
0x21: {  	_ = 	snop  }
0x22: {  	[tilespmem:s21], [sflag:$0x4] =	stream.indirect.gather [hbm4b:s5+s15], $0x40, s20, s15, $0xb8;
	[tilespmem:$0x6590] =	vst v63  }
0x23: {  	_ = 	snop  }
.LBB2_3:
0x24: {  	[tilespmem:s19], [sflag:$0x4] =	stream.indirect.gather [hbm4b:s5+s13], $0x40, s17, s13, $0xb8;
	[tilespmem:$0x6590] =	vst v63  }
0x25: {  	_ = 	snop  }
0x26: {  	[tilespmem:s21], [sflag:$0x4] =	stream.indirect.gather [hbm4b:s5+s15], $0x40, s20, s15, $0xb8;
	[tilespmem:$0x6590] =	vst v63  }
.LBB2_5:
0x27: {  	s1 =	sadd.s32 s30, s9  }
0x28: {  	s1 =	smul.u32 $0x19, s1;
	_ =	sdelay $0x1  }
0x29: {  	s1 =	sadd.s32 s2, s1  }
0x2a: {  	[tilespmem:s3], [sflag:$0x1] =	stream.linear.gather [hbm4b:s1+s3], $0xC8, $0x38;
	[tilespmem:$0x6590] =	vst v63  }
.LBB2_6:
0x2b: {  	_ =	swait.ge [sflag:s22], $0x2000  }
0x2c: {  	[sflag:s22] =	ssyncset.done $0x0  }
0x2d: {  	[sflag:s22] =	ssyncadd.s32 $0xFFFFE000  }
0x2e: {  	_ =	swait.ge [sflag:s22], $0x1200  }
0x2f: {  	[sflag:s22] =	ssyncset.done $0x0  }
0x30: {  	s31 =	simm.s32 $0x0;
	[sflag:s22] =	ssyncadd.s32 $0xFFFFEE00  }
0x31: {  	v0 =	vld [tilespmem:s31+$0x190]  }
0x32: {  	v1 =	vld [tilespmem:s31+$0x1A0]  }
0x33: {  	v2 =	vld [tilespmem:s31+$0x1B0]  }
0x34: {  	v3 =	vld [tilespmem:s31+$0x1C0]  }
0x35: {  	v4 =	vld [tilespmem:s31+$0x1D0]  }
0x36: {  	v5 =	vld [tilespmem:s31+$0x1E0];
	v0 =	vmul.f32 $8.000000000e+00, v0  }
0x37: {  	v6 =	vld [tilespmem:s31+$0x1F0];
	v1 =	vmul.f32 $8.000000000e+00, v1  }
0x38: {  	v2 =	vmul.f32 $8.000000000e+00, v2;
	[tilespmem:s31+$0x190] =	vst v0;
	v0 =	vld [tilespmem:s31+$0x200]  }
0x39: {  	v3 =	vmul.f32 $8.000000000e+00, v3;
	[tilespmem:s31+$0x1A0] =	vst v1;
	v1 =	vld [tilespmem:s31+$0x210]  }
0x3a: {  	v4 =	vmul.f32 $8.000000000e+00, v4;
	[tilespmem:s31+$0x1B0] =	vst v2;
	v2 =	vld [tilespmem:s31+$0x220]  }
0x3b: {  	v5 =	vmul.f32 $8.000000000e+00, v5;
	[tilespmem:s31+$0x1C0] =	vst v3;
	v3 =	vld [tilespmem:s31+$0x230]  }
0x3c: {  	v6 =	vmul.f32 $8.000000000e+00, v6;
	[tilespmem:s31+$0x1D0] =	vst v4;
	v4 =	vld [tilespmem:s31+$0x240]  }
0x3d: {  	[tilespmem:s31+$0x1E0] =	vst v5;
	v5 =	vld [tilespmem:s31+$0x250];
	v0 =	vmul.f32 $8.000000000e+00, v0  }
0x3e: {  	[tilespmem:s31+$0x1F0] =	vst v6;
	v6 =	vld [tilespmem:s31+$0x260];
	v1 =	vmul.f32 $8.000000000e+00, v1  }
0x3f: {  	v2 =	vmul.f32 $8.000000000e+00, v2;
	[tilespmem:s31+$0x200] =	vst v0;
	v0 =	vld [tilespmem:s31+$0x270]  }
0x40: {  	v3 =	vmul.f32 $8.000000000e+00, v3;
	[tilespmem:s31+$0x210] =	vst v1;
	v1 =	vld [tilespmem:s31+$0x280]  }
0x41: {  	v4 =	vmul.f32 $8.000000000e+00, v4;
	[tilespmem:s31+$0x220] =	vst v2;
	v2 =	vld [tilespmem:s31+$0x290]  }
0x42: {  	v5 =	vmul.f32 $8.000000000e+00, v5;
	[tilespmem:s31+$0x230] =	vst v3;
	v3 =	vld [tilespmem:s31+$0x2A0]  }
0x43: {  	v6 =	vmul.f32 $8.000000000e+00, v6;
	[tilespmem:s31+$0x240] =	vst v4;
	v4 =	vld [tilespmem:s31+$0x2B0]  }
0x44: {  	[tilespmem:s31+$0x250] =	vst v5;
	v5 =	vld [tilespmem:s31+$0x2C0];
	v0 =	vmul.f32 $8.000000000e+00, v0  }
0x45: {  	[tilespmem:s31+$0x260] =	vst v6;
	v6 =	vld [tilespmem:s31+$0x2D0]  }
0x46: {  	v1 =	vmul.f32 $8.000000000e+00, v1;
	[tilespmem:s31+$0x270] =	vst v0;
	v0 =	vld [tilespmem:s31+$0x2E0]  }
0x47: {  	v2 =	vmul.f32 $8.000000000e+00, v2  }
0x48: {  	[tilespmem:s31+$0x280] =	vst v1;
	v1 =	vmul.f32 $8.000000000e+00, v3;
	v3 =	vld [tilespmem:s31+$0x300]  }
0x49: {  	v7 =	vld [tilespmem:s31+$0x2F0];
	[tilespmem:s31+$0x290] =	vst v2;
	v2 =	vmul.f32 $8.000000000e+00, v4  }
0x4a: {  	v4 =	vld [tilespmem:s31+$0x310];
	[tilespmem:s31+$0x2A0] =	vst v1;
	v1 =	vmul.f32 $8.000000000e+00, v5  }
0x4b: {  	[tilespmem:s31+$0x2B0] =	vst v2;
	v5 =	vld [tilespmem:s31+$0x320];
	v2 =	vmul.f32 $8.000000000e+00, v6;
	v6 =	vmul.f32 $8.000000000e+00, v0  }
0x4c: {  	[tilespmem:s31+$0x2C0] =	vst v1;
	v1 =	vld [tilespmem:s31+$0x330]  }
0x4d: {  	v0 =	vld [tilespmem:s31+$0x340];
	[tilespmem:s31+$0x2E0] =	vst v6;
	v6 =	vmul.f32 $8.000000000e+00, v3  }
0x4e: {  	v7 =	vmul.f32 $8.000000000e+00, v7;
	[tilespmem:s31+$0x2D0] =	vst v2;
	v2 =	vld [tilespmem:s31+$0x350]  }
0x4f: {  	v3 =	vld [tilespmem:s31+$0x360];
	[tilespmem:s31+$0x300] =	vst v6;
	v6 =	vmul.f32 $8.000000000e+00, v4  }
0x50: {  	s1 =	simm.s32 $0x800;
	[tilespmem:s31+$0x2F0] =	vst v7;
	v5 =	vmul.f32 $8.000000000e+00, v5;
	v4 =	vld [tilespmem:s31+$0x370]  }
.LBB2_7:
0x51: {  	s0 =	sshra.s32 s1, $0x2;
	p0 =	sne.s32 s1, $0xC000;
	[tilespmem:s31+$0x310] =	vst v6;
	v1 =	vmul.f32 $8.000000000e+00, v1;
	v6 =	vld [tilespmem:s31+$0x380]  }
0x52: {  	v7 =	vld [tilespmem:s0+$0x190];
	[tilespmem:s31+$0x320] =	vst v5;
	v0 =	vmul.f32 $8.000000000e+00, v0  }
0x53: {  	v5 =	vld [tilespmem:s0+$0x1A0];
	[tilespmem:s31+$0x330] =	vst v1;
	v1 =	vmul.f32 $8.000000000e+00, v2  }
0x54: {  	v2 =	vld [tilespmem:s0+$0x1B0];
	[tilespmem:s31+$0x340] =	vst v0;
	v0 =	vmul.f32 $8.000000000e+00, v3  }
0x55: {  	v3 =	vld [tilespmem:s0+$0x1C0];
	[tilespmem:s31+$0x350] =	vst v1;
	v1 =	vmul.f32 $8.000000000e+00, v4  }
0x56: {  	v4 =	vld [tilespmem:s0+$0x1D0];
	[tilespmem:s31+$0x360] =	vst v0;
	v0 =	vmul.f32 $8.000000000e+00, v6  }
0x57: {  	v6 =	vmul.f32 $8.000000000e+00, v7;
	v7 =	vld [tilespmem:s0+$0x1E0];
	[tilespmem:s31+$0x370] =	vst v1  }
0x58: {  	v1 =	vmul.f32 $8.000000000e+00, v5;
	v5 =	vld [tilespmem:s0+$0x1F0];
	[tilespmem:s31+$0x380] =	vst v0;
	s31 =	smov.u32 s0  }
0x59: {  	[tilespmem:s31+$0x190] =	vst v6;
	v0 =	vmul.f32 $8.000000000e+00, v2;
	v2 =	vld [tilespmem:s31+$0x200]  }
0x5a: {  	[tilespmem:s31+$0x1A0] =	vst v1;
	v1 =	vmul.f32 $8.000000000e+00, v3;
	v3 =	vld [tilespmem:s31+$0x210]  }
0x5b: {  	[tilespmem:s31+$0x1B0] =	vst v0;
	v0 =	vmul.f32 $8.000000000e+00, v4;
	v4 =	vld [tilespmem:s31+$0x220]  }
0x5c: {  	[tilespmem:s31+$0x1C0] =	vst v1;
	v1 =	vmul.f32 $8.000000000e+00, v7;
	v6 =	vld [tilespmem:s31+$0x230]  }
0x5d: {  	[tilespmem:s31+$0x1D0] =	vst v0;
	v0 =	vmul.f32 $8.000000000e+00, v5;
	v5 =	vld [tilespmem:s31+$0x240]  }
0x5e: {  	[tilespmem:s31+$0x1E0] =	vst v1;
	v1 =	vmul.f32 $8.000000000e+00, v2;
	v2 =	vld [tilespmem:s31+$0x250]  }
0x5f: {  	[tilespmem:s31+$0x1F0] =	vst v0;
	v0 =	vmul.f32 $8.000000000e+00, v3;
	v3 =	vld [tilespmem:s31+$0x260]  }
0x60: {  	[tilespmem:s31+$0x200] =	vst v1;
	v1 =	vmul.f32 $8.000000000e+00, v4;
	v4 =	vld [tilespmem:s31+$0x270]  }
0x61: {  	[tilespmem:s31+$0x210] =	vst v0;
	v0 =	vmul.f32 $8.000000000e+00, v6;
	v6 =	vld [tilespmem:s31+$0x280]  }
0x62: {  	[tilespmem:s31+$0x220] =	vst v1;
	v1 =	vmul.f32 $8.000000000e+00, v5;
	v5 =	vld [tilespmem:s31+$0x290]  }
0x63: {  	[tilespmem:s31+$0x230] =	vst v0;
	v0 =	vmul.f32 $8.000000000e+00, v2;
	v2 =	vld [tilespmem:s31+$0x2A0]  }
0x64: {  	[tilespmem:s31+$0x240] =	vst v1;
	v1 =	vmul.f32 $8.000000000e+00, v3;
	v3 =	vld [tilespmem:s31+$0x2B0]  }
0x65: {  	[tilespmem:s31+$0x250] =	vst v0;
	v0 =	vmul.f32 $8.000000000e+00, v4;
	v4 =	vld [tilespmem:s31+$0x2C0]  }
0x66: {  	[tilespmem:s31+$0x260] =	vst v1;
	v1 =	vmul.f32 $8.000000000e+00, v6;
	v6 =	vld [tilespmem:s31+$0x2D0]  }
0x67: {  	[tilespmem:s31+$0x270] =	vst v0;
	v0 =	vmul.f32 $8.000000000e+00, v5;
	v5 =	vld [tilespmem:s31+$0x2E0]  }
0x68: {  	[tilespmem:s31+$0x280] =	vst v1;
	v1 =	vmul.f32 $8.000000000e+00, v2;
	v2 =	vld [tilespmem:s31+$0x2F0]  }
0x69: {  	[tilespmem:s31+$0x290] =	vst v0;
	v0 =	vmul.f32 $8.000000000e+00, v3;
	v3 =	vld [tilespmem:s31+$0x300]  }
0x6a: {  	[tilespmem:s31+$0x2A0] =	vst v1;
	v1 =	vmul.f32 $8.000000000e+00, v4;
	v4 =	vld [tilespmem:s31+$0x310]  }
0x6b: {  	[tilespmem:s31+$0x2B0] =	vst v0;
	v0 =	vmul.f32 $8.000000000e+00, v6;
	v7 =	vld [tilespmem:s31+$0x320]  }
.Ltmp3:
0x6c: {  	[tilespmem:s31+$0x2C0] =	vst v1;
	v5 =	vmul.f32 $8.000000000e+00, v5;
	v1 =	vld [tilespmem:s31+$0x330];
	(pc) =	sbr.rel @p0 .LBB2_7-.Ltmp3, $4  }
0x6d: {  	[tilespmem:s31+$0x2D0] =	vst v0;
	v6 =	vmul.f32 $8.000000000e+00, v2;
	v0 =	vld [tilespmem:s31+$0x340]  }
0x6e: {  	[tilespmem:s31+$0x2E0] =	vst v5;
	v5 =	vmul.f32 $8.000000000e+00, v3;
	v2 =	vld [tilespmem:s31+$0x350]  }
0x6f: {  	[tilespmem:s31+$0x2F0] =	vst v6;
	v6 =	vmul.f32 $8.000000000e+00, v4;
	v3 =	vld [tilespmem:s31+$0x360]  }
0x70: {  	s1 =	sadd.s32 $0x800, s1;
	[tilespmem:s31+$0x300] =	vst v5;
	v5 =	vmul.f32 $8.000000000e+00, v7;
	v4 =	vld [tilespmem:s31+$0x370]  }
0x71: {  	[tilespmem:s31+$0x310] =	vst v6;
	v1 =	vmul.f32 $8.000000000e+00, v1;
	v6 =	vld [tilespmem:s31+$0x380]  }
0x72: {  	[tilespmem:s31+$0x320] =	vst v5;
	v0 =	vmul.f32 $8.000000000e+00, v0  }
0x73: {  	[tilespmem:s31+$0x330] =	vst v1;
	v1 =	vmul.f32 $8.000000000e+00, v2  }
0x74: {  	[tilespmem:s31+$0x340] =	vst v0;
	v0 =	vmul.f32 $8.000000000e+00, v3  }
0x75: {  	s0 =	sadd.s32 s4, s30;
	[tilespmem:s31+$0x350] =	vst v1;
	v1 =	vmul.f32 $8.000000000e+00, v4  }
0x76: {  	s0 =	smul.u32 $0xC80, s0;
	[tilespmem:s31+$0x360] =	vst v0;
	v0 =	vmul.f32 $8.000000000e+00, v6  }
0x77: {  	[tilespmem:s31+$0x370] =	vst v1  }
0x78: {  	s0 =	sadd.s32 s6, s0;
	[tilespmem:s31+$0x380] =	vst v0;
	s31 =	sor.u32 $0x1, s30  }
0x79: {  	[hbm4b:s0+s23] =	stream.strided.scatter [tilespmem:s14], [sflag:$0x5], $0x3200, s13, s23, $0x38;
	[tilespmem:$0x6590] =	vst v63  }
0x7a: {  	p0 =	sgt.u32 s31, $0x7E  }
0x7b: {  	s0 =	simm.s32 @!p0 $0x1  }
0x7c: {  	_ =	swait.ge @!p0 [sflag:s0], $0xC8  }
0x7d: {  	[sflag:s0] =	ssyncset.done @!p0 $0x0  }
0x7e: {  	[sflag:s0] =	ssyncadd.s32 @!p0 $0xFFFFFF38;
	s0 =	simm.s32 @!p0 $0x5  }
0x7f: {  	_ =	swait.ge @!p0 [sflag:s0], $0x3200  }
0x80: {  	s1 =	simm.s32 @!p0 $0x0;
	[sflag:s0] =	ssyncset.done @!p0 $0x0  }
0x81: {  	s16 =	simm.s32 @!p0 $0x190;
	[sflag:s0] =	ssyncadd.s32 @!p0 $0xFFFFCE00;
	s0 =	simm.s32 @!p0 $0x80  }
0x82: {  	[tilespmem:s16], [sflag:$0x3] =	stream.indirect.gather @!p0 [hbm4b:s5+s0], $0x40, s1, s0, $0xb8;
	[tilespmem:$0x6590] =	vst v63  }
0x83: {  	s16 =	sadd.s32 @!p0 s30, s10  }
0x84: {  	s8 =	simm.s32 @!p0 $0x2190;
	s30 =	simm.s32 @!p0 $0x48;
	s16 =	smul.u32 @!p0 $0x19, s16  }
0x85: {  	[tilespmem:s8], [sflag:$0x3] =	stream.indirect.gather @!p0 [hbm4b:s5+s30], $0x40, s0, s30, $0xb8;
	[tilespmem:$0x6590] =	vst v63  }
0x86: {  	s8 =	simm.s32 @!p0 $0xC8;
	s0 =	sadd.s32 @!p0 s2, s16  }
0x87: {  	[tilespmem:s8], [sflag:$0x2] =	stream.linear.gather @!p0 [hbm4b:s0+s1], $0xC8, $0x38;
	[tilespmem:$0x6590] =	vst v63  }
0x88: {  	_ =	swait.ge [sflag:s24], $0x2000  }
0x89: {  	[sflag:s24] =	ssyncset.done $0x0  }
0x8a: {  	[sflag:s24] =	ssyncadd.s32 $0xFFFFE000  }
0x8b: {  	_ =	swait.ge [sflag:s24], $0x1200  }
0x8c: {  	[sflag:s24] =	ssyncset.done $0x0  }
0x8d: {  	s30 =	simm.s32 $0x0;
	[sflag:s24] =	ssyncadd.s32 $0xFFFFEE00  }
0x8e: {  	v0 =	vld [tilespmem:s30+$0x3390]  }
0x8f: {  	v1 =	vld [tilespmem:s30+$0x33A0]  }
0x90: {  	v2 =	vld [tilespmem:s30+$0x33B0]  }
0x91: {  	v3 =	vld [tilespmem:s30+$0x33C0]  }
0x92: {  	v4 =	vld [tilespmem:s30+$0x33D0]  }
0x93: {  	v5 =	vld [tilespmem:s30+$0x33E0];
	v0 =	vmul.f32 $8.000000000e+00, v0  }
0x94: {  	v6 =	vld [tilespmem:s30+$0x33F0];
	v1 =	vmul.f32 $8.000000000e+00, v1  }
0x95: {  	v2 =	vmul.f32 $8.000000000e+00, v2;
	[tilespmem:s30+$0x3390] =	vst v0;
	v0 =	vld [tilespmem:s30+$0x3400]  }
0x96: {  	v3 =	vmul.f32 $8.000000000e+00, v3;
	[tilespmem:s30+$0x33A0] =	vst v1;
	v1 =	vld [tilespmem:s30+$0x3410]  }
0x97: {  	v4 =	vmul.f32 $8.000000000e+00, v4;
	[tilespmem:s30+$0x33B0] =	vst v2;
	v2 =	vld [tilespmem:s30+$0x3420]  }
0x98: {  	v5 =	vmul.f32 $8.000000000e+00, v5;
	[tilespmem:s30+$0x33C0] =	vst v3;
	v3 =	vld [tilespmem:s30+$0x3430]  }
0x99: {  	v6 =	vmul.f32 $8.000000000e+00, v6;
	[tilespmem:s30+$0x33D0] =	vst v4;
	v4 =	vld [tilespmem:s30+$0x3440]  }
0x9a: {  	[tilespmem:s30+$0x33E0] =	vst v5;
	v5 =	vld [tilespmem:s30+$0x3450];
	v0 =	vmul.f32 $8.000000000e+00, v0  }
0x9b: {  	[tilespmem:s30+$0x33F0] =	vst v6;
	v6 =	vld [tilespmem:s30+$0x3460];
	v1 =	vmul.f32 $8.000000000e+00, v1  }
0x9c: {  	v2 =	vmul.f32 $8.000000000e+00, v2;
	[tilespmem:s30+$0x3400] =	vst v0;
	v0 =	vld [tilespmem:s30+$0x3470]  }
0x9d: {  	v3 =	vmul.f32 $8.000000000e+00, v3;
	[tilespmem:s30+$0x3410] =	vst v1;
	v1 =	vld [tilespmem:s30+$0x3480]  }
0x9e: {  	v4 =	vmul.f32 $8.000000000e+00, v4;
	[tilespmem:s30+$0x3420] =	vst v2;
	v2 =	vld [tilespmem:s30+$0x3490]  }
0x9f: {  	v5 =	vmul.f32 $8.000000000e+00, v5;
	[tilespmem:s30+$0x3430] =	vst v3;
	v3 =	vld [tilespmem:s30+$0x34A0]  }
0xa0: {  	v6 =	vmul.f32 $8.000000000e+00, v6;
	[tilespmem:s30+$0x3440] =	vst v4;
	v4 =	vld [tilespmem:s30+$0x34B0]  }
0xa1: {  	[tilespmem:s30+$0x3450] =	vst v5;
	v5 =	vld [tilespmem:s30+$0x34C0];
	v0 =	vmul.f32 $8.000000000e+00, v0  }
0xa2: {  	[tilespmem:s30+$0x3460] =	vst v6;
	v6 =	vld [tilespmem:s30+$0x34D0]  }
0xa3: {  	v1 =	vmul.f32 $8.000000000e+00, v1;
	[tilespmem:s30+$0x3470] =	vst v0;
	v0 =	vld [tilespmem:s30+$0x34E0]  }
0xa4: {  	v2 =	vmul.f32 $8.000000000e+00, v2  }
0xa5: {  	[tilespmem:s30+$0x3480] =	vst v1;
	v1 =	vmul.f32 $8.000000000e+00, v3;
	v3 =	vld [tilespmem:s30+$0x3500]  }
0xa6: {  	v7 =	vld [tilespmem:s30+$0x34F0];
	[tilespmem:s30+$0x3490] =	vst v2;
	v2 =	vmul.f32 $8.000000000e+00, v4  }
0xa7: {  	v4 =	vld [tilespmem:s30+$0x3510];
	[tilespmem:s30+$0x34A0] =	vst v1;
	v1 =	vmul.f32 $8.000000000e+00, v5  }
0xa8: {  	[tilespmem:s30+$0x34B0] =	vst v2;
	v5 =	vld [tilespmem:s30+$0x3520];
	v2 =	vmul.f32 $8.000000000e+00, v6;
	v6 =	vmul.f32 $8.000000000e+00, v0  }
0xa9: {  	[tilespmem:s30+$0x34C0] =	vst v1;
	v1 =	vld [tilespmem:s30+$0x3530]  }
0xaa: {  	v0 =	vld [tilespmem:s30+$0x3540];
	[tilespmem:s30+$0x34E0] =	vst v6;
	v6 =	vmul.f32 $8.000000000e+00, v3  }
0xab: {  	v7 =	vmul.f32 $8.000000000e+00, v7;
	[tilespmem:s30+$0x34D0] =	vst v2;
	v2 =	vld [tilespmem:s30+$0x3550]  }
0xac: {  	v3 =	vld [tilespmem:s30+$0x3560];
	[tilespmem:s30+$0x3500] =	vst v6;
	v6 =	vmul.f32 $8.000000000e+00, v4  }
0xad: {  	s1 =	simm.s32 $0x800;
	[tilespmem:s30+$0x34F0] =	vst v7;
	v5 =	vmul.f32 $8.000000000e+00, v5;
	v4 =	vld [tilespmem:s30+$0x3570]  }
.LBB2_9:
0xae: {  	s0 =	sshra.s32 s1, $0x2;
	p0 =	sne.s32 s1, $0xC000;
	[tilespmem:s30+$0x3510] =	vst v6;
	v1 =	vmul.f32 $8.000000000e+00, v1;
	v6 =	vld [tilespmem:s30+$0x3580]  }
0xaf: {  	v7 =	vld [tilespmem:s0+$0x3390];
	[tilespmem:s30+$0x3520] =	vst v5;
	v0 =	vmul.f32 $8.000000000e+00, v0  }
0xb0: {  	v5 =	vld [tilespmem:s0+$0x33A0];
	[tilespmem:s30+$0x3530] =	vst v1;
	v1 =	vmul.f32 $8.000000000e+00, v2  }
0xb1: {  	v2 =	vld [tilespmem:s0+$0x33B0];
	[tilespmem:s30+$0x3540] =	vst v0;
	v0 =	vmul.f32 $8.000000000e+00, v3  }
0xb2: {  	v3 =	vld [tilespmem:s0+$0x33C0];
	[tilespmem:s30+$0x3550] =	vst v1;
	v1 =	vmul.f32 $8.000000000e+00, v4  }
0xb3: {  	v4 =	vld [tilespmem:s0+$0x33D0];
	[tilespmem:s30+$0x3560] =	vst v0;
	v0 =	vmul.f32 $8.000000000e+00, v6  }
0xb4: {  	v6 =	vmul.f32 $8.000000000e+00, v7;
	v7 =	vld [tilespmem:s0+$0x33E0];
	[tilespmem:s30+$0x3570] =	vst v1  }
0xb5: {  	v1 =	vmul.f32 $8.000000000e+00, v5;
	v5 =	vld [tilespmem:s0+$0x33F0];
	[tilespmem:s30+$0x3580] =	vst v0;
	s30 =	smov.u32 s0  }
0xb6: {  	[tilespmem:s30+$0x3390] =	vst v6;
	v0 =	vmul.f32 $8.000000000e+00, v2;
	v2 =	vld [tilespmem:s30+$0x3400]  }
0xb7: {  	[tilespmem:s30+$0x33A0] =	vst v1;
	v1 =	vmul.f32 $8.000000000e+00, v3;
	v3 =	vld [tilespmem:s30+$0x3410]  }
0xb8: {  	[tilespmem:s30+$0x33B0] =	vst v0;
	v0 =	vmul.f32 $8.000000000e+00, v4;
	v4 =	vld [tilespmem:s30+$0x3420]  }
0xb9: {  	[tilespmem:s30+$0x33C0] =	vst v1;
	v1 =	vmul.f32 $8.000000000e+00, v7;
	v6 =	vld [tilespmem:s30+$0x3430]  }
0xba: {  	[tilespmem:s30+$0x33D0] =	vst v0;
	v0 =	vmul.f32 $8.000000000e+00, v5;
	v5 =	vld [tilespmem:s30+$0x3440]  }
0xbb: {  	[tilespmem:s30+$0x33E0] =	vst v1;
	v1 =	vmul.f32 $8.000000000e+00, v2;
	v2 =	vld [tilespmem:s30+$0x3450]  }
0xbc: {  	[tilespmem:s30+$0x33F0] =	vst v0;
	v0 =	vmul.f32 $8.000000000e+00, v3;
	v3 =	vld [tilespmem:s30+$0x3460]  }
0xbd: {  	[tilespmem:s30+$0x3400] =	vst v1;
	v1 =	vmul.f32 $8.000000000e+00, v4;
	v4 =	vld [tilespmem:s30+$0x3470]  }
0xbe: {  	[tilespmem:s30+$0x3410] =	vst v0;
	v0 =	vmul.f32 $8.000000000e+00, v6;
	v6 =	vld [tilespmem:s30+$0x3480]  }
0xbf: {  	[tilespmem:s30+$0x3420] =	vst v1;
	v1 =	vmul.f32 $8.000000000e+00, v5;
	v5 =	vld [tilespmem:s30+$0x3490]  }
0xc0: {  	[tilespmem:s30+$0x3430] =	vst v0;
	v0 =	vmul.f32 $8.000000000e+00, v2;
	v2 =	vld [tilespmem:s30+$0x34A0]  }
0xc1: {  	[tilespmem:s30+$0x3440] =	vst v1;
	v1 =	vmul.f32 $8.000000000e+00, v3;
	v3 =	vld [tilespmem:s30+$0x34B0]  }
0xc2: {  	[tilespmem:s30+$0x3450] =	vst v0;
	v0 =	vmul.f32 $8.000000000e+00, v4;
	v4 =	vld [tilespmem:s30+$0x34C0]  }
0xc3: {  	[tilespmem:s30+$0x3460] =	vst v1;
	v1 =	vmul.f32 $8.000000000e+00, v6;
	v6 =	vld [tilespmem:s30+$0x34D0]  }
0xc4: {  	[tilespmem:s30+$0x3470] =	vst v0;
	v0 =	vmul.f32 $8.000000000e+00, v5;
	v5 =	vld [tilespmem:s30+$0x34E0]  }
0xc5: {  	[tilespmem:s30+$0x3480] =	vst v1;
	v1 =	vmul.f32 $8.000000000e+00, v2;
	v2 =	vld [tilespmem:s30+$0x34F0]  }
0xc6: {  	[tilespmem:s30+$0x3490] =	vst v0;
	v0 =	vmul.f32 $8.000000000e+00, v3;
	v3 =	vld [tilespmem:s30+$0x3500]  }
0xc7: {  	[tilespmem:s30+$0x34A0] =	vst v1;
	v1 =	vmul.f32 $8.000000000e+00, v4;
	v4 =	vld [tilespmem:s30+$0x3510]  }
0xc8: {  	[tilespmem:s30+$0x34B0] =	vst v0;
	v0 =	vmul.f32 $8.000000000e+00, v6;
	v7 =	vld [tilespmem:s30+$0x3520]  }
.Ltmp4:
0xc9: {  	[tilespmem:s30+$0x34C0] =	vst v1;
	v5 =	vmul.f32 $8.000000000e+00, v5;
	v1 =	vld [tilespmem:s30+$0x3530];
	(pc) =	sbr.rel @p0 .LBB2_9-.Ltmp4, $4  }
0xca: {  	[tilespmem:s30+$0x34D0] =	vst v0;
	v6 =	vmul.f32 $8.000000000e+00, v2;
	v0 =	vld [tilespmem:s30+$0x3540]  }
0xcb: {  	[tilespmem:s30+$0x34E0] =	vst v5;
	v5 =	vmul.f32 $8.000000000e+00, v3;
	v2 =	vld [tilespmem:s30+$0x3550]  }
0xcc: {  	[tilespmem:s30+$0x34F0] =	vst v6;
	v6 =	vmul.f32 $8.000000000e+00, v4;
	v3 =	vld [tilespmem:s30+$0x3560]  }
0xcd: {  	s1 =	sadd.s32 $0x800, s1;
	[tilespmem:s30+$0x3500] =	vst v5;
	v5 =	vmul.f32 $8.000000000e+00, v7;
	v4 =	vld [tilespmem:s30+$0x3570]  }
0xce: {  	[tilespmem:s30+$0x3510] =	vst v6;
	v1 =	vmul.f32 $8.000000000e+00, v1;
	v59 =	vld [tilespmem:s30+$0x3580]  }
0xcf: {  	[tilespmem:s30+$0x3520] =	vst v5;
	v0 =	vmul.f32 $8.000000000e+00, v0  }
0xd0: {  	s29 =	sadd.s32 $0x1, s29;
	[tilespmem:s30+$0x3530] =	vst v1;
	v60 =	vmul.f32 $8.000000000e+00, v2  }
0xd1: {  	p0 =	sne.s32 s29, $0x40;
	[tilespmem:s30+$0x3540] =	vst v0;
	v61 =	vmul.f32 $8.000000000e+00, v3  }
.Ltmp5:
0xd2: {  	s0 =	sadd.s32 s4, s31;
	[tilespmem:s30+$0x3550] =	vst v60;
	v62 =	vmul.f32 $8.000000000e+00, v4;
	(pc) =	sbr.rel @p0 .LBB2_2-.Ltmp5, $4  }
0xd3: {  	s0 =	smul.u32 $0xC80, s0;
	[tilespmem:s30+$0x3560] =	vst v61;
	v63 =	vmul.f32 $8.000000000e+00, v59  }
0xd4: {  	[tilespmem:s30+$0x3570] =	vst v62  }
0xd5: {  	s0 =	sadd.s32 s6, s0;
	[tilespmem:s30+$0x3580] =	vst v63  }
0xd6: {  	[hbm4b:s0+s23] =	stream.strided.scatter [tilespmem:s19], [sflag:$0x6], $0x3200, s13, s23, $0x38;
	[tilespmem:$0x6590] =	vst v63  }
0xd7: {  	s28 =	sadd.s32 $0x1, s28  }
0xd8: {  	_ =	swait.ge [sflag:s25], $0x3200;
	p0 =	sne.s32 s28, s11  }
.Ltmp6:
0xd9: {  	[sflag:s25] =	ssyncset.done $0x0;
	(pc) =	sbr.rel @p0 .LBB2_1-.Ltmp6, $4  }
0xda: {  	[sflag:s25] =	ssyncadd.s32 $0xFFFFCE00  }
0xdb: {  	_ =	swait.ge [sflag:s26], $0x3200  }
0xdc: {  	[sflag:s26] =	ssyncset.done $0x0  }
0xdd: {  	[sflag:s26] =	ssyncadd.s32 $0xFFFFCE00  }
0xde: {  	_ =	sfence.sel $0x180000  }
0xdf: {  	[bflag:$0x0] =	sbarrier.arrive $0xFFFF  }
0xe0: {  	_ =	strace $0x9000004A  }
0xe1: {  	s0 =	stileid.u32;
	[bflag:$0x2] =	sbarrier.arrive $0xFFFF  }
0xe2: {  	p0 =	sne.s32 s0, $0x0;
	s0 =	rddreg [dreg:$0x2]  }
0xe3: {  	s0 =	sadd.s32 @!p0 $0x100000, s0  }
0xe4: {  	[sflag:s0] =	ssyncadd.tile.s32 @!p0 $0x1;
	_ =	shalt  }
.Lfunc_end2:
_tile_overlayer_lowered:
.L_overlay_start_2:
0xe5: {  	(tag) =	ssettag $0x2  }
0xe6: {  	s0 =	rddreg [dreg:$0x0];
	s2 =	stileid.u32  }
0xe7: {  	s1 =	rddreg [dreg:$0x1];
	p0 =	sne.s32 s2, $0x0  }
0xe8: {  	s3 =	rddreg [dreg:$0x2];
	[bflag:$0x3] =	sbarrier.arrive $0xFFFF;
	s2 =	simm.s32 @!p0 $0x1C07  }
0xe9: {  	[timem:s3], [sflag:s2] =	dma.local @!p0 [hbm:s0], s1  }
0xea: {  	s0 =	simm.s32 @!p0 $0x7  }
0xeb: {  	_ =	swait.ge @!p0 [sflag:s0], s1  }
0xec: {  	s1 =	ssub.s32 @!p0 $0x0, s1;
	[sflag:s0] =	ssyncset.done @!p0 $0x0  }
0xed: {  	[sflag:s0] =	ssyncadd.s32 @!p0 s1  }
0xee: {  	[bflag:$0x3] =	sbarrier.arrive $0xFFFF  }
0xef: {  	_ =	shalt  }

// kernel: sparse-core-data-format-call.1.cloned.1.call-start
scs
called_computation.1_lowered:
.L_overlay_start_0:
0x0: {  	s2 =	sld [smem:$0x3FD9]  }
0x1: {  	s3 =	sld [smem:$0x3FFE];
	_ =	sdelay $0x1  }
0x2: {  	s1 =	srdreg.scid  }
0x3: {  	s0 =	sand.u32 $0x1, s1  }
0x4: {  	s18 =	sshll.u32 s0, $0xA;
	s2 =	sadd.s32 s3, s2  }
0x5: {  	s2 =	sadd.s32 s2, s18  }
0x6: {  	[smem:$0x3FC6] =	sst s2  }
0x7: {  	_ = 	snop  }
0x8: {  	s2 =	sld [smem:$0x3FC8];
	(tm) =	ssettm $0x1  }
0x9: {  	s19 =	sld [smem:$0x3FFB];
	_ =	sdelay $0x3  }
0xa: {  	_ =	strace s19  }
0xb: {  	s3 =	sld [smem:$0x3FFC];
	_ =	sdelay $0x3  }
0xc: {  	_ =	strace s3  }
0xd: {  	s3 =	sld [smem:$0x3FFD];
	_ =	sdelay $0x3  }
0xe: {  	_ =	strace s3  }
0xf: {  	_ =	strace $0x8FFFFFFF  }
0x10: {  	s20 =	sld [smem:$0x3FDB];
	_ =	sdelay $0x1  }
0x11: {  	s4 =	simm.s32 $_scs_section_size  }
0x12: {  	s5 =	simm.s32 $_size__tile_overlayer_lowered;
	s6 =	simm.s32 $_tile_overlayer_lowered  }
0x13: {  	s23 =	simm.s32 $0x1BFF;
	s22 =	sshll.u32 s6, $0x1;
	s3 =	sadd.s32 s4, s20  }
0x14: {  	s7 =	simm.s32 $0x0;
	s21 =	sshll.u32 s5, $0x1;
	s5 =	sadd.s32 s22, s3  }
0x15: {  	[timem:s7], [sflag:s23] =	dma.local [hbm:s5], s21  }
0x16: {  	_ =	swait.ge [sflag:s23], s21  }
0x17: {  	s4 =	ssub.s32 $0x0, s21;
	[sflag:s23] =	ssyncset.done $0x0  }
0x18: {  	[sflag:s23] =	ssyncadd.s32 s4;
	_ =	sdelay $0x1  }
0x19: {  	s24 =	simm.s32 $0x1B8B  }
0x1a: {  	_ =	swait.ge [sflag:s24], $0x1  }
0x1b: {  	[sflag:s24] =	ssyncset.done $0x0  }
0x1c: {  	s26 =	simm.s32 $0x1B8E;
	s25 =	sld [smem:$0x3FFE];
	[sflag:s24] =	ssyncadd.s32 $0xFFFFFFFF  }
0x1d: {  	s27 =	simm.s32 $execute0_lowered;
	[smem:$0x3FD2] =	sst s26  }
0x1e: {  	s5 =	sshll.u32 s27, $0x1;
	_ =	strace $0x80000046;
	[dreg:$0x1] =	wrdreg $0xFFFFFFFF  }
0x1f: {  	s28 =	simm.s32 $_size_execute0_lowered;
	s3 =	sadd.s32 s3, s5;
	[dreg:$0x0] =	wrdreg $0x0  }
0x20: {  	s5 =	sshll.u32 s28, $0x1;
	[dreg:$0x2] =	wrdreg s3  }
0x21: {  	[dreg:$0x3] =	wrdreg s5  }
0x22: {  	[dreg:$0x4] =	wrdreg $0xC0  }
0x23: {  	_ =	task [dreg:s7], $0x5FFFF  }
0x24: {  	[dreg:$0x1] =	wrdreg $0xFFFFFFFF  }
0x25: {  	[dreg:$0x0] =	wrdreg $0x60  }
0x26: {  	[dreg:$0x2] =	wrdreg s2  }
0x27: {  	[dreg:$0x3] =	wrdreg s25  }
0x28: {  	[dreg:$0x4] =	wrdreg $0x9  }
0x29: {  	_ =	task.clear_ibuf [dreg:s7], $0x5FFFF;
	_ =	strace $0x90000046  }
0x2a: {  	s29 =	simm.s32 $0x9;
	_ =	strace $0x80000048  }
0x2b: {  	_ =	swait.ge [sflag:s29], $0x1  }
0x2c: {  	[sflag:s29] =	ssyncadd.s32 $0xFFFFFFFF  }
0x2d: {  	_ =	strace $0x90000048  }
0x2e: {  	_ =	sfence  }
0x2f: {  	s30 =	sld [smem:$0x0];
	_ =	sdelay $0x2  }
0x30: {  	s31 =	sshll.u32 s1, $0xD;
	s1 =	sshrl.u32 s1, $0x2  }
0x31: {  	s3 =	sand.u32 $0x4000, s31;
	s1 =	sadd.s32 s1, s30  }
0x32: {  	s0 =	sor.u32 s3, s0;
	s1 =	sshll.u32 s1, $0x11  }
0x33: {  	s0 =	sor.u32 s1, s0  }
0x34: {  	s0 =	sadd.s32 $0x8F2B, s0  }
0x35: {  	[sflag:s0] =	ssyncadd.remote.s32 $0x1  }
0x36: {  	_ =	sfence.sel $0xFFFF  }
0x37: {  	[dreg:$0x0] =	wrdreg $0xFFFFFFFF;
	(pc) =	sbr.abs _section_cstart, $3  }
0x38: {  	[dreg:$0x1] =	wrdreg $0xFFFFFFFF  }
0x39: {  	_ =	task.clear_ibuf [dreg:s7], $0x2FFFF;
	_ =	strace $0x9FFFFFFF  }
0x3a: {  	(tm) =	ssettm $0x7FFFFFFF  }
0x3b: {  	_ =	shalt  }
tec
execute0_lowered:
.L_overlay_start_1:
0x0: {  	(tag) =	ssettag $0x1  }
0x1: {  	s0 =	srdreg.scid;
	s2 =	rddreg [dreg:$0x0]  }
0x2: {  	s5 =	rddreg [dreg:$0x1];
	s1 =	stileid.u32  }
0x3: {  	s4 =	simm.s32 $0x1;
	s6 =	simm.s32 $0x2;
	s15 =	simm.s32 $0x0  }
0x4: {  	p0 =	por $0x0, $0x0;
	s8 =	simm.s32 $0x80;
	s0 =	sshll.u32 s0, $0x4  }
0x5: {  	s14 =	simm.s32 $0x0;
	s9 =	simm.s32 $0x0;
	s3 =	sand.u32 $0x10, s0  }
.Ltmp0:
0x6: {  	s10 =	simm.s32 $0x0;
	s3 =	sor.u32 s1, s3;
	(pc) =	sbr.rel .LBB1_1-.Ltmp0, $4  }
0x7: {  	s0 =	rddreg [dreg:$0x2];
	_ =	strace $0x80000047;
	s3 =	sshll.u32 s3, $0x7  }
0x8: {  	s12 =	simm.s32 $0x0;
	[sflag:s4] =	ssyncpa.u1 $0x0;
	s7 =	ssub.s32 $0xF4200, s3  }
0x9: {  	s13 =	simm.s32 $0x0;
	[sflag:s6] =	ssyncpa.u1 $0x0;
	s6 =	sshrl.u32 s7, $0xC  }
0xa: {  	s5 =	sadd.s32 $0xE00, s5;
	s11 =	smov.u32 s3;
	s7 =	sadd.s32 $0x2, s6  }
.LBB1_5:
0xb: {  	p1 =	slt.u32 s13, $0x2  }
0xc: {  	s17 =	smov.u32 s15;
	p2 =	sgt.s32 @!p1 s15, $0xF41C0;
	s16 =	sshra.s32 @!p1 s15, $0x1F  }
0xd: {  	p3 =	sgt.s32 @!p1 s14, $0x40;
	s18 =	sshra.s32 @!p1 s14, $0x1F;
	p2 =	por !p2, p1  }
0xe: {  	s15 =	sand.u32 @!p1 s16, s15;
	p3 =	por !p3, p1;
	s16 =	smov.u32 s14  }
0xf: {  	s14 =	sand.u32 @!p1 s18, s14;
	s17 =	simm.s32 @p2 $0xF41C0;
	s16 =	simm.s32 @p3 $0x40  }
0x10: {  	s15 =	ssub.s32 @!p1 s17, s15;
	s14 =	ssub.s32 @!p1 s16, s14  }
0x11: {  	s18 =	smov.u32 s12;
	s16 =	sadd.s32 @!p1 $0xFFF0BE40, s15;
	s17 =	sadd.s32 @!p1 $0xFFFFFFC0, s14  }
0x12: {  	s15 =	ssub.s32 @!p1 $0xF4240, s15;
	p2 =	sgt.s32 @!p1 s16, $0x7F;
	p3 =	sgt.s32 @!p1 s17, $0x3F  }
0x13: {  	s14 =	ssub.s32 @!p1 $0x80, s14;
	p2 =	por !p2, p1;
	p3 =	por !p3, p1  }
0x14: {  	s16 =	sadd.s32 $0x1000, s11;
	s15 =	simm.s32 @!p2 $0x0;
	s14 =	simm.s32 @!p3 $0x0  }
0x15: {  	p2 =	sgt.s32 s16, $0xF423F;
	s14 =	smul.u32 @!p1 s14, s15;
	s15 =	sadd.s32 $0x40, s12  }
0x16: {  	s18 =	smov.u32 @p2 s15  }
0x17: {  	s16 =	smov.u32 @p2 s3;
	p2 =	sgt.s32 s18, $0x3F  }
0x18: {  	s18 =	simm.s32 @p2 $0x0;
	p2 =	sne.s32 s13, s7  }
.Ltmp1:
0x19: {  	p0 =	por !p0, !p0;
	s17 =	simm.s32 @!p1 $0x2;
	(pc) =	sbr.rel @!p2 .LBB1_6-.Ltmp1, $4  }
0x1a: {  	s15 =	smov.u32 s9;
	s9 =	smov.u32 s11;
	s14 =	sand.u32 @!p1 $0x3FFFFFFF, s14  }
0x1b: {  	s11 =	smov.u32 s16;
	_ =	swait.ge @!p1 [sflag:s17], s14;
	s19 =	ssub.s32 @!p1 $0x0, s14  }
0x1c: {  	s14 =	smov.u32 s10;
	s13 =	sadd.s32 $0x1, s13;
	[sflag:s17] =	ssyncset.done @!p1 $0x0  }
0x1d: {  	s10 =	smov.u32 s12;
	s12 =	smov.u32 s18;
	[sflag:s17] =	ssyncadd.s32 @!p1 s19  }
.LBB1_1:
0x1e: {  	p1 =	sgt.u32 s13, s6  }
0x1f: {  	s16 =	sshrl.u32 @!p1 s12, $0x3  }
0x20: {  	s17 =	sshll.u32 @!p1 s11, $0x3;
	s16 =	smul.u32 @!p1 $0x7A1400, s16  }
0x21: {  	s18 =	sshll.u32 @!p1 s12, $0x7;
	s17 =	sand.u32 @!p1 $0xFFFFFC00, s17  }
0x22: {  	s16 =	sadd.s32 @!p1 s16, s17;
	s17 =	sand.u32 @!p1 $0x380, s18  }
0x23: {  	s18 =	sand.u32 @!p1 $0x7F, s11;
	s16 =	sor.u32 @!p1 s17, s16  }
0x24: {  	s17 =	sor.u32 @!p1 s18, s16  }
0x25: {  	s18 =	smulhi.u32 @!p1 $0x218D6287, s17;
	_ =	sdelay $0x1  }
0x26: {  	s16 =	smulhi.u32 @!p1 $0x218D6287, s16;
	s18 =	sshrl.u32 @!p1 s18, $0x11  }
0x27: {  	s18 =	smul.u32 @!p1 $0xF4280, s18  }
0x28: {  	s19 =	sxor.u32 @!p1 $0xFFFFFFFF, s13;
	s16 =	sshrl.u32 @!p1 s16, $0x11  }
0x29: {  	s19 =	sshll.u32 @!p1 s19, $0xD;
	s16 =	sand.u32 @!p1 $0x3F, s16;
	s17 =	ssub.s32 @!p1 s17, s18  }
0x2a: {  	s16 =	smul.u32 @!p1 $0x1E850, s16;
	s18 =	sshrl.u32 @!p1 s17, $0x3;
	s17 =	sand.u32 @!p1 $0x7, s17  }
0x2b: {  	s19 =	sand.u32 @!p1 $0x2000, s19;
	s18 =	sadd.s32 @!p1 s2, s18;
	s17 =	sshll.u32 @!p1 s17, $0x12  }
0x2c: {  	s16 =	sadd.s32 @!p1 s16, s18;
	s17 =	sor.u32 @!p1 $0x400, s17;
	s18 =	simm.s32 @!p1 $0x7A1400  }
0x2d: {  	[tilespmem:s19], [sflag:$0x1] =	stream.strided.gather @!p1 [hbm4b:s16+s17], $0x2000, s18, s17, $0x38;
	[tilespmem:$0x8100] =	vst v63  }
0x2e: {  	p1 =	seq.s32 s13, $0x0  }
0x2f: {  	p2 =	sge.u32 @!p1 s13, s7  }
0x30: {  	p1 =	por p1, p2  }
.Ltmp2:
0x31: {  	_ = 	snop;
	(pc) =	sbr.rel @p1 .LBB1_5-.Ltmp2, $1  }
0x32: {  	_ =	sdelay $0x3  }
0x33: {  	s16 =	simm.s32 $0x1  }
0x34: {  	_ =	swait.ge [sflag:s4], $0x2000;
	s16 =	simm.s32 @!p0 $0x0  }
0x35: {  	[sflag:s4] =	ssyncset.done $0x0;
	s17 =	sshll.u32 s16, $0xD  }
0x36: {  	[sflag:s4] =	ssyncadd.s32 $0xFFFFE000;
	s17 =	sor.u32 $0x40, s17  }
0x37: {  	s16 =	smul.u32 $0x8200, s16;
	v0 =	vld [tilespmem:s17+$0x30]  }
0x38: {  	v1 =	vld [tilespmem:s17+$0xFFFFFFD0]  }
0x39: {  	s16 =	sshrl.u32 s16, $0x2;
	v5 =	vld [tilespmem:s17+$0xFFFFFFE0]  }
0x3a: {  	v6 =	vld [tilespmem:s17+$0xFFFFFFF0];
	s19 =	sor.u32 $0x4000, s16  }
0x3b: {  	s31 =	sand.u32 $0x1, s13;
	v4 =	vld [tilespmem:s17+$0x0];
	s18 =	sadd.s32 $0x0, s19  }
0x3c: {  	v3 =	vld [tilespmem:s17+$0x10];
	s16 =	smul.u32 $0x8200, s31;
	[tilespmem:s18+$0x1C70 ss:$0x41] =	vst.msk $0xffff, v0  }
0x3d: {  	v2 =	vld [tilespmem:s17+$0x20];
	[tilespmem:s18+$0x410 ss:$0x41] =	vst.msk $0xffff, v1  }
0x3e: {  	s16 =	sshrl.u32 s16, $0x2;
	v1 =	vld [tilespmem:s17+$0xFFFFFFC0];
	[tilespmem:s18+$0x820 ss:$0x41] =	vst.msk $0xffff, v5;
	s17 =	sadd.s32 $0x80, s17  }
0x3f: {  	s20 =	simm.s32 $0x4;
	s21 =	simm.s32 $0x8;
	s16 =	sor.u32 $0x4000, s16;
	[tilespmem:s18+$0xC30 ss:$0x41] =	vst.msk $0xffff, v6;
	v0 =	vld [tilespmem:s17+$0x30]  }
.LBB1_3:
0x40: {  	p1 =	sne.s32 s21, $0xFC;
	v5 =	vld [tilespmem:s17+$0xFFFFFFD0];
	[tilespmem:s18+$0x1040 ss:$0x41] =	vst.msk $0xffff, v4  }
0x41: {  	v6 =	vld [tilespmem:s17+$0xFFFFFFE0];
	[tilespmem:s18+$0x1450 ss:$0x41] =	vst.msk $0xffff, v3  }
0x42: {  	s22 =	sshra.s32 s20, $0x2;
	s20 =	smov.u32 s21;
	v7 =	vld [tilespmem:s17+$0xFFFFFFF0];
	[tilespmem:s18+$0x1860 ss:$0x41] =	vst.msk $0xffff, v2  }
.Ltmp3:
0x43: {  	v4 =	vld [tilespmem:s17+$0x0];
	[tilespmem:s18+$0x0 ss:$0x41] =	vst.msk $0xffff, v1;
	s18 =	sadd.s32 s22, s19;
	(pc) =	sbr.rel @p1 .LBB1_3-.Ltmp3, $4  }
0x44: {  	v3 =	vld [tilespmem:s17+$0x10];
	[tilespmem:s18+$0x1C70 ss:$0x41] =	vst.msk $0xffff, v0  }
0x45: {  	[tilespmem:s18+$0x410 ss:$0x41] =	vst.msk $0xffff, v5;
	v2 =	vld [tilespmem:s17+$0x20]  }
0x46: {  	v1 =	vld [tilespmem:s17+$0xFFFFFFC0];
	[tilespmem:s18+$0x820 ss:$0x41] =	vst.msk $0xffff, v6;
	s17 =	sadd.s32 $0x80, s17  }
0x47: {  	s21 =	sadd.s32 $0x4, s21;
	v0 =	vld [tilespmem:s17+$0x30];
	[tilespmem:s18+$0xC30 ss:$0x41] =	vst.msk $0xffff, v7  }
0x48: {  	s21 =	sshll.u32 s9, $0x7;
	s22 =	sshll.u32 s10, $0x3;
	s20 =	sshra.s32 s20, $0x2  }
0x49: {  	p1 =	sgt.s32 s9, $0xF41C0;
	s30 =	sshra.s32 s9, $0x1F;
	s25 =	sshra.s32 s10, $0x1F  }
0x4a: {  	v5 =	vld [tilespmem:s17+$0xFFFFFFD0];
	s28 =	sshrl.u32 s10, $0x3;
	s23 =	sand.u32 $0xFFFFFC00, s21;
	s22 =	sand.u32 $0xFFFFFC00, s22  }
0x4b: {  	[tilespmem:s18+$0x1040 ss:$0x41] =	vst.msk $0xffff, v4;
	v58 =	vld [tilespmem:s17+$0xFFFFFFE0];
	s21 =	sand.u32 $0x380, s21;
	s19 =	sadd.s32 s20, s19;
	s22 =	sadd.s32 s22, s23  }
0x4c: {  	v59 =	vld [tilespmem:s17+$0xFFFFFFF0];
	[tilespmem:s18+$0x1450 ss:$0x41] =	vst.msk $0xffff, v3;
	s29 =	sor.u32 s21, s22;
	s21 =	smov.u32 s9;
	s22 =	sand.u32 s30, s9  }
0x4d: {  	v60 =	vld [tilespmem:s17+$0x0];
	[tilespmem:s18+$0x1860 ss:$0x41] =	vst.msk $0xffff, v2;
	s30 =	sand.u32 $0x7, s10;
	s20 =	sshrl.u32 s29, $0x7;
	s21 =	simm.s32 @!p1 $0xF41C0  }
0x4e: {  	v61 =	vld [tilespmem:s17+$0x10];
	[tilespmem:s18+$0x0 ss:$0x41] =	vst.msk $0xffff, v1;
	p1 =	sgt.s32 s10, $0x40;
	s24 =	ssub.s32 s21, s22;
	s21 =	smov.u32 s10  }
0x4f: {  	v62 =	vld [tilespmem:s17+$0x20];
	[tilespmem:s19+$0x1C70 ss:$0x41] =	vst.msk $0xffff, v0;
	s31 =	smulhi.u32 $0x218DEF5, s20;
	s22 =	sand.u32 s25, s10;
	s21 =	simm.s32 @!p1 $0x40  }
0x50: {  	v63 =	vld [tilespmem:s17+$0xFFFFFFC0];
	[tilespmem:s19+$0x410 ss:$0x41] =	vst.msk $0xffff, v5;
	s26 =	sadd.s32 $0xFFF0BE40, s24;
	s17 =	ssub.s32 $0xF4240, s24;
	s21 =	ssub.s32 s21, s22  }
0x51: {  	[tilespmem:s19+$0x820 ss:$0x41] =	vst.msk $0xffff, v58;
	s23 =	sshrl.u32 s31, $0xD;
	p1 =	sgt.s32 s26, $0x7F;
	s27 =	sadd.s32 $0xFFFFFFC0, s21  }
0x52: {  	[tilespmem:s19+$0xC30 ss:$0x41] =	vst.msk $0xffff, v59;
	s23 =	smul.u32 $0xF4240, s23;
	s18 =	ssub.s32 $0x80, s21;
	p2 =	sgt.s32 s27, $0x3F  }
.Ltmp4:
0x53: {  	[tilespmem:s19+$0x1040 ss:$0x41] =	vst.msk $0xffff, v60;
	s17 =	simm.s32 @p1 $0x0;
	s18 =	simm.s32 @p2 $0x0;
	(pc) =	sbr.rel .LBB1_5-.Ltmp4, $4  }
0x54: {  	s29 =	sand.u32 $0xF, s28;
	[tilespmem:s19+$0x1450 ss:$0x41] =	vst.msk $0xffff, v61;
	s20 =	ssub.s32 s20, s23;
	s17 =	smul.u32 s18, s17  }
0x55: {  	[tilespmem:s19+$0x1860 ss:$0x41] =	vst.msk $0xffff, v62;
	s21 =	sshll.u32 s30, $0x12;
	s20 =	sshll.u32 s20, $0x4;
	s18 =	sadd.s32 s5, s29  }
0x56: {  	[tilespmem:s19+$0x0 ss:$0x41] =	vst.msk $0xffff, v63;
	s31 =	sor.u32 $0x40, s21;
	s18 =	sadd.s32 s20, s18;
	s17 =	sand.u32 $0x3FFFFFFF, s17  }
0x57: {  	[hbm4b:s18+s31] =	stream.strided.scatter [tilespmem:s16], [sflag:$0x2], s17, s8, s31, $0x18;
	[tilespmem:$0x8100] =	vst v63  }
.LBB1_6:
0x58: {  	_ =	sfence.sel $0x180000  }
0x59: {  	s2 =	simm.s32 $0x1;
	[bflag:$0x0] =	sbarrier.arrive $0xFFFF  }
0x5a: {  	s31 =	simm.s32 $0x2;
	[sflag:s2] =	ssyncpa.u1 $0x1  }
0x5b: {  	[sflag:s31] =	ssyncpa.u1 $0x1  }
0x5c: {  	p0 =	sne.s32 s1, $0x0;
	_ =	strace $0x90000047  }
0x5d: {  	s0 =	sadd.s32 @!p0 $0x100000, s0;
	[bflag:$0x2] =	sbarrier.arrive $0xFFFF  }
0x5e: {  	[sflag:s0] =	ssyncadd.tile.s32 @!p0 $0x1;
	_ =	shalt  }
.Lfunc_end1:
_tile_overlayer_lowered:
.L_overlay_start_2:
0x5f: {  	(tag) =	ssettag $0x2  }
0x60: {  	s0 =	rddreg [dreg:$0x0];
	s2 =	stileid.u32  }
0x61: {  	s1 =	rddreg [dreg:$0x1];
	p0 =	sne.s32 s2, $0x0  }
0x62: {  	s3 =	rddreg [dreg:$0x2];
	[bflag:$0x3] =	sbarrier.arrive $0xFFFF;
	s2 =	simm.s32 @!p0 $0x1C01  }
0x63: {  	[timem:s3], [sflag:s2] =	dma.local @!p0 [hbm:s0], s1  }
0x64: {  	s0 =	simm.s32 @!p0 $0x1  }
0x65: {  	_ =	swait.ge @!p0 [sflag:s0], s1  }
0x66: {  	s1 =	ssub.s32 @!p0 $0x0, s1;
	[sflag:s0] =	ssyncset.done @!p0 $0x0  }
0x67: {  	[sflag:s0] =	ssyncadd.s32 @!p0 s1  }
0x68: {  	[bflag:$0x3] =	sbarrier.arrive $0xFFFF  }
0x69: {  	_ =	shalt  }

// kernel: sparse-core-data-format-call.cloned.1.call-start
scs
called_computation_lowered:
.L_overlay_start_0:
0x0: {  	s2 =	sld [smem:$0x3FD9]  }
0x1: {  	s3 =	sld [smem:$0x3FFE];
	_ =	sdelay $0x1  }
0x2: {  	s1 =	srdreg.scid  }
0x3: {  	s0 =	sand.u32 $0x1, s1  }
0x4: {  	s18 =	sshll.u32 s0, $0xA;
	s2 =	sadd.s32 s3, s2  }
0x5: {  	s2 =	sadd.s32 s2, s18  }
0x6: {  	[smem:$0x3FC6] =	sst s2  }
0x7: {  	_ = 	snop  }
0x8: {  	s2 =	sld [smem:$0x3FD0];
	(tm) =	ssettm $0x1  }
0x9: {  	s19 =	sld [smem:$0x3FFB];
	_ =	sdelay $0x3  }
0xa: {  	_ =	strace s19  }
0xb: {  	s3 =	sld [smem:$0x3FFC];
	_ =	sdelay $0x3  }
0xc: {  	_ =	strace s3  }
0xd: {  	s3 =	sld [smem:$0x3FFD];
	_ =	sdelay $0x3  }
0xe: {  	_ =	strace s3  }
0xf: {  	_ =	strace $0x8FFFFFFF  }
0x10: {  	s20 =	sld [smem:$0x3FDB];
	_ =	sdelay $0x1  }
0x11: {  	s4 =	simm.s32 $_scs_section_size  }
0x12: {  	s5 =	simm.s32 $_size__tile_overlayer_lowered;
	s6 =	simm.s32 $_tile_overlayer_lowered  }
0x13: {  	s23 =	simm.s32 $0x1BFF;
	s22 =	sshll.u32 s6, $0x1;
	s3 =	sadd.s32 s4, s20  }
0x14: {  	s7 =	simm.s32 $0x0;
	s21 =	sshll.u32 s5, $0x1;
	s5 =	sadd.s32 s22, s3  }
0x15: {  	[timem:s7], [sflag:s23] =	dma.local [hbm:s5], s21  }
0x16: {  	_ =	swait.ge [sflag:s23], s21  }
0x17: {  	s4 =	ssub.s32 $0x0, s21;
	[sflag:s23] =	ssyncset.done $0x0  }
0x18: {  	[sflag:s23] =	ssyncadd.s32 s4;
	_ =	sdelay $0x1  }
0x19: {  	s24 =	simm.s32 $0x1B8B  }
0x1a: {  	_ =	swait.ge [sflag:s24], $0x1  }
0x1b: {  	[sflag:s24] =	ssyncset.done $0x0  }
0x1c: {  	s26 =	simm.s32 $0x1B8E;
	s25 =	sld [smem:$0x3FFE];
	[sflag:s24] =	ssyncadd.s32 $0xFFFFFFFF  }
0x1d: {  	s27 =	simm.s32 $execute0_lowered;
	[smem:$0x3FD2] =	sst s26  }
0x1e: {  	s5 =	sshll.u32 s27, $0x1;
	_ =	strace $0x8000004C;
	[dreg:$0x1] =	wrdreg $0xFFFFFFFF  }
0x1f: {  	s28 =	simm.s32 $_size_execute0_lowered;
	s3 =	sadd.s32 s3, s5;
	[dreg:$0x0] =	wrdreg $0x0  }
0x20: {  	s5 =	sshll.u32 s28, $0x1;
	[dreg:$0x2] =	wrdreg s3  }
0x21: {  	[dreg:$0x3] =	wrdreg s5  }
0x22: {  	[dreg:$0x4] =	wrdreg $0xC0  }
0x23: {  	_ =	task [dreg:s7], $0x5FFFF  }
0x24: {  	[dreg:$0x1] =	wrdreg $0xFFFFFFFF  }
0x25: {  	[dreg:$0x0] =	wrdreg $0x60  }
0x26: {  	[dreg:$0x2] =	wrdreg s25  }
0x27: {  	[dreg:$0x3] =	wrdreg s2  }
0x28: {  	[dreg:$0x4] =	wrdreg $0x9  }
0x29: {  	_ =	task.clear_ibuf [dreg:s7], $0x5FFFF;
	_ =	strace $0x9000004C  }
0x2a: {  	s29 =	simm.s32 $0x9;
	_ =	strace $0x8000004E  }
0x2b: {  	_ =	swait.ge [sflag:s29], $0x1  }
0x2c: {  	[sflag:s29] =	ssyncadd.s32 $0xFFFFFFFF  }
0x2d: {  	_ =	strace $0x9000004E  }
0x2e: {  	_ =	sfence  }
0x2f: {  	s30 =	sld [smem:$0x0];
	_ =	sdelay $0x2  }
0x30: {  	s31 =	sshll.u32 s1, $0xD;
	s1 =	sshrl.u32 s1, $0x2  }
0x31: {  	s3 =	sand.u32 $0x4000, s31;
	s1 =	sadd.s32 s1, s30  }
0x32: {  	s0 =	sor.u32 s3, s0;
	s1 =	sshll.u32 s1, $0x11  }
0x33: {  	s0 =	sor.u32 s1, s0  }
0x34: {  	s0 =	sadd.s32 $0x8F2B, s0  }
0x35: {  	[sflag:s0] =	ssyncadd.remote.s32 $0x1  }
0x36: {  	_ =	sfence.sel $0xFFFF  }
0x37: {  	[dreg:$0x0] =	wrdreg $0xFFFFFFFF;
	(pc) =	sbr.abs _section_cstart, $3  }
0x38: {  	[dreg:$0x1] =	wrdreg $0xFFFFFFFF  }
0x39: {  	_ =	task.clear_ibuf [dreg:s7], $0x2FFFF;
	_ =	strace $0x9FFFFFFF  }
0x3a: {  	(tm) =	ssettm $0x7FFFFFFF  }
0x3b: {  	_ =	shalt  }
tec
execute0_lowered:
.L_overlay_start_1:
0x0: {  	(tag) =	ssettag $0x1  }
0x1: {  	s0 =	srdreg.scid  }
0x2: {  	s1 =	sshll.u32 s0, $0x4  }
0x3: {  	s0 =	stileid.u32;
	s1 =	sand.u32 $0x10, s1  }
0x4: {  	s1 =	sor.u32 s0, s1  }
0x5: {  	s6 =	rddreg [dreg:$0x0];
	s4 =	simm.s32 $0x1;
	s2 =	sshll.u32 s1, $0x7  }
0x6: {  	s7 =	simm.s32 $0x2;
	s12 =	simm.s32 $0x0;
	s1 =	ssub.s32 $0x1000, s2  }
0x7: {  	s8 =	simm.s32 $0x8000;
	s13 =	simm.s32 $0x0;
	s3 =	sand.u32 $0xF80, s1  }
0x8: {  	s9 =	simm.s32 $0x0;
	s5 =	sshrl.u32 s1, $0xC;
	p0 =	sne.s32 s3, $0x0  }
.Ltmp0:
0x9: {  	s1 =	rddreg [dreg:$0x2];
	s4 =	simm.s32 @!p0 $0x0;
	(pc) =	sbr.rel .LBB1_1-.Ltmp0, $4  }
0xa: {  	s11 =	simm.s32 $0x0;
	s3 =	rddreg [dreg:$0x1];
	s5 =	sadd.s32 s4, s5  }
0xb: {  	_ =	strace $0x8000004D;
	s4 =	simm.s32 $0x1;
	s5 =	smul.u32 $0xC8, s5  }
0xc: {  	s6 =	sadd.s32 $0xE00, s6;
	s10 =	smov.u32 s2;
	[sflag:s4] =	ssyncpa.u1 $0x0  }
0xd: {  	p0 =	por $0x0, $0x0;
	[sflag:s7] =	ssyncpa.u1 $0x0;
	s7 =	sor.u32 $0x1, s5  }
.LBB1_4:
0xe: {  	s16 =	sshll.u32 s13, $0x3;
	s17 =	sand.u32 $0x78, s13  }
0xf: {  	s30 =	sand.u32 $0x7E00, s13;
	s12 =	sshll.u32 s12, $0xF;
	s16 =	sand.u32 $0xC00, s16  }
0x10: {  	[tilespmem:s15+$0x810 ss:$0x81] =	vst.msk $0xffff, v2;
	s31 =	sand.u32 $0x7, s13;
	s16 =	sor.u32 s17, s16;
	s17 =	sadd.s32 s3, s30  }
0x11: {  	[tilespmem:s15+$0x1020 ss:$0x81] =	vst.msk $0xffff, v0;
	s13 =	sshll.u32 s31, $0x12;
	s12 =	sadd.s32 s12, s17;
	s16 =	sshrl.u32 s16, $0x3  }
0x12: {  	[tilespmem:s15+$0x0 ss:$0x81] =	vst.msk $0xffff, v1;
	s13 =	sor.u32 $0x400, s13;
	s12 =	sadd.s32 s16, s12  }
0x13: {  	[hbm4b:s12+s13] =	stream.strided.scatter [tilespmem:s14], [sflag:$0x2], $0x2000, s8, s13, $0x20;
	[tilespmem:$0x8080] =	vst v63  }
.LBB1_5:
0x14: {  	s14 =	sadd.s32 $0x1, s9  }
0x15: {  	s12 =	sadd.s32 $0x1000, s10;
	s16 =	smov.u32 s10;
	p2 =	sgt.s32 s14, $0xC7  }
0x16: {  	s16 =	smov.u32 @p2 s12  }
0x17: {  	s14 =	simm.s32 @p2 $0x0;
	p2 =	sgt.s32 s16, $0xFFF  }
0x18: {  	s16 =	smov.u32 @p2 s2;
	p2 =	sne.s32 s11, s7  }
.Ltmp1:
0x19: {  	p1 =	slt.u32 s11, $0x2;
	(pc) =	sbr.rel @!p2 .LBB1_6-.Ltmp1, $4  }
0x1a: {  	s15 =	simm.s32 @!p1 $0x2  }
0x1b: {  	s13 =	smov.u32 s10;
	p0 =	por !p0, !p0;
	_ =	swait.ge @!p1 [sflag:s15], $0x2000  }
0x1c: {  	s12 =	smov.u32 s9;
	[sflag:s15] =	ssyncset.done @!p1 $0x0;
	s9 =	smov.u32 s14  }
0x1d: {  	s11 =	sadd.s32 $0x1, s11;
	[sflag:s15] =	ssyncadd.s32 @!p1 $0xFFFFE000;
	s10 =	smov.u32 s16  }
.LBB1_1:
0x1e: {  	p1 =	sge.u32 s11, s5  }
0x1f: {  	s14 =	sand.u32 @!p1 $0x1FFFFFF, s9  }
0x20: {  	s15 =	smulhi.u32 @!p1 $0x147AE15, s14;
	_ =	sdelay $0x1  }
0x21: {  	s15 =	smul.u32 @!p1 $0xC8, s15  }
0x22: {  	s16 =	sxor.u32 @!p1 $0xFFFFFFFF, s11;
	s17 =	smul.u32 @!p1 $0xC80, s10  }
0x23: {  	s31 =	sadd.s32 $0xFFFFFFFF, s11;
	s16 =	sshll.u32 @!p1 s16, $0xD;
	s14 =	ssub.s32 @!p1 s14, s15  }
0x24: {  	s15 =	sand.u32 @!p1 $0x2000, s16;
	s16 =	sadd.s32 @!p1 s6, s17;
	s14 =	sshll.u32 @!p1 s14, $0x4  }
0x25: {  	s17 =	simm.s32 @!p1 $0x6400;
	s14 =	sadd.s32 @!p1 s14, s16;
	s16 =	simm.s32 @!p1 $0x40  }
0x26: {  	[tilespmem:s15], [sflag:$0x1] =	stream.strided.gather @!p1 [hbm4b:s14+s16], $0x2000, s17, s16, $0x38;
	[tilespmem:$0x8080] =	vst v63  }
0x27: {  	p1 =	sge.u32 s31, s5  }
.Ltmp2:
0x28: {  	_ = 	snop;
	(pc) =	sbr.rel @p1 .LBB1_5-.Ltmp2, $1  }
0x29: {  	_ =	sdelay $0x3  }
0x2a: {  	s14 =	simm.s32 $0x1  }
0x2b: {  	_ =	swait.ge [sflag:s4], $0x2000;
	s14 =	simm.s32 @!p0 $0x0  }
0x2c: {  	[sflag:s4] =	ssyncset.done $0x0;
	s15 =	sshll.u32 s14, $0xD  }
0x2d: {  	[sflag:s4] =	ssyncadd.s32 $0xFFFFE000;
	s18 =	sor.u32 $0x20, s15  }
0x2e: {  	s14 =	smul.u32 $0x8100, s14;
	v3 =	vld [tilespmem:s18+$0x10]  }
0x2f: {  	s30 =	sand.u32 $0x1, s11;
	v2 =	vld [tilespmem:s18+$0xFFFFFFF0]  }
0x30: {  	s15 =	smul.u32 $0x8100, s30;
	s14 =	sshrl.u32 s14, $0x2;
	v0 =	vld [tilespmem:s18+$0x0]  }
0x31: {  	v1 =	vld [tilespmem:s18+$0xFFFFFFE0];
	s16 =	sor.u32 $0x4000, s14  }
0x32: {  	s31 =	sshrl.u32 s15, $0x2;
	s15 =	sadd.s32 $0x0, s16  }
0x33: {  	s17 =	simm.s32 $0x4;
	s18 =	sadd.s32 $0x40, s18;
	s14 =	sor.u32 $0x4000, s31;
	[tilespmem:s15+$0x1830 ss:$0x81] =	vst.msk $0xffff, v3  }
.LBB1_3:
0x34: {  	v3 =	vld [tilespmem:s18+$0x10];
	p1 =	sne.s32 s17, $0x1FC;
	[tilespmem:s15+$0x810 ss:$0x81] =	vst.msk $0xffff, v2;
	s19 =	smov.u32 s17;
	s17 =	sadd.s32 $0x4, s17  }
.Ltmp3:
0x35: {  	v2 =	vld [tilespmem:s18+$0xFFFFFFF0];
	[tilespmem:s15+$0x1020 ss:$0x81] =	vst.msk $0xffff, v0;
	(pc) =	sbr.rel @p1 .LBB1_3-.Ltmp3, $4  }
0x36: {  	v0 =	vld [tilespmem:s18+$0x0];
	[tilespmem:s15+$0x0 ss:$0x81] =	vst.msk $0xffff, v1  }
0x37: {  	s15 =	sshra.s32 s19, $0x2;
	v1 =	vld [tilespmem:s18+$0xFFFFFFE0]  }
0x38: {  	s15 =	sadd.s32 s15, s16  }
0x39: {  	s18 =	sadd.s32 $0x40, s18;
	[tilespmem:s15+$0x1830 ss:$0x81] =	vst.msk $0xffff, v3  }
.Ltmp4:
0x3a: {  	_ = 	snop;
	(pc) =	sbr.rel .LBB1_4-.Ltmp4, $1  }
0x3b: {  	_ =	sdelay $0x3  }
.LBB1_6:
0x3c: {  	_ =	sfence.sel $0x180000  }
0x3d: {  	s2 =	simm.s32 $0x1;
	[bflag:$0x0] =	sbarrier.arrive $0xFFFF  }
0x3e: {  	s31 =	simm.s32 $0x2;
	[sflag:s2] =	ssyncpa.u1 $0x1  }
0x3f: {  	[sflag:s31] =	ssyncpa.u1 $0x1  }
0x40: {  	p0 =	sne.s32 s0, $0x0;
	_ =	strace $0x9000004D  }
0x41: {  	s0 =	sadd.s32 @!p0 $0x100000, s1;
	[bflag:$0x2] =	sbarrier.arrive $0xFFFF  }
0x42: {  	[sflag:s0] =	ssyncadd.tile.s32 @!p0 $0x1;
	_ =	shalt  }
.Lfunc_end1:
_tile_overlayer_lowered:
.L_overlay_start_2:
0x43: {  	(tag) =	ssettag $0x2  }
0x44: {  	s0 =	rddreg [dreg:$0x0];
	s2 =	stileid.u32  }
0x45: {  	s1 =	rddreg [dreg:$0x1];
	p0 =	sne.s32 s2, $0x0  }
0x46: {  	s3 =	rddreg [dreg:$0x2];
	[bflag:$0x3] =	sbarrier.arrive $0xFFFF;
	s2 =	simm.s32 @!p0 $0x1C01  }
0x47: {  	[timem:s3], [sflag:s2] =	dma.local @!p0 [hbm:s0], s1  }
0x48: {  	s0 =	simm.s32 @!p0 $0x1  }
0x49: {  	_ =	swait.ge @!p0 [sflag:s0], s1  }
0x4a: {  	s1 =	ssub.s32 @!p0 $0x0, s1;
	[sflag:s0] =	ssyncset.done @!p0 $0x0  }
0x4b: {  	[sflag:s0] =	ssyncadd.s32 @!p0 s1  }
0x4c: {  	[bflag:$0x3] =	sbarrier.arrive $0xFFFF  }
0x4d: {  	_ =	shalt  }

</sc_bundles>
